<compile_context>
chip_gen: v7x
topology: tpu7x:2x2x1
jax: 0.10.2.dev20260603
libtpu: 0.0.44.dev20260713+nightly
codegen_flags: <defaults>
</compile_context>

<pallas_src>
import functools

import jax
import jax.numpy as jnp
from jax import lax
from jax.experimental import pallas as pl
from jax.experimental.pallas import tpu as pltpu
from jax.experimental.pallas import tpu_sc as plsc

N = 16384
K = 50
KPAD = 64
NUM_BINS = 5
MAX_DIST = 10.0
GAMMA = 0.5

NC = 2
NS = 16
NW = NC * NS
QPW = N // NW
NCHUNK = N // 16
NSUB = 4096
BUFCAP = 4096
STGQ = 32


def _knn_sc_body(x_h, y_h, z_h, nbr_out, d2_out,
                 x_v, y_v, z_v, bufb, bufi, hist2, tot_v, bitsc,
                 outb, outi, stg_i, stg_d):
    lane = lax.iota(jnp.int32, 16)
    lane256 = lane * 256
    zeros16 = jnp.zeros((16,), jnp.int32)
    ones16 = jnp.ones((16,), jnp.int32)
    negones16 = -ones16
    inf_bits = jnp.full((16,), 0x7F800000, jnp.int32)
    nhist = 256

    def histidx(key):
        return lane256 + key

    def scan_first_bin(need, nbins=256):
        def g(gi, carry):
            cum, nb_v = carry
            acc = zeros16
            for l in range(16):
                acc = acc + hist2[pl.ds(l * nbins + gi * 16, 16)]
            tot_v[pl.ds(gi * 16, 16)] = acc
            cs = plsc.cumsum(acc) + cum
            nb_v = nb_v + plsc.all_reduce_population_count(cs < need)
            return jnp.max(cs), nb_v

        _, nb_v = lax.fori_loop(0, nbins // 16, g, (jnp.int32(0), zeros16))
        return jnp.max(nb_v)

    def count_below(b, nbins=256):
        def g(gi, cb_v):
            v = tot_v[pl.ds(gi * 16, 16)]
            return cb_v + jnp.where(gi * 16 + lane < b, v, 0)

        return jnp.sum(lax.fori_loop(0, nbins // 16, g, zeros16))

    wid = lax.axis_index("s") * NC + lax.axis_index("c")
    pltpu.sync_copy(x_h, x_v)
    pltpu.sync_copy(y_h, y_v)
    pltpu.sync_copy(z_h, z_v)

    @plsc.parallel_loop(0, nhist, unroll=4)
    def _clr(i):
        hist2[pl.ds(i * 16, 16)] = zeros16

    def per_query(qi, _):
        q = wid * QPW + qi
        qsplat = jnp.full((16,), q)
        qx = plsc.load_gather(x_v, [qsplat])
        qy = plsc.load_gather(y_v, [qsplat])
        qz = plsc.load_gather(z_v, [qsplat])

        def dist2(base):
            dx = x_v[pl.ds(base, 16)] - qx
            dy = y_v[pl.ds(base, 16)] - qy
            dz = z_v[pl.ds(base, 16)] - qz
            d2 = dx * dx + dy * dy + dz * dz
            return lax.bitcast_convert_type(d2, jnp.int32)

        @plsc.parallel_loop(0, NSUB // 16, unroll=8)
        def _sub_hist(c):
            bits = dist2(c * 16)
            bitsc[pl.ds(c * 16, 16)] = bits
            key = lax.shift_right_logical(bits, 23)
            plsc.addupdate_scatter(hist2, [histidx(key)], ones16)
        b1s = scan_first_bin(K + 1)
        hi = lax.shift_left(jnp.minimum(b1s + 1, 255), 23)
        hi_splat = jnp.full((16,), hi)

        @plsc.parallel_loop(0, nhist, unroll=8)
        def _clr_q(i):
            hist2[pl.ds(i * 16, 16)] = zeros16

        def collect(bits, base, cnt_v):
            idxv = base + lane
            keep = (bits < hi_splat) & (idxv != qsplat)
            pos = cnt_v + plsc.cumsum(jnp.where(keep, 1, 0)) - 1
            okm = keep & (pos < BUFCAP)
            plsc.store_scatter(bufb, [pos], bits, mask=okm)
            plsc.store_scatter(bufi, [pos], idxv, mask=okm)
            return cnt_v + plsc.all_reduce_population_count(keep)

        @plsc.parallel_loop(0, NSUB // 16, unroll=4, carry=zeros16)
        def sweep_a(c, cnt_v):
            base = c * 16
            return collect(bitsc[pl.ds(base, 16)], base, cnt_v)

        @plsc.parallel_loop(NSUB // 16, NCHUNK, unroll=4, carry=sweep_a)
        def mainsweep(c, cnt_v):
            base = c * 16
            return collect(dist2(base), base, cnt_v)

        m_tot = jnp.max(mainsweep)
        nch = lax.shift_right_logical(m_tot + 15, 4)

        lo = jnp.int32(0)
        cb = jnp.int32(0)
        for shift, nb in ((23, 256), (15, 256), (7, 256)):
            need = K - cb
            lo_s = jnp.full((16,), lo)
            hi_s = jnp.full((16,), hi)

            def lvl(c, delta, lo_s=lo_s, hi_s=hi_s, shift=shift, nb=nb):
                b = bufb[pl.ds(c * 16, 16)]
                valid = (c * 16 + lane) < m_tot
                inr = (b >= lo_s) & (b < hi_s) & valid
                key = jnp.bitwise_and(lax.shift_right_logical(b, shift),
                                      nb - 1)
                plsc.addupdate_scatter(hist2, [lane * nb + key], delta,
                                       mask=inr)

            plsc.parallel_loop(0, nch, unroll=4)(
                functools.partial(lvl, delta=ones16))
            b2 = scan_first_bin(need, nbins=nb)
            cb2 = count_below(b2, nbins=nb)
            plsc.parallel_loop(0, nch, unroll=4)(
                functools.partial(lvl, delta=negones16))
            lo = lo + lax.shift_left(b2, shift)
            hi = lo + lax.shift_left(jnp.int32(1), shift)
            cb = cb + cb2

        for j in range(KPAD // 16):
            outb[pl.ds(j * 16, 16)] = inf_bits
            outi[pl.ds(j * 16, 16)] = zeros16

        lo_s = jnp.full((16,), lo)
        hi_s = jnp.full((16,), hi)

        @plsc.parallel_loop(0, nch, unroll=2, carry=(zeros16, zeros16))
        def coll(c, carry):
            cs_v, cm_v = carry
            b = bufb[pl.ds(c * 16, 16)]
            ix = bufi[pl.ds(c * 16, 16)]
            valid = (c * 16 + lane) < m_tot
            sure = (b < lo_s) & valid
            mid = (b >= lo_s) & (b < hi_s) & valid
            psure = cs_v + plsc.cumsum(jnp.where(sure, 1, 0)) - 1
            pmid = cb + cm_v + plsc.cumsum(jnp.where(mid, 1, 0)) - 1
            okm = mid & (pmid < K)
            plsc.store_scatter(outb, [psure], b, mask=sure)
            plsc.store_scatter(outi, [psure], ix, mask=sure)
            plsc.store_scatter(outb, [pmid], b, mask=okm)
            plsc.store_scatter(outi, [pmid], ix, mask=okm)
            return (cs_v + plsc.all_reduce_population_count(sure),
                    cm_v + plsc.all_reduce_population_count(mid))

        def minmax(ak, av, bk, bv):
            c = ak <= bk
            return (jnp.where(c, ak, bk), jnp.where(c, av, bv),
                    jnp.where(c, bk, ak), jnp.where(c, bv, av))

        def merge16(ak, av, bk, bv):
            rk = lax.rev(bk, (0,))
            rv = lax.rev(bv, (0,))
            lk, lv, hk, hv = minmax(ak, av, rk, rv)
            lk, lv = plsc.sort_key_val(lk, lv)
            hk, hv = plsc.sort_key_val(hk, hv)
            return lk, lv, hk, hv

        sk, sv = [], []
        for j in range(4):
            kj, vj = plsc.sort_key_val(outb[pl.ds(j * 16, 16)],
                                       outi[pl.ds(j * 16, 16)])
            sk.append(kj)
            sv.append(vj)
        a0k, a0v, a1k, a1v = merge16(sk[0], sv[0], sk[1], sv[1])
        b0k, b0v, b1k, b1v = merge16(sk[2], sv[2], sk[3], sv[3])
        rb0k, rb0v = lax.rev(b1k, (0,)), lax.rev(b1v, (0,))
        rb1k, rb1v = lax.rev(b0k, (0,)), lax.rev(b0v, (0,))
        l0k, l0v, h0k, h0v = minmax(a0k, a0v, rb0k, rb0v)
        l1k, l1v, h1k, h1v = minmax(a1k, a1v, rb1k, rb1v)
        p0k, p0v, p1k, p1v = minmax(l0k, l0v, l1k, l1v)
        q0k, q0v, q1k, q1v = minmax(h0k, h0v, h1k, h1v)
        f0k, f0v = plsc.sort_key_val(p0k, p0v)
        f1k, f1v = plsc.sort_key_val(p1k, p1v)
        f2k, f2v = plsc.sort_key_val(q0k, q0v)
        f3k, f3v = plsc.sort_key_val(q1k, q1v)

        sbase = jnp.bitwise_and(qi, STGQ - 1) * K
        for j, (fk, fv) in enumerate(((f0k, f0v), (f1k, f1v),
                                      (f2k, f2v))):
            spos = sbase + j * 16 + lane
            plsc.store_scatter(stg_i, [spos], fv)
            plsc.store_scatter(stg_d, [spos],
                               lax.bitcast_convert_type(fk, jnp.float32))
        tail = lane < 2
        tpos = sbase + 48 + lane
        plsc.store_scatter(stg_i, [tpos], f3v, mask=tail)
        plsc.store_scatter(stg_d, [tpos],
                           lax.bitcast_convert_type(f3k, jnp.float32),
                           mask=tail)

        @pl.when(jnp.bitwise_and(qi, STGQ - 1) == STGQ - 1)
        def _flush():
            hbase = pl.multiple_of((q - (STGQ - 1)) * K, STGQ * K)
            pltpu.sync_copy(stg_i, nbr_out.at[pl.ds(hbase, STGQ * K)])
            pltpu.sync_copy(stg_d, d2_out.at[pl.ds(hbase, STGQ * K)])

        return 0

    lax.fori_loop(0, QPW, per_query, 0)


@functools.partial(
    pl.kernel,
    out_type=(jax.ShapeDtypeStruct((N * K,), jnp.int32),
              jax.ShapeDtypeStruct((N * K,), jnp.float32)),
    mesh=plsc.VectorSubcoreMesh(core_axis_name="c", subcore_axis_name="s"),
    compiler_params=pltpu.CompilerParams(needs_layout_passes=False),
    scratch_types=[
        pltpu.VMEM((N,), jnp.float32),
        pltpu.VMEM((N,), jnp.float32),
        pltpu.VMEM((N,), jnp.float32),
        pltpu.VMEM((BUFCAP,), jnp.int32),
        pltpu.VMEM((BUFCAP,), jnp.int32),
        pltpu.VMEM((8192,), jnp.int32),
        pltpu.VMEM((512,), jnp.int32),
        pltpu.VMEM((NSUB,), jnp.int32),
        pltpu.VMEM((KPAD,), jnp.int32),
        pltpu.VMEM((KPAD,), jnp.int32),
        pltpu.VMEM((STGQ * K,), jnp.int32),
        pltpu.VMEM((STGQ * K,), jnp.float32),
    ],
)
def _knn_sc(x_h, y_h, z_h, nbr_out, d2_out, *rest):
    _knn_sc_body(x_h, y_h, z_h, nbr_out, d2_out, *rest)


_RDF_BLK = 8192


def _rdf_kernel(d2_ref, out_ref):
    r = jnp.sqrt(d2_ref[...])
    mus = [MAX_DIST * i / (NUM_BINS - 1) for i in range(NUM_BINS)]
    rows = [jnp.exp(-GAMMA * (r - m) ** 2)[None, :] for m in mus]
    out_ref[...] = jnp.concatenate(rows, axis=0)


def _rdf5(d2):
    e = d2.shape[0]
    nblk = e // _RDF_BLK
    return pl.pallas_call(
        _rdf_kernel,
        grid=(2 * nblk,),
        in_specs=[pl.BlockSpec((_RDF_BLK,), lambda i: (i % nblk,))],
        out_specs=pl.BlockSpec((NUM_BINS, _RDF_BLK), lambda i: (0, i)),
        out_shape=jax.ShapeDtypeStruct((NUM_BINS, 2 * e), jnp.float32),
    )(d2)


_EI_ROWS = N * K // 128
_EI_RB = 400


def _edge_kernel(src_ref, out_ref):
    j = pl.program_id(0)
    s = src_ref[...]
    r_io = lax.broadcasted_iota(jnp.int32, (_EI_RB, 128), 0)
    c_io = lax.broadcasted_iota(jnp.int32, (_EI_RB, 128), 1)
    e = (j * _EI_RB + r_io) * 128 + c_io
    d = e // K
    out_ref[0, 0] = s
    out_ref[0, 1] = d
    out_ref[1, 0] = d
    out_ref[1, 1] = s


def _edge_index(src):
    out = pl.pallas_call(
        _edge_kernel,
        grid=(_EI_ROWS // _EI_RB,),
        in_specs=[pl.BlockSpec((_EI_RB, 128), lambda j: (j, 0))],
        out_specs=pl.BlockSpec((2, 2, _EI_RB, 128), lambda j: (0, 0, j, 0)),
        out_shape=jax.ShapeDtypeStruct((2, 2, _EI_ROWS, 128), jnp.int32),
    )(src.reshape(_EI_ROWS, 128))
    return out.reshape(2, 2 * N * K)


def kernel(pos):
    nbr50, d2_50 = _knn_sc(pos[:, 0], pos[:, 1], pos[:, 2])
    rdf = _rdf5(d2_50).T
    edge_index = _edge_index(nbr50)
    return edge_index, rdf

# --- scband reference (transcript-rebuilt; emitter-appended) ---
"""Pipeline reference for scband-positions-to-graph-transform-11768210391286 (READ-ONLY COPY).

The authoritative reference and input builder live on the scoring server;
editing this copy changes nothing except your own understanding.
"""

import jax, jax.numpy as jnp
import numpy as np

N = 16384
K = 50
NUM_BINS = 5
MAX_DIST = 10.0
GAMMA = 0.5
CHUNK = 1024


def setup_inputs(seed: int = 0) -> dict:
    key = jax.random.key(seed)
    pos = jax.random.normal(key, (N, 3), dtype=jnp.float32) * 3.0
    return {"pos": pos}


def _knn_indices(pos, k):
    # brute-force kNN (equivalent to torch_geometric.nn.knn_graph, loop=False)
    n = pos.shape[0]
    num_chunks = n // CHUNK
    pos_c = pos.reshape(num_chunks, CHUNK, pos.shape[1])
    row_ids = jnp.arange(n, dtype=jnp.int32).reshape(num_chunks, CHUNK)

    def body(args):
        q, rid = args  # q: [CHUNK, 3], rid: [CHUNK]
        d2 = jnp.sum((q[:, None, :] - pos[None, :, :]) ** 2, axis=-1)  # [CHUNK, N]
        # exclude self-loops
        d2 = d2.at[jnp.arange(CHUNK), rid].set(jnp.inf)
        _, idx = jax.lax.top_k(-d2, k)
        return idx

    idx = jax.lax.map(body, (pos_c, row_ids))
    return idx.reshape(n, k)


def reference(pos):
    # PositionsToGraphTransform: KNNGraph(k=50, force_undirected) -> Distance(norm=False) -> DistanceRDF(num_bins=5)
    n = pos.shape[0]
    nbr = _knn_indices(pos, K)  # [N, K] neighbor indices
    dst = jnp.repeat(jnp.arange(n, dtype=jnp.int32), K)  # center nodes (targets)
    src = nbr.reshape(-1).astype(jnp.int32)              # neighbor nodes (sources)
    # force_undirected: add reversed edges. PyG's to_undirected also dedups mutual
    # neighbor pairs (variable size); we keep fixed-shape 2*N*K edges with duplicates.
    row = jnp.concatenate([src, dst])
    col = jnp.concatenate([dst, src])
    edge_index = jnp.stack([row, col])  # [2, 2*N*K]
    # Distance(norm=False): edge_attr = ||pos[row] - pos[col]||, shape [E, 1]
    diff = pos[row] - pos[col]
    r = jnp.sqrt(jnp.sum(diff * diff, axis=-1, keepdims=True))
    # DistanceRDF: e_k(r) = exp(-gamma * (r - mu_k)^2)
    mu = jnp.linspace(0.0, MAX_DIST, NUM_BINS, dtype=jnp.float32)
    rdf = jnp.exp(-GAMMA * (r - mu) ** 2)  # [E, NUM_BINS]
    return edge_index, rdf

if __name__ == "__main__":
    import jax
    _d = setup_inputs()
    print(jax.jit(kernel)(*tuple(_d.values())))

</pallas_src>

<mosaic_0001>
#map = affine_map<(d0, d1) -> (0)>
module attributes {stable_mosaic.version = 14 : i64} {
  func.func @_knn_sc(%arg0: i32, %arg1: i32, %arg2: memref<16384xf32, #tpu.memory_space<hbm>>, %arg3: memref<16384xf32, #tpu.memory_space<hbm>>, %arg4: memref<16384xf32, #tpu.memory_space<hbm>>, %arg5: memref<819200xi32, #tpu.memory_space<hbm>>, %arg6: memref<819200xf32, #tpu.memory_space<hbm>>, %arg7: memref<16384xf32, #tpu.memory_space<vmem>>, %arg8: memref<16384xf32, #tpu.memory_space<vmem>>, %arg9: memref<16384xf32, #tpu.memory_space<vmem>>, %arg10: memref<4096xi32, #tpu.memory_space<vmem>>, %arg11: memref<4096xi32, #tpu.memory_space<vmem>>, %arg12: memref<8192xi32, #tpu.memory_space<vmem>>, %arg13: memref<512xi32, #tpu.memory_space<vmem>>, %arg14: memref<4096xi32, #tpu.memory_space<vmem>>, %arg15: memref<64xi32, #tpu.memory_space<vmem>>, %arg16: memref<64xi32, #tpu.memory_space<vmem>>, %arg17: memref<1600xi32, #tpu.memory_space<vmem>>, %arg18: memref<1600xf32, #tpu.memory_space<vmem>>) attributes {dimension_semantics = [#tpu.dimension_semantics<core_parallel>, #tpu.dimension_semantics<subcore_parallel>], iteration_bounds = array<i64: 2, 16>, scalar_prefetch = 0 : i64, scratch_operands = 12 : i64, tpu.core_type = #tpu.core_type<sc_vector_subcore>, window_params = [{transform_indices = #map}, {transform_indices = #map}, {transform_indices = #map}, {transform_indices = #map}, {transform_indices = #map}]} {
    %iota3A = tpu.iota {dimensions = array<i32: 0>} : vector<16xi32>
    %mul3A = arith.constant 256 : i32
    %mul3A_0 = vector.broadcast %mul3A : i32 to vector<16xi32>
    %mul3A_1 = arith.muli %iota3A, %mul3A_0 : vector<16xi32>
    %broadcast_in_dim3A = arith.constant 0 : i32
    %broadcast_in_dim3A_2 = vector.broadcast %broadcast_in_dim3A : i32 to vector<16xi32>
    %broadcast_in_dim3A_3 = arith.constant 1 : i32
    %broadcast_in_dim3A_4 = vector.broadcast %broadcast_in_dim3A_3 : i32 to vector<16xi32>
    %neg3A = arith.constant 0 : i32
    %neg3A_5 = vector.broadcast %neg3A : i32 to vector<16xi32>
    %neg3A_6 = arith.subi %neg3A_5, %broadcast_in_dim3A_4 : vector<16xi32>
    %broadcast_in_dim3A_7 = arith.constant 2139095040 : i32
    %broadcast_in_dim3A_8 = vector.broadcast %broadcast_in_dim3A_7 : i32 to vector<16xi32>
    %mul3A_9 = arith.constant 2 : i32
    %mul3A_10 = arith.muli %arg1, %mul3A_9 : i32
    %add3A = arith.addi %mul3A_10, %arg0 : i32
    "tpu.region"() ({
      %run_scoped3A = tpu.sem_alloc : memref<!tpu.dma_semaphore, #tpu.memory_space<semaphore_mem>>
      tpu.enqueue_dma source(%arg2 : memref<16384xf32, #tpu.memory_space<hbm>>) target(%arg7 : memref<16384xf32, #tpu.memory_space<vmem>>) target_semaphore(%run_scoped3A : memref<!tpu.dma_semaphore, #tpu.memory_space<semaphore_mem>>)
      tpu.wait_dma2 semaphore(%run_scoped3A : memref<!tpu.dma_semaphore, #tpu.memory_space<semaphore_mem>>) src(%arg2 : memref<16384xf32, #tpu.memory_space<hbm>>) dst(%arg7 : memref<16384xf32, #tpu.memory_space<vmem>>)
      tpu.yield
    }) : () -> ()
    "tpu.region"() ({
      %run_scoped3A = tpu.sem_alloc : memref<!tpu.dma_semaphore, #tpu.memory_space<semaphore_mem>>
      tpu.enqueue_dma source(%arg3 : memref<16384xf32, #tpu.memory_space<hbm>>) target(%arg8 : memref<16384xf32, #tpu.memory_space<vmem>>) target_semaphore(%run_scoped3A : memref<!tpu.dma_semaphore, #tpu.memory_space<semaphore_mem>>)
      tpu.wait_dma2 semaphore(%run_scoped3A : memref<!tpu.dma_semaphore, #tpu.memory_space<semaphore_mem>>) src(%arg3 : memref<16384xf32, #tpu.memory_space<hbm>>) dst(%arg8 : memref<16384xf32, #tpu.memory_space<vmem>>)
      tpu.yield
    }) : () -> ()
    "tpu.region"() ({
      %run_scoped3A = tpu.sem_alloc : memref<!tpu.dma_semaphore, #tpu.memory_space<semaphore_mem>>
      tpu.enqueue_dma source(%arg4 : memref<16384xf32, #tpu.memory_space<hbm>>) target(%arg9 : memref<16384xf32, #tpu.memory_space<vmem>>) target_semaphore(%run_scoped3A : memref<!tpu.dma_semaphore, #tpu.memory_space<semaphore_mem>>)
      tpu.wait_dma2 semaphore(%run_scoped3A : memref<!tpu.dma_semaphore, #tpu.memory_space<semaphore_mem>>) src(%arg4 : memref<16384xf32, #tpu.memory_space<hbm>>) dst(%arg9 : memref<16384xf32, #tpu.memory_space<vmem>>)
      tpu.yield
    }) : () -> ()
    %parallel_loop3A = arith.constant 0 : i32
    %parallel_loop3A_11 = arith.constant 256 : i32
    %parallel_loop3A_12 = arith.constant 1 : i32
    scf.for %parallel_loop3A_19 = %parallel_loop3A to %parallel_loop3A_11 step %parallel_loop3A_12  : i32 {
      %parallel_loop3A_20 = arith.constant 16 : i32
      %parallel_loop3A_21 = arith.muli %parallel_loop3A_19, %parallel_loop3A_20 : i32
      %parallel_loop3A_22 = arith.index_cast %parallel_loop3A_21 : i32 to index
      %parallel_loop3A_23 = tpu.vector_load %arg12[%parallel_loop3A_22] {strides = array<i32>} : memref<8192xi32, #tpu.memory_space<vmem>>, vector<16xi32>,
      tpu.vector_store %arg12[%parallel_loop3A_22], %broadcast_in_dim3A_2 {strides = array<i32>} : memref<8192xi32, #tpu.memory_space<vmem>>, vector<16xi32>,
    } {sc.loop_unroll_factor = 4 : i64, sc.parallel_access}
    %scan3A = arith.constant 0 : i32
    %scan3A_13 = arith.constant 0 : i32
    %scan3A_14 = arith.constant 512 : i32
    %scan3A_15 = arith.addi %scan3A_13, %scan3A_14 : i32
    %scan3A_16 = arith.constant 1 : i32
    %scan3A_17 = scf.for %scan3A_19 = %scan3A_13 to %scan3A_15 step %scan3A_16 iter_args(%scan3A_20 = %scan3A) -> (i32)  : i32 {
      %mul3A_21 = arith.constant 512 : i32
      %mul3A_22 = arith.muli %add3A, %mul3A_21 : i32
      %add3A_23 = arith.addi %mul3A_22, %scan3A_19 : i32
      %broadcast_in_dim3A_24 = vector.broadcast %add3A_23 : i32 to vector<16xi32>
      %gather3A = tpu.vector_load_idx %arg7[%broadcast_in_dim3A_24] : memref<16384xf32, #tpu.memory_space<vmem>>[vector<16xi32>], vector<16xf32>,
      %gather3A_25 = tpu.vector_load_idx %arg8[%broadcast_in_dim3A_24] : memref<16384xf32, #tpu.memory_space<vmem>>[vector<16xi32>], vector<16xf32>,
      %gather3A_26 = tpu.vector_load_idx %arg9[%broadcast_in_dim3A_24] : memref<16384xf32, #tpu.memory_space<vmem>>[vector<16xi32>], vector<16xf32>,
      %parallel_loop3A_27 = arith.constant 0 : i32
      %parallel_loop3A_28 = arith.constant 256 : i32
      %parallel_loop3A_29 = arith.constant 1 : i32
      scf.for %parallel_loop3A_422 = %parallel_loop3A_27 to %parallel_loop3A_28 step %parallel_loop3A_29  : i32 {
        %parallel_loop3A_423 = arith.constant 16 : i32
        %parallel_loop3A_424 = arith.muli %parallel_loop3A_422, %parallel_loop3A_423 : i32
        %parallel_loop3A_425 = arith.index_cast %parallel_loop3A_424 : i32 to index
        %parallel_loop3A_426 = tpu.vector_load %arg7[%parallel_loop3A_425] {strides = array<i32>} : memref<16384xf32, #tpu.memory_space<vmem>>, vector<16xf32>,
        %parallel_loop3A_427 = arith.subf %parallel_loop3A_426, %gather3A : vector<16xf32>
        %parallel_loop3A_428 = arith.index_cast %parallel_loop3A_424 : i32 to index
        %parallel_loop3A_429 = tpu.vector_load %arg8[%parallel_loop3A_428] {strides = array<i32>} : memref<16384xf32, #tpu.memory_space<vmem>>, vector<16xf32>,
        %parallel_loop3A_430 = arith.subf %parallel_loop3A_429, %gather3A_25 : vector<16xf32>
        %parallel_loop3A_431 = arith.index_cast %parallel_loop3A_424 : i32 to index
        %parallel_loop3A_432 = tpu.vector_load %arg9[%parallel_loop3A_431] {strides = array<i32>} : memref<16384xf32, #tpu.memory_space<vmem>>, vector<16xf32>,
        %parallel_loop3A_433 = arith.subf %parallel_loop3A_432, %gather3A_26 : vector<16xf32>
        %parallel_loop3A_434 = arith.mulf %parallel_loop3A_427, %parallel_loop3A_427 : vector<16xf32>
        %parallel_loop3A_435 = arith.mulf %parallel_loop3A_430, %parallel_loop3A_430 : vector<16xf32>
        %parallel_loop3A_436 = arith.addf %parallel_loop3A_434, %parallel_loop3A_435 : vector<16xf32>
        %parallel_loop3A_437 = arith.mulf %parallel_loop3A_433, %parallel_loop3A_433 : vector<16xf32>
        %parallel_loop3A_438 = arith.addf %parallel_loop3A_436, %parallel_loop3A_437 : vector<16xf32>
        %parallel_loop3A_439 = tpu.bitcast %parallel_loop3A_438 : vector<16xf32> -> vector<16xi32>
        %parallel_loop3A_440 = arith.constant 16 : i32
        %parallel_loop3A_441 = arith.muli %parallel_loop3A_422, %parallel_loop3A_440 : i32
        %parallel_loop3A_442 = arith.index_cast %parallel_loop3A_441 : i32 to index
        %parallel_loop3A_443 = tpu.vector_load %arg14[%parallel_loop3A_442] {strides = array<i32>} : memref<4096xi32, #tpu.memory_space<vmem>>, vector<16xi32>,
        tpu.vector_store %arg14[%parallel_loop3A_442], %parallel_loop3A_439 {strides = array<i32>} : memref<4096xi32, #tpu.memory_space<vmem>>, vector<16xi32>,
        %parallel_loop3A_444 = arith.constant 23 : i32
        %parallel_loop3A_445 = vector.broadcast %parallel_loop3A_444 : i32 to vector<16xi32>
        %parallel_loop3A_446 = arith.shrui %parallel_loop3A_439, %parallel_loop3A_445 : vector<16xi32>
        %parallel_loop3A_447 = arith.addi %mul3A_1, %parallel_loop3A_446 : vector<16xi32>
        tpu.vector_store_idx %arg12[%parallel_loop3A_447], %broadcast_in_dim3A_4 {add = true} : memref<8192xi32, #tpu.memory_space<vmem>>[vector<16xi32>], vector<16xi32>,
      } {sc.loop_unroll_factor = 8 : i64, sc.parallel_access}
      %scan3A_30 = arith.constant 0 : i32
      %scan3A_31 = arith.constant 0 : i32
      %scan3A_32 = arith.constant 16 : i32
      %scan3A_33 = arith.addi %scan3A_31, %scan3A_32 : i32
      %scan3A_34 = arith.constant 1 : i32
      %scan3A_35:2 = scf.for %scan3A_422 = %scan3A_31 to %scan3A_33 step %scan3A_34 iter_args(%scan3A_423 = %scan3A_30, %scan3A_424 = %broadcast_in_dim3A_2) -> (i32, vector<16xi32>)  : i32 {
        %mul3A_425 = arith.constant 16 : i32
        %mul3A_426 = arith.muli %scan3A_422, %mul3A_425 : i32
        %add3A_427 = arith.constant 0 : i32
        %add3A_428 = arith.addi %add3A_427, %mul3A_426 : i32
        %get3A_429 = arith.index_cast %add3A_428 : i32 to index
        %get3A_430 = tpu.vector_load %arg12[%get3A_429] {strides = array<i32>} : memref<8192xi32, #tpu.memory_space<vmem>>, vector<16xi32>,
        %add3A_431 = arith.addi %broadcast_in_dim3A_2, %get3A_430 : vector<16xi32>
        %mul3A_432 = arith.constant 16 : i32
        %mul3A_433 = arith.muli %scan3A_422, %mul3A_432 : i32
        %add3A_434 = arith.constant 256 : i32
        %add3A_435 = arith.addi %add3A_434, %mul3A_433 : i32
        %get3A_436 = arith.index_cast %add3A_435 : i32 to index
        %get3A_437 = tpu.vector_load %arg12[%get3A_436] {strides = array<i32>} : memref<8192xi32, #tpu.memory_space<vmem>>, vector<16xi32>,
        %add3A_438 = arith.addi %add3A_431, %get3A_437 : vector<16xi32>
        %mul3A_439 = arith.constant 16 : i32
        %mul3A_440 = arith.muli %scan3A_422, %mul3A_439 : i32
        %add3A_441 = arith.constant 512 : i32
        %add3A_442 = arith.addi %add3A_441, %mul3A_440 : i32
        %get3A_443 = arith.index_cast %add3A_442 : i32 to index
        %get3A_444 = tpu.vector_load %arg12[%get3A_443] {strides = array<i32>} : memref<8192xi32, #tpu.memory_space<vmem>>, vector<16xi32>,
        %add3A_445 = arith.addi %add3A_438, %get3A_444 : vector<16xi32>
        %mul3A_446 = arith.constant 16 : i32
        %mul3A_447 = arith.muli %scan3A_422, %mul3A_446 : i32
        %add3A_448 = arith.constant 768 : i32
        %add3A_449 = arith.addi %add3A_448, %mul3A_447 : i32
        %get3A_450 = arith.index_cast %add3A_449 : i32 to index
        %get3A_451 = tpu.vector_load %arg12[%get3A_450] {strides = array<i32>} : memref<8192xi32, #tpu.memory_space<vmem>>, vector<16xi32>,
        %add3A_452 = arith.addi %add3A_445, %get3A_451 : vector<16xi32>
        %mul3A_453 = arith.constant 16 : i32
        %mul3A_454 = arith.muli %scan3A_422, %mul3A_453 : i32
        %add3A_455 = arith.constant 1024 : i32
        %add3A_456 = arith.addi %add3A_455, %mul3A_454 : i32
        %get3A_457 = arith.index_cast %add3A_456 : i32 to index
        %get3A_458 = tpu.vector_load %arg12[%get3A_457] {strides = array<i32>} : memref<8192xi32, #tpu.memory_space<vmem>>, vector<16xi32>,
        %add3A_459 = arith.addi %add3A_452, %get3A_458 : vector<16xi32>
        %mul3A_460 = arith.constant 16 : i32
        %mul3A_461 = arith.muli %scan3A_422, %mul3A_460 : i32
        %add3A_462 = arith.constant 1280 : i32
        %add3A_463 = arith.addi %add3A_462, %mul3A_461 : i32
        %get3A_464 = arith.index_cast %add3A_463 : i32 to index
        %get3A_465 = tpu.vector_load %arg12[%get3A_464] {strides = array<i32>} : memref<8192xi32, #tpu.memory_space<vmem>>, vector<16xi32>,
        %add3A_466 = arith.addi %add3A_459, %get3A_465 : vector<16xi32>
        %mul3A_467 = arith.constant 16 : i32
        %mul3A_468 = arith.muli %scan3A_422, %mul3A_467 : i32
        %add3A_469 = arith.constant 1536 : i32
        %add3A_470 = arith.addi %add3A_469, %mul3A_468 : i32
        %get3A_471 = arith.index_cast %add3A_470 : i32 to index
        %get3A_472 = tpu.vector_load %arg12[%get3A_471] {strides = array<i32>} : memref<8192xi32, #tpu.memory_space<vmem>>, vector<16xi32>,
        %add3A_473 = arith.addi %add3A_466, %get3A_472 : vector<16xi32>
        %mul3A_474 = arith.constant 16 : i32
        %mul3A_475 = arith.muli %scan3A_422, %mul3A_474 : i32
        %add3A_476 = arith.constant 1792 : i32
        %add3A_477 = arith.addi %add3A_476, %mul3A_475 : i32
        %get3A_478 = arith.index_cast %add3A_477 : i32 to index
        %get3A_479 = tpu.vector_load %arg12[%get3A_478] {strides = array<i32>} : memref<8192xi32, #tpu.memory_space<vmem>>, vector<16xi32>,
        %add3A_480 = arith.addi %add3A_473, %get3A_479 : vector<16xi32>
        %mul3A_481 = arith.constant 16 : i32
        %mul3A_482 = arith.muli %scan3A_422, %mul3A_481 : i32
        %add3A_483 = arith.constant 2048 : i32
        %add3A_484 = arith.addi %add3A_483, %mul3A_482 : i32
        %get3A_485 = arith.index_cast %add3A_484 : i32 to index
        %get3A_486 = tpu.vector_load %arg12[%get3A_485] {strides = array<i32>} : memref<8192xi32, #tpu.memory_space<vmem>>, vector<16xi32>,
        %add3A_487 = arith.addi %add3A_480, %get3A_486 : vector<16xi32>
        %mul3A_488 = arith.constant 16 : i32
        %mul3A_489 = arith.muli %scan3A_422, %mul3A_488 : i32
        %add3A_490 = arith.constant 2304 : i32
        %add3A_491 = arith.addi %add3A_490, %mul3A_489 : i32
        %get3A_492 = arith.index_cast %add3A_491 : i32 to index
        %get3A_493 = tpu.vector_load %arg12[%get3A_492] {strides = array<i32>} : memref<8192xi32, #tpu.memory_space<vmem>>, vector<16xi32>,
        %add3A_494 = arith.addi %add3A_487, %get3A_493 : vector<16xi32>
        %mul3A_495 = arith.constant 16 : i32
        %mul3A_496 = arith.muli %scan3A_422, %mul3A_495 : i32
        %add3A_497 = arith.constant 2560 : i32
        %add3A_498 = arith.addi %add3A_497, %mul3A_496 : i32
        %get3A_499 = arith.index_cast %add3A_498 : i32 to index
        %get3A_500 = tpu.vector_load %arg12[%get3A_499] {strides = array<i32>} : memref<8192xi32, #tpu.memory_space<vmem>>, vector<16xi32>,
        %add3A_501 = arith.addi %add3A_494, %get3A_500 : vector<16xi32>
        %mul3A_502 = arith.constant 16 : i32
        %mul3A_503 = arith.muli %scan3A_422, %mul3A_502 : i32
        %add3A_504 = arith.constant 2816 : i32
        %add3A_505 = arith.addi %add3A_504, %mul3A_503 : i32
        %get3A_506 = arith.index_cast %add3A_505 : i32 to index
        %get3A_507 = tpu.vector_load %arg12[%get3A_506] {strides = array<i32>} : memref<8192xi32, #tpu.memory_space<vmem>>, vector<16xi32>,
        %add3A_508 = arith.addi %add3A_501, %get3A_507 : vector<16xi32>
        %mul3A_509 = arith.constant 16 : i32
        %mul3A_510 = arith.muli %scan3A_422, %mul3A_509 : i32
        %add3A_511 = arith.constant 3072 : i32
        %add3A_512 = arith.addi %add3A_511, %mul3A_510 : i32
        %get3A_513 = arith.index_cast %add3A_512 : i32 to index
        %get3A_514 = tpu.vector_load %arg12[%get3A_513] {strides = array<i32>} : memref<8192xi32, #tpu.memory_space<vmem>>, vector<16xi32>,
        %add3A_515 = arith.addi %add3A_508, %get3A_514 : vector<16xi32>
        %mul3A_516 = arith.constant 16 : i32
        %mul3A_517 = arith.muli %scan3A_422, %mul3A_516 : i32
        %add3A_518 = arith.constant 3328 : i32
        %add3A_519 = arith.addi %add3A_518, %mul3A_517 : i32
        %get3A_520 = arith.index_cast %add3A_519 : i32 to index
        %get3A_521 = tpu.vector_load %arg12[%get3A_520] {strides = array<i32>} : memref<8192xi32, #tpu.memory_space<vmem>>, vector<16xi32>,
        %add3A_522 = arith.addi %add3A_515, %get3A_521 : vector<16xi32>
        %mul3A_523 = arith.constant 16 : i32
        %mul3A_524 = arith.muli %scan3A_422, %mul3A_523 : i32
        %add3A_525 = arith.constant 3584 : i32
        %add3A_526 = arith.addi %add3A_525, %mul3A_524 : i32
        %get3A_527 = arith.index_cast %add3A_526 : i32 to index
        %get3A_528 = tpu.vector_load %arg12[%get3A_527] {strides = array<i32>} : memref<8192xi32, #tpu.memory_space<vmem>>, vector<16xi32>,
        %add3A_529 = arith.addi %add3A_522, %get3A_528 : vector<16xi32>
        %mul3A_530 = arith.constant 16 : i32
        %mul3A_531 = arith.muli %scan3A_422, %mul3A_530 : i32
        %add3A_532 = arith.constant 3840 : i32
        %add3A_533 = arith.addi %add3A_532, %mul3A_531 : i32
        %get3A_534 = arith.index_cast %add3A_533 : i32 to index
        %get3A_535 = tpu.vector_load %arg12[%get3A_534] {strides = array<i32>} : memref<8192xi32, #tpu.memory_space<vmem>>, vector<16xi32>,
        %add3A_536 = arith.addi %add3A_529, %get3A_535 : vector<16xi32>
        %mul3A_537 = arith.constant 16 : i32
        %mul3A_538 = arith.muli %scan3A_422, %mul3A_537 : i32
        %swap3A_539 = arith.index_cast %mul3A_538 : i32 to index
        %swap3A_540 = tpu.vector_load %arg13[%swap3A_539] {strides = array<i32>} : memref<512xi32, #tpu.memory_space<vmem>>, vector<16xi32>,
        tpu.vector_store %arg13[%swap3A_539], %add3A_536 {strides = array<i32>} : memref<512xi32, #tpu.memory_space<vmem>>, vector<16xi32>,
        %broadcast_in_dim3A_541 = arith.constant true
        %broadcast_in_dim3A_542 = vector.broadcast %broadcast_in_dim3A_541 : i1 to vector<16xi1>
        %masked_cumsum3A = tpu.scan <sum>, %add3A_536 masked %broadcast_in_dim3A_542 : vector<16xi32>, vector<16xi1> -> vector<16xi32>
        %add3A_543 = vector.broadcast %scan3A_423 : i32 to vector<16xi32>
        %add3A_544 = arith.addi %masked_cumsum3A, %add3A_543 : vector<16xi32>
        %lt3A_545 = arith.constant 51 : i32
        %lt3A_546 = vector.broadcast %lt3A_545 : i32 to vector<16xi32>
        %lt3A_547 = arith.cmpi slt, %add3A_544, %lt3A_546 : vector<16xi32>
        %all_reduce_population_count3A = tpu.all_reduce %lt3A_547 {dim = 0 : i64, kind = #tpu.reduction_kind<sum>} : vector<16xi1> -> vector<16xi32>
        %add3A_548 = arith.addi %scan3A_424, %all_reduce_population_count3A : vector<16xi32>
        %reduce_max3A_549 = arith.constant true
        %reduce_max3A_550 = vector.broadcast %reduce_max3A_549 : i1 to vector<16xi1>
        %reduce_max3A_551 = arith.constant -2147483648 : i32
        %reduce_max3A_552 = vector.broadcast %reduce_max3A_551 : i32 to vector<16xi32>
        %reduce_max3A_553 = arith.xori %add3A_544, %reduce_max3A_552 : vector<16xi32>
        %reduce_max3A_554 = tpu.scan <max>, %reduce_max3A_553 masked %reduce_max3A_550 : vector<16xi32>, vector<16xi1> -> vector<16xi32>
        %reduce_max3A_555 = arith.xori %reduce_max3A_554, %reduce_max3A_552 : vector<16xi32>
        %reduce_max3A_556 = vector.extract %reduce_max3A_555[15] : i32 from vector<16xi32>
        scf.yield %reduce_max3A_556, %add3A_548 : i32, vector<16xi32>
      }
      %scan3A_36 = arith.constant 16 : i32
      %reduce_max3A = arith.constant true
      %reduce_max3A_37 = vector.broadcast %reduce_max3A : i1 to vector<16xi1>
      %reduce_max3A_38 = arith.constant -2147483648 : i32
      %reduce_max3A_39 = vector.broadcast %reduce_max3A_38 : i32 to vector<16xi32>
      %reduce_max3A_40 = arith.xori %scan3A_35#1, %reduce_max3A_39 : vector<16xi32>
      %reduce_max3A_41 = tpu.scan <max>, %reduce_max3A_40 masked %reduce_max3A_37 : vector<16xi32>, vector<16xi1> -> vector<16xi32>
      %reduce_max3A_42 = arith.xori %reduce_max3A_41, %reduce_max3A_39 : vector<16xi32>
      %reduce_max3A_43 = vector.extract %reduce_max3A_42[15] : i32 from vector<16xi32>
      %add3A_44 = arith.constant 1 : i32
      %add3A_45 = arith.addi %reduce_max3A_43, %add3A_44 : i32
      %min3A = arith.constant 255 : i32
      %min3A_46 = arith.minsi %add3A_45, %min3A : i32
      %shift_left3A = arith.constant 23 : i32
      %shift_left3A_47 = arith.shli %min3A_46, %shift_left3A : i32
      %broadcast_in_dim3A_48 = vector.broadcast %shift_left3A_47 : i32 to vector<16xi32>
      %parallel_loop3A_49 = arith.constant 0 : i32
      %parallel_loop3A_50 = arith.constant 256 : i32
      %parallel_loop3A_51 = arith.constant 1 : i32
      scf.for %parallel_loop3A_422 = %parallel_loop3A_49 to %parallel_loop3A_50 step %parallel_loop3A_51  : i32 {
        %parallel_loop3A_423 = arith.constant 16 : i32
        %parallel_loop3A_424 = arith.muli %parallel_loop3A_422, %parallel_loop3A_423 : i32
        %parallel_loop3A_425 = arith.index_cast %parallel_loop3A_424 : i32 to index
        %parallel_loop3A_426 = tpu.vector_load %arg12[%parallel_loop3A_425] {strides = array<i32>} : memref<8192xi32, #tpu.memory_space<vmem>>, vector<16xi32>,
        tpu.vector_store %arg12[%parallel_loop3A_425], %broadcast_in_dim3A_2 {strides = array<i32>} : memref<8192xi32, #tpu.memory_space<vmem>>, vector<16xi32>,
      } {sc.loop_unroll_factor = 8 : i64, sc.parallel_access}
      %parallel_loop3A_52 = arith.constant 0 : i32
      %parallel_loop3A_53 = arith.constant 256 : i32
      %parallel_loop3A_54 = arith.constant 1 : i32
      %parallel_loop3A_55 = scf.for %parallel_loop3A_422 = %parallel_loop3A_52 to %parallel_loop3A_53 step %parallel_loop3A_54 iter_args(%parallel_loop3A_423 = %broadcast_in_dim3A_2) -> (vector<16xi32>)  : i32 {
        %parallel_loop3A_424 = arith.constant 16 : i32
        %parallel_loop3A_425 = arith.muli %parallel_loop3A_422, %parallel_loop3A_424 : i32
        %parallel_loop3A_426 = arith.index_cast %parallel_loop3A_425 : i32 to index
        %parallel_loop3A_427 = tpu.vector_load %arg14[%parallel_loop3A_426] {strides = array<i32>} : memref<4096xi32, #tpu.memory_space<vmem>>, vector<16xi32>,
        %parallel_loop3A_428 = vector.broadcast %parallel_loop3A_425 : i32 to vector<16xi32>
        %parallel_loop3A_429 = arith.addi %parallel_loop3A_428, %iota3A : vector<16xi32>
        %parallel_loop3A_430 = arith.cmpi slt, %parallel_loop3A_427, %broadcast_in_dim3A_48 : vector<16xi32>
        %parallel_loop3A_431 = arith.cmpi ne, %parallel_loop3A_429, %broadcast_in_dim3A_24 : vector<16xi32>
        %parallel_loop3A_432 = arith.andi %parallel_loop3A_430, %parallel_loop3A_431 : vector<16xi1>
        %parallel_loop3A_433 = arith.constant 1 : i32
        %parallel_loop3A_434 = arith.constant 0 : i32
        %parallel_loop3A_435 = vector.broadcast %parallel_loop3A_433 : i32 to vector<16xi32>
        %parallel_loop3A_436 = vector.broadcast %parallel_loop3A_434 : i32 to vector<16xi32>
        %parallel_loop3A_437 = arith.select %parallel_loop3A_432, %parallel_loop3A_435, %parallel_loop3A_436 : vector<16xi1>, vector<16xi32>
        %parallel_loop3A_438 = arith.constant true
        %parallel_loop3A_439 = vector.broadcast %parallel_loop3A_438 : i1 to vector<16xi1>
        %parallel_loop3A_440 = tpu.scan <sum>, %parallel_loop3A_437 masked %parallel_loop3A_439 : vector<16xi32>, vector<16xi1> -> vector<16xi32>
        %parallel_loop3A_441 = arith.addi %parallel_loop3A_423, %parallel_loop3A_440 : vector<16xi32>
        %parallel_loop3A_442 = arith.constant 1 : i32
        %parallel_loop3A_443 = vector.broadcast %parallel_loop3A_442 : i32 to vector<16xi32>
        %parallel_loop3A_444 = arith.subi %parallel_loop3A_441, %parallel_loop3A_443 : vector<16xi32>
        %parallel_loop3A_445 = arith.constant 4096 : i32
        %parallel_loop3A_446 = vector.broadcast %parallel_loop3A_445 : i32 to vector<16xi32>
        %parallel_loop3A_447 = arith.cmpi slt, %parallel_loop3A_444, %parallel_loop3A_446 : vector<16xi32>
        %parallel_loop3A_448 = arith.andi %parallel_loop3A_432, %parallel_loop3A_447 : vector<16xi1>
        tpu.vector_store_idx %arg10[%parallel_loop3A_444], %parallel_loop3A_427 masked %parallel_loop3A_448 : memref<4096xi32, #tpu.memory_space<vmem>>[vector<16xi32>], vector<16xi32>, vector<16xi1>
        tpu.vector_store_idx %arg11[%parallel_loop3A_444], %parallel_loop3A_429 masked %parallel_loop3A_448 : memref<4096xi32, #tpu.memory_space<vmem>>[vector<16xi32>], vector<16xi32>, vector<16xi1>
        %parallel_loop3A_449 = tpu.all_reduce %parallel_loop3A_432 {dim = 0 : i64, kind = #tpu.reduction_kind<sum>} : vector<16xi1> -> vector<16xi32>
        %parallel_loop3A_450 = arith.addi %parallel_loop3A_423, %parallel_loop3A_449 : vector<16xi32>
        scf.yield %parallel_loop3A_450 : vector<16xi32>
      } {sc.loop_unroll_factor = 4 : i64, sc.parallel_access}
      %parallel_loop3A_56 = arith.constant 256 : i32
      %parallel_loop3A_57 = arith.constant 1024 : i32
      %parallel_loop3A_58 = arith.constant 1 : i32
      %parallel_loop3A_59 = scf.for %parallel_loop3A_422 = %parallel_loop3A_56 to %parallel_loop3A_57 step %parallel_loop3A_58 iter_args(%parallel_loop3A_423 = %parallel_loop3A_55) -> (vector<16xi32>)  : i32 {
        %parallel_loop3A_424 = arith.constant 16 : i32
        %parallel_loop3A_425 = arith.muli %parallel_loop3A_422, %parallel_loop3A_424 : i32
        %parallel_loop3A_426 = arith.index_cast %parallel_loop3A_425 : i32 to index
        %parallel_loop3A_427 = tpu.vector_load %arg7[%parallel_loop3A_426] {strides = array<i32>} : memref<16384xf32, #tpu.memory_space<vmem>>, vector<16xf32>,
        %parallel_loop3A_428 = arith.subf %parallel_loop3A_427, %gather3A : vector<16xf32>
        %parallel_loop3A_429 = arith.index_cast %parallel_loop3A_425 : i32 to index
        %parallel_loop3A_430 = tpu.vector_load %arg8[%parallel_loop3A_429] {strides = array<i32>} : memref<16384xf32, #tpu.memory_space<vmem>>, vector<16xf32>,
        %parallel_loop3A_431 = arith.subf %parallel_loop3A_430, %gather3A_25 : vector<16xf32>
        %parallel_loop3A_432 = arith.index_cast %parallel_loop3A_425 : i32 to index
        %parallel_loop3A_433 = tpu.vector_load %arg9[%parallel_loop3A_432] {strides = array<i32>} : memref<16384xf32, #tpu.memory_space<vmem>>, vector<16xf32>,
        %parallel_loop3A_434 = arith.subf %parallel_loop3A_433, %gather3A_26 : vector<16xf32>
        %parallel_loop3A_435 = arith.mulf %parallel_loop3A_428, %parallel_loop3A_428 : vector<16xf32>
        %parallel_loop3A_436 = arith.mulf %parallel_loop3A_431, %parallel_loop3A_431 : vector<16xf32>
        %parallel_loop3A_437 = arith.addf %parallel_loop3A_435, %parallel_loop3A_436 : vector<16xf32>
        %parallel_loop3A_438 = arith.mulf %parallel_loop3A_434, %parallel_loop3A_434 : vector<16xf32>
        %parallel_loop3A_439 = arith.addf %parallel_loop3A_437, %parallel_loop3A_438 : vector<16xf32>
        %parallel_loop3A_440 = tpu.bitcast %parallel_loop3A_439 : vector<16xf32> -> vector<16xi32>
        %parallel_loop3A_441 = vector.broadcast %parallel_loop3A_425 : i32 to vector<16xi32>
        %parallel_loop3A_442 = arith.addi %parallel_loop3A_441, %iota3A : vector<16xi32>
        %parallel_loop3A_443 = arith.cmpi slt, %parallel_loop3A_440, %broadcast_in_dim3A_48 : vector<16xi32>
        %parallel_loop3A_444 = arith.cmpi ne, %parallel_loop3A_442, %broadcast_in_dim3A_24 : vector<16xi32>
        %parallel_loop3A_445 = arith.andi %parallel_loop3A_443, %parallel_loop3A_444 : vector<16xi1>
        %parallel_loop3A_446 = arith.constant 1 : i32
        %parallel_loop3A_447 = arith.constant 0 : i32
        %parallel_loop3A_448 = vector.broadcast %parallel_loop3A_446 : i32 to vector<16xi32>
        %parallel_loop3A_449 = vector.broadcast %parallel_loop3A_447 : i32 to vector<16xi32>
        %parallel_loop3A_450 = arith.select %parallel_loop3A_445, %parallel_loop3A_448, %parallel_loop3A_449 : vector<16xi1>, vector<16xi32>
        %parallel_loop3A_451 = arith.constant true
        %parallel_loop3A_452 = vector.broadcast %parallel_loop3A_451 : i1 to vector<16xi1>
        %parallel_loop3A_453 = tpu.scan <sum>, %parallel_loop3A_450 masked %parallel_loop3A_452 : vector<16xi32>, vector<16xi1> -> vector<16xi32>
        %parallel_loop3A_454 = arith.addi %parallel_loop3A_423, %parallel_loop3A_453 : vector<16xi32>
        %parallel_loop3A_455 = arith.constant 1 : i32
        %parallel_loop3A_456 = vector.broadcast %parallel_loop3A_455 : i32 to vector<16xi32>
        %parallel_loop3A_457 = arith.subi %parallel_loop3A_454, %parallel_loop3A_456 : vector<16xi32>
        %parallel_loop3A_458 = arith.constant 4096 : i32
        %parallel_loop3A_459 = vector.broadcast %parallel_loop3A_458 : i32 to vector<16xi32>
        %parallel_loop3A_460 = arith.cmpi slt, %parallel_loop3A_457, %parallel_loop3A_459 : vector<16xi32>
        %parallel_loop3A_461 = arith.andi %parallel_loop3A_445, %parallel_loop3A_460 : vector<16xi1>
        tpu.vector_store_idx %arg10[%parallel_loop3A_457], %parallel_loop3A_440 masked %parallel_loop3A_461 : memref<4096xi32, #tpu.memory_space<vmem>>[vector<16xi32>], vector<16xi32>, vector<16xi1>
        tpu.vector_store_idx %arg11[%parallel_loop3A_457], %parallel_loop3A_442 masked %parallel_loop3A_461 : memref<4096xi32, #tpu.memory_space<vmem>>[vector<16xi32>], vector<16xi32>, vector<16xi1>
        %parallel_loop3A_462 = tpu.all_reduce %parallel_loop3A_445 {dim = 0 : i64, kind = #tpu.reduction_kind<sum>} : vector<16xi1> -> vector<16xi32>
        %parallel_loop3A_463 = arith.addi %parallel_loop3A_423, %parallel_loop3A_462 : vector<16xi32>
        scf.yield %parallel_loop3A_463 : vector<16xi32>
      } {sc.loop_unroll_factor = 4 : i64, sc.parallel_access}
      %reduce_max3A_60 = arith.constant true
      %reduce_max3A_61 = vector.broadcast %reduce_max3A_60 : i1 to vector<16xi1>
      %reduce_max3A_62 = arith.constant -2147483648 : i32
      %reduce_max3A_63 = vector.broadcast %reduce_max3A_62 : i32 to vector<16xi32>
      %reduce_max3A_64 = arith.xori %parallel_loop3A_59, %reduce_max3A_63 : vector<16xi32>
      %reduce_max3A_65 = tpu.scan <max>, %reduce_max3A_64 masked %reduce_max3A_61 : vector<16xi32>, vector<16xi1> -> vector<16xi32>
      %reduce_max3A_66 = arith.xori %reduce_max3A_65, %reduce_max3A_63 : vector<16xi32>
      %reduce_max3A_67 = vector.extract %reduce_max3A_66[15] : i32 from vector<16xi32>
      %add3A_68 = arith.constant 15 : i32
      %add3A_69 = arith.addi %reduce_max3A_67, %add3A_68 : i32
      %shift_right_logical3A = arith.constant 4 : i32
      %shift_right_logical3A_70 = arith.shrui %add3A_69, %shift_right_logical3A : i32
      %sub3A = arith.constant 50 : i32
      %sub3A_71 = arith.constant 0 : i32
      %sub3A_72 = arith.subi %sub3A, %sub3A_71 : i32
      %broadcast_in_dim3A_73 = arith.constant 0 : i32
      %broadcast_in_dim3A_74 = vector.broadcast %broadcast_in_dim3A_73 : i32 to vector<16xi32>
      %broadcast_in_dim3A_75 = vector.broadcast %shift_left3A_47 : i32 to vector<16xi32>
      %parallel_loop3A_76 = arith.constant 0 : i32
      %parallel_loop3A_77 = arith.constant 1 : i32
      scf.for %parallel_loop3A_422 = %parallel_loop3A_76 to %shift_right_logical3A_70 step %parallel_loop3A_77  : i32 {
        %parallel_loop3A_423 = arith.constant 16 : i32
        %parallel_loop3A_424 = arith.muli %parallel_loop3A_422, %parallel_loop3A_423 : i32
        %parallel_loop3A_425 = arith.index_cast %parallel_loop3A_424 : i32 to index
        %parallel_loop3A_426 = tpu.vector_load %arg10[%parallel_loop3A_425] {strides = array<i32>} : memref<4096xi32, #tpu.memory_space<vmem>>, vector<16xi32>,
        %parallel_loop3A_427 = arith.constant 16 : i32
        %parallel_loop3A_428 = arith.muli %parallel_loop3A_422, %parallel_loop3A_427 : i32
        %parallel_loop3A_429 = vector.broadcast %parallel_loop3A_428 : i32 to vector<16xi32>
        %parallel_loop3A_430 = arith.addi %parallel_loop3A_429, %iota3A : vector<16xi32>
        %parallel_loop3A_431 = vector.broadcast %reduce_max3A_67 : i32 to vector<16xi32>
        %parallel_loop3A_432 = arith.cmpi slt, %parallel_loop3A_430, %parallel_loop3A_431 : vector<16xi32>
        %parallel_loop3A_433 = arith.cmpi sge, %parallel_loop3A_426, %broadcast_in_dim3A_74 : vector<16xi32>
        %parallel_loop3A_434 = arith.cmpi slt, %parallel_loop3A_426, %broadcast_in_dim3A_75 : vector<16xi32>
        %parallel_loop3A_435 = arith.andi %parallel_loop3A_433, %parallel_loop3A_434 : vector<16xi1>
        %parallel_loop3A_436 = arith.andi %parallel_loop3A_435, %parallel_loop3A_432 : vector<16xi1>
        %parallel_loop3A_437 = arith.constant 23 : i32
        %parallel_loop3A_438 = vector.broadcast %parallel_loop3A_437 : i32 to vector<16xi32>
        %parallel_loop3A_439 = arith.shrui %parallel_loop3A_426, %parallel_loop3A_438 : vector<16xi32>
        %parallel_loop3A_440 = arith.constant 255 : i32
        %parallel_loop3A_441 = vector.broadcast %parallel_loop3A_440 : i32 to vector<16xi32>
        %parallel_loop3A_442 = arith.andi %parallel_loop3A_439, %parallel_loop3A_441 : vector<16xi32>
        %parallel_loop3A_443 = arith.constant 256 : i32
        %parallel_loop3A_444 = vector.broadcast %parallel_loop3A_443 : i32 to vector<16xi32>
        %parallel_loop3A_445 = arith.muli %iota3A, %parallel_loop3A_444 : vector<16xi32>
        %parallel_loop3A_446 = arith.addi %parallel_loop3A_445, %parallel_loop3A_442 : vector<16xi32>
        tpu.vector_store_idx %arg12[%parallel_loop3A_446], %broadcast_in_dim3A_4 masked %parallel_loop3A_436 {add = true} : memref<8192xi32, #tpu.memory_space<vmem>>[vector<16xi32>], vector<16xi32>, vector<16xi1>
      } {sc.loop_unroll_factor = 4 : i64, sc.parallel_access}
      %scan3A_78 = arith.constant 0 : i32
      %scan3A_79 = arith.constant 0 : i32
      %scan3A_80 = arith.constant 16 : i32
      %scan3A_81 = arith.addi %scan3A_79, %scan3A_80 : i32
      %scan3A_82 = arith.constant 1 : i32
      %scan3A_83:2 = scf.for %scan3A_422 = %scan3A_79 to %scan3A_81 step %scan3A_82 iter_args(%scan3A_423 = %scan3A_78, %scan3A_424 = %broadcast_in_dim3A_2) -> (i32, vector<16xi32>)  : i32 {
        %mul3A_425 = arith.constant 16 : i32
        %mul3A_426 = arith.muli %scan3A_422, %mul3A_425 : i32
        %add3A_427 = arith.constant 0 : i32
        %add3A_428 = arith.addi %add3A_427, %mul3A_426 : i32
        %get3A_429 = arith.index_cast %add3A_428 : i32 to index
        %get3A_430 = tpu.vector_load %arg12[%get3A_429] {strides = array<i32>} : memref<8192xi32, #tpu.memory_space<vmem>>, vector<16xi32>,
        %add3A_431 = arith.addi %broadcast_in_dim3A_2, %get3A_430 : vector<16xi32>
        %mul3A_432 = arith.constant 16 : i32
        %mul3A_433 = arith.muli %scan3A_422, %mul3A_432 : i32
        %add3A_434 = arith.constant 256 : i32
        %add3A_435 = arith.addi %add3A_434, %mul3A_433 : i32
        %get3A_436 = arith.index_cast %add3A_435 : i32 to index
        %get3A_437 = tpu.vector_load %arg12[%get3A_436] {strides = array<i32>} : memref<8192xi32, #tpu.memory_space<vmem>>, vector<16xi32>,
        %add3A_438 = arith.addi %add3A_431, %get3A_437 : vector<16xi32>
        %mul3A_439 = arith.constant 16 : i32
        %mul3A_440 = arith.muli %scan3A_422, %mul3A_439 : i32
        %add3A_441 = arith.constant 512 : i32
        %add3A_442 = arith.addi %add3A_441, %mul3A_440 : i32
        %get3A_443 = arith.index_cast %add3A_442 : i32 to index
        %get3A_444 = tpu.vector_load %arg12[%get3A_443] {strides = array<i32>} : memref<8192xi32, #tpu.memory_space<vmem>>, vector<16xi32>,
        %add3A_445 = arith.addi %add3A_438, %get3A_444 : vector<16xi32>
        %mul3A_446 = arith.constant 16 : i32
        %mul3A_447 = arith.muli %scan3A_422, %mul3A_446 : i32
        %add3A_448 = arith.constant 768 : i32
        %add3A_449 = arith.addi %add3A_448, %mul3A_447 : i32
        %get3A_450 = arith.index_cast %add3A_449 : i32 to index
        %get3A_451 = tpu.vector_load %arg12[%get3A_450] {strides = array<i32>} : memref<8192xi32, #tpu.memory_space<vmem>>, vector<16xi32>,
        %add3A_452 = arith.addi %add3A_445, %get3A_451 : vector<16xi32>
        %mul3A_453 = arith.constant 16 : i32
        %mul3A_454 = arith.muli %scan3A_422, %mul3A_453 : i32
        %add3A_455 = arith.constant 1024 : i32
        %add3A_456 = arith.addi %add3A_455, %mul3A_454 : i32
        %get3A_457 = arith.index_cast %add3A_456 : i32 to index
        %get3A_458 = tpu.vector_load %arg12[%get3A_457] {strides = array<i32>} : memref<8192xi32, #tpu.memory_space<vmem>>, vector<16xi32>,
        %add3A_459 = arith.addi %add3A_452, %get3A_458 : vector<16xi32>
        %mul3A_460 = arith.constant 16 : i32
        %mul3A_461 = arith.muli %scan3A_422, %mul3A_460 : i32
        %add3A_462 = arith.constant 1280 : i32
        %add3A_463 = arith.addi %add3A_462, %mul3A_461 : i32
        %get3A_464 = arith.index_cast %add3A_463 : i32 to index
        %get3A_465 = tpu.vector_load %arg12[%get3A_464] {strides = array<i32>} : memref<8192xi32, #tpu.memory_space<vmem>>, vector<16xi32>,
        %add3A_466 = arith.addi %add3A_459, %get3A_465 : vector<16xi32>
        %mul3A_467 = arith.constant 16 : i32
        %mul3A_468 = arith.muli %scan3A_422, %mul3A_467 : i32
        %add3A_469 = arith.constant 1536 : i32
        %add3A_470 = arith.addi %add3A_469, %mul3A_468 : i32
        %get3A_471 = arith.index_cast %add3A_470 : i32 to index
        %get3A_472 = tpu.vector_load %arg12[%get3A_471] {strides = array<i32>} : memref<8192xi32, #tpu.memory_space<vmem>>, vector<16xi32>,
        %add3A_473 = arith.addi %add3A_466, %get3A_472 : vector<16xi32>
        %mul3A_474 = arith.constant 16 : i32
        %mul3A_475 = arith.muli %scan3A_422, %mul3A_474 : i32
        %add3A_476 = arith.constant 1792 : i32
        %add3A_477 = arith.addi %add3A_476, %mul3A_475 : i32
        %get3A_478 = arith.index_cast %add3A_477 : i32 to index
        %get3A_479 = tpu.vector_load %arg12[%get3A_478] {strides = array<i32>} : memref<8192xi32, #tpu.memory_space<vmem>>, vector<16xi32>,
        %add3A_480 = arith.addi %add3A_473, %get3A_479 : vector<16xi32>
        %mul3A_481 = arith.constant 16 : i32
        %mul3A_482 = arith.muli %scan3A_422, %mul3A_481 : i32
        %add3A_483 = arith.constant 2048 : i32
        %add3A_484 = arith.addi %add3A_483, %mul3A_482 : i32
        %get3A_485 = arith.index_cast %add3A_484 : i32 to index
        %get3A_486 = tpu.vector_load %arg12[%get3A_485] {strides = array<i32>} : memref<8192xi32, #tpu.memory_space<vmem>>, vector<16xi32>,
        %add3A_487 = arith.addi %add3A_480, %get3A_486 : vector<16xi32>
        %mul3A_488 = arith.constant 16 : i32
        %mul3A_489 = arith.muli %scan3A_422, %mul3A_488 : i32
        %add3A_490 = arith.constant 2304 : i32
        %add3A_491 = arith.addi %add3A_490, %mul3A_489 : i32
        %get3A_492 = arith.index_cast %add3A_491 : i32 to index
        %get3A_493 = tpu.vector_load %arg12[%get3A_492] {strides = array<i32>} : memref<8192xi32, #tpu.memory_space<vmem>>, vector<16xi32>,
        %add3A_494 = arith.addi %add3A_487, %get3A_493 : vector<16xi32>
        %mul3A_495 = arith.constant 16 : i32
        %mul3A_496 = arith.muli %scan3A_422, %mul3A_495 : i32
        %add3A_497 = arith.constant 2560 : i32
        %add3A_498 = arith.addi %add3A_497, %mul3A_496 : i32
        %get3A_499 = arith.index_cast %add3A_498 : i32 to index
        %get3A_500 = tpu.vector_load %arg12[%get3A_499] {strides = array<i32>} : memref<8192xi32, #tpu.memory_space<vmem>>, vector<16xi32>,
        %add3A_501 = arith.addi %add3A_494, %get3A_500 : vector<16xi32>
        %mul3A_502 = arith.constant 16 : i32
        %mul3A_503 = arith.muli %scan3A_422, %mul3A_502 : i32
        %add3A_504 = arith.constant 2816 : i32
        %add3A_505 = arith.addi %add3A_504, %mul3A_503 : i32
        %get3A_506 = arith.index_cast %add3A_505 : i32 to index
        %get3A_507 = tpu.vector_load %arg12[%get3A_506] {strides = array<i32>} : memref<8192xi32, #tpu.memory_space<vmem>>, vector<16xi32>,
        %add3A_508 = arith.addi %add3A_501, %get3A_507 : vector<16xi32>
        %mul3A_509 = arith.constant 16 : i32
        %mul3A_510 = arith.muli %scan3A_422, %mul3A_509 : i32
        %add3A_511 = arith.constant 3072 : i32
        %add3A_512 = arith.addi %add3A_511, %mul3A_510 : i32
        %get3A_513 = arith.index_cast %add3A_512 : i32 to index
        %get3A_514 = tpu.vector_load %arg12[%get3A_513] {strides = array<i32>} : memref<8192xi32, #tpu.memory_space<vmem>>, vector<16xi32>,
        %add3A_515 = arith.addi %add3A_508, %get3A_514 : vector<16xi32>
        %mul3A_516 = arith.constant 16 : i32
        %mul3A_517 = arith.muli %scan3A_422, %mul3A_516 : i32
        %add3A_518 = arith.constant 3328 : i32
        %add3A_519 = arith.addi %add3A_518, %mul3A_517 : i32
        %get3A_520 = arith.index_cast %add3A_519 : i32 to index
        %get3A_521 = tpu.vector_load %arg12[%get3A_520] {strides = array<i32>} : memref<8192xi32, #tpu.memory_space<vmem>>, vector<16xi32>,
        %add3A_522 = arith.addi %add3A_515, %get3A_521 : vector<16xi32>
        %mul3A_523 = arith.constant 16 : i32
        %mul3A_524 = arith.muli %scan3A_422, %mul3A_523 : i32
        %add3A_525 = arith.constant 3584 : i32
        %add3A_526 = arith.addi %add3A_525, %mul3A_524 : i32
        %get3A_527 = arith.index_cast %add3A_526 : i32 to index
        %get3A_528 = tpu.vector_load %arg12[%get3A_527] {strides = array<i32>} : memref<8192xi32, #tpu.memory_space<vmem>>, vector<16xi32>,
        %add3A_529 = arith.addi %add3A_522, %get3A_528 : vector<16xi32>
        %mul3A_530 = arith.constant 16 : i32
        %mul3A_531 = arith.muli %scan3A_422, %mul3A_530 : i32
        %add3A_532 = arith.constant 3840 : i32
        %add3A_533 = arith.addi %add3A_532, %mul3A_531 : i32
        %get3A_534 = arith.index_cast %add3A_533 : i32 to index
        %get3A_535 = tpu.vector_load %arg12[%get3A_534] {strides = array<i32>} : memref<8192xi32, #tpu.memory_space<vmem>>, vector<16xi32>,
        %add3A_536 = arith.addi %add3A_529, %get3A_535 : vector<16xi32>
        %mul3A_537 = arith.constant 16 : i32
        %mul3A_538 = arith.muli %scan3A_422, %mul3A_537 : i32
        %swap3A_539 = arith.index_cast %mul3A_538 : i32 to index
        %swap3A_540 = tpu.vector_load %arg13[%swap3A_539] {strides = array<i32>} : memref<512xi32, #tpu.memory_space<vmem>>, vector<16xi32>,
        tpu.vector_store %arg13[%swap3A_539], %add3A_536 {strides = array<i32>} : memref<512xi32, #tpu.memory_space<vmem>>, vector<16xi32>,
        %broadcast_in_dim3A_541 = arith.constant true
        %broadcast_in_dim3A_542 = vector.broadcast %broadcast_in_dim3A_541 : i1 to vector<16xi1>
        %masked_cumsum3A = tpu.scan <sum>, %add3A_536 masked %broadcast_in_dim3A_542 : vector<16xi32>, vector<16xi1> -> vector<16xi32>
        %add3A_543 = vector.broadcast %scan3A_423 : i32 to vector<16xi32>
        %add3A_544 = arith.addi %masked_cumsum3A, %add3A_543 : vector<16xi32>
        %lt3A_545 = vector.broadcast %sub3A_72 : i32 to vector<16xi32>
        %lt3A_546 = arith.cmpi slt, %add3A_544, %lt3A_545 : vector<16xi32>
        %all_reduce_population_count3A = tpu.all_reduce %lt3A_546 {dim = 0 : i64, kind = #tpu.reduction_kind<sum>} : vector<16xi1> -> vector<16xi32>
        %add3A_547 = arith.addi %scan3A_424, %all_reduce_population_count3A : vector<16xi32>
        %reduce_max3A_548 = arith.constant true
        %reduce_max3A_549 = vector.broadcast %reduce_max3A_548 : i1 to vector<16xi1>
        %reduce_max3A_550 = arith.constant -2147483648 : i32
        %reduce_max3A_551 = vector.broadcast %reduce_max3A_550 : i32 to vector<16xi32>
        %reduce_max3A_552 = arith.xori %add3A_544, %reduce_max3A_551 : vector<16xi32>
        %reduce_max3A_553 = tpu.scan <max>, %reduce_max3A_552 masked %reduce_max3A_549 : vector<16xi32>, vector<16xi1> -> vector<16xi32>
        %reduce_max3A_554 = arith.xori %reduce_max3A_553, %reduce_max3A_551 : vector<16xi32>
        %reduce_max3A_555 = vector.extract %reduce_max3A_554[15] : i32 from vector<16xi32>
        scf.yield %reduce_max3A_555, %add3A_547 : i32, vector<16xi32>
      }
      %scan3A_84 = arith.constant 16 : i32
      %reduce_max3A_85 = arith.constant true
      %reduce_max3A_86 = vector.broadcast %reduce_max3A_85 : i1 to vector<16xi1>
      %reduce_max3A_87 = arith.constant -2147483648 : i32
      %reduce_max3A_88 = vector.broadcast %reduce_max3A_87 : i32 to vector<16xi32>
      %reduce_max3A_89 = arith.xori %scan3A_83#1, %reduce_max3A_88 : vector<16xi32>
      %reduce_max3A_90 = tpu.scan <max>, %reduce_max3A_89 masked %reduce_max3A_86 : vector<16xi32>, vector<16xi1> -> vector<16xi32>
      %reduce_max3A_91 = arith.xori %reduce_max3A_90, %reduce_max3A_88 : vector<16xi32>
      %reduce_max3A_92 = vector.extract %reduce_max3A_91[15] : i32 from vector<16xi32>
      %scan3A_93 = arith.constant 0 : i32
      %scan3A_94 = arith.constant 16 : i32
      %scan3A_95 = arith.addi %scan3A_93, %scan3A_94 : i32
      %scan3A_96 = arith.constant 1 : i32
      %scan3A_97 = scf.for %scan3A_422 = %scan3A_93 to %scan3A_95 step %scan3A_96 iter_args(%scan3A_423 = %broadcast_in_dim3A_2) -> (vector<16xi32>)  : i32 {
        %mul3A_424 = arith.constant 16 : i32
        %mul3A_425 = arith.muli %scan3A_422, %mul3A_424 : i32
        %get3A_426 = arith.index_cast %mul3A_425 : i32 to index
        %get3A_427 = tpu.vector_load %arg13[%get3A_426] {strides = array<i32>} : memref<512xi32, #tpu.memory_space<vmem>>, vector<16xi32>,
        %mul3A_428 = arith.constant 16 : i32
        %mul3A_429 = arith.muli %scan3A_422, %mul3A_428 : i32
        %add3A_430 = vector.broadcast %mul3A_429 : i32 to vector<16xi32>
        %add3A_431 = arith.addi %add3A_430, %iota3A : vector<16xi32>
        %lt3A_432 = vector.broadcast %reduce_max3A_92 : i32 to vector<16xi32>
        %lt3A_433 = arith.cmpi slt, %add3A_431, %lt3A_432 : vector<16xi32>
        %jit3A = arith.constant 0 : i32
        %broadcast_in_dim3A_434 = vector.broadcast %jit3A : i32 to vector<16xi32>
        %select_n3A_435 = arith.select %lt3A_433, %get3A_427, %broadcast_in_dim3A_434 : vector<16xi1>, vector<16xi32>
        %add3A_436 = arith.addi %scan3A_423, %select_n3A_435 : vector<16xi32>
        scf.yield %add3A_436 : vector<16xi32>
      }
      %scan3A_98 = arith.constant 16 : i32
      %reduce_sum3A = arith.constant true
      %reduce_sum3A_99 = vector.broadcast %reduce_sum3A : i1 to vector<16xi1>
      %reduce_sum3A_100 = tpu.scan <sum>, %scan3A_97 masked %reduce_sum3A_99 : vector<16xi32>, vector<16xi1> -> vector<16xi32>
      %reduce_sum3A_101 = vector.extract %reduce_sum3A_100[15] : i32 from vector<16xi32>
      %parallel_loop3A_102 = arith.constant 0 : i32
      %parallel_loop3A_103 = arith.constant 1 : i32
      scf.for %parallel_loop3A_422 = %parallel_loop3A_102 to %shift_right_logical3A_70 step %parallel_loop3A_103  : i32 {
        %parallel_loop3A_423 = arith.constant 16 : i32
        %parallel_loop3A_424 = arith.muli %parallel_loop3A_422, %parallel_loop3A_423 : i32
        %parallel_loop3A_425 = arith.index_cast %parallel_loop3A_424 : i32 to index
        %parallel_loop3A_426 = tpu.vector_load %arg10[%parallel_loop3A_425] {strides = array<i32>} : memref<4096xi32, #tpu.memory_space<vmem>>, vector<16xi32>,
        %parallel_loop3A_427 = arith.constant 16 : i32
        %parallel_loop3A_428 = arith.muli %parallel_loop3A_422, %parallel_loop3A_427 : i32
        %parallel_loop3A_429 = vector.broadcast %parallel_loop3A_428 : i32 to vector<16xi32>
        %parallel_loop3A_430 = arith.addi %parallel_loop3A_429, %iota3A : vector<16xi32>
        %parallel_loop3A_431 = vector.broadcast %reduce_max3A_67 : i32 to vector<16xi32>
        %parallel_loop3A_432 = arith.cmpi slt, %parallel_loop3A_430, %parallel_loop3A_431 : vector<16xi32>
        %parallel_loop3A_433 = arith.cmpi sge, %parallel_loop3A_426, %broadcast_in_dim3A_74 : vector<16xi32>
        %parallel_loop3A_434 = arith.cmpi slt, %parallel_loop3A_426, %broadcast_in_dim3A_75 : vector<16xi32>
        %parallel_loop3A_435 = arith.andi %parallel_loop3A_433, %parallel_loop3A_434 : vector<16xi1>
        %parallel_loop3A_436 = arith.andi %parallel_loop3A_435, %parallel_loop3A_432 : vector<16xi1>
        %parallel_loop3A_437 = arith.constant 23 : i32
        %parallel_loop3A_438 = vector.broadcast %parallel_loop3A_437 : i32 to vector<16xi32>
        %parallel_loop3A_439 = arith.shrui %parallel_loop3A_426, %parallel_loop3A_438 : vector<16xi32>
        %parallel_loop3A_440 = arith.constant 255 : i32
        %parallel_loop3A_441 = vector.broadcast %parallel_loop3A_440 : i32 to vector<16xi32>
        %parallel_loop3A_442 = arith.andi %parallel_loop3A_439, %parallel_loop3A_441 : vector<16xi32>
        %parallel_loop3A_443 = arith.constant 256 : i32
        %parallel_loop3A_444 = vector.broadcast %parallel_loop3A_443 : i32 to vector<16xi32>
        %parallel_loop3A_445 = arith.muli %iota3A, %parallel_loop3A_444 : vector<16xi32>
        %parallel_loop3A_446 = arith.addi %parallel_loop3A_445, %parallel_loop3A_442 : vector<16xi32>
        tpu.vector_store_idx %arg12[%parallel_loop3A_446], %neg3A_6 masked %parallel_loop3A_436 {add = true} : memref<8192xi32, #tpu.memory_space<vmem>>[vector<16xi32>], vector<16xi32>, vector<16xi1>
      } {sc.loop_unroll_factor = 4 : i64, sc.parallel_access}
      %shift_left3A_104 = arith.constant 23 : i32
      %shift_left3A_105 = arith.shli %reduce_max3A_92, %shift_left3A_104 : i32
      %add3A_106 = arith.constant 0 : i32
      %add3A_107 = arith.addi %add3A_106, %shift_left3A_105 : i32
      %shift_left3A_108 = arith.constant 1 : i32
      %shift_left3A_109 = arith.constant 23 : i32
      %shift_left3A_110 = arith.shli %shift_left3A_108, %shift_left3A_109 : i32
      %add3A_111 = arith.addi %add3A_107, %shift_left3A_110 : i32
      %add3A_112 = arith.constant 0 : i32
      %add3A_113 = arith.addi %add3A_112, %reduce_sum3A_101 : i32
      %sub3A_114 = arith.constant 50 : i32
      %sub3A_115 = arith.subi %sub3A_114, %add3A_113 : i32
      %broadcast_in_dim3A_116 = vector.broadcast %add3A_107 : i32 to vector<16xi32>
      %broadcast_in_dim3A_117 = vector.broadcast %add3A_111 : i32 to vector<16xi32>
      %parallel_loop3A_118 = arith.constant 0 : i32
      %parallel_loop3A_119 = arith.constant 1 : i32
      scf.for %parallel_loop3A_422 = %parallel_loop3A_118 to %shift_right_logical3A_70 step %parallel_loop3A_119  : i32 {
        %parallel_loop3A_423 = arith.constant 16 : i32
        %parallel_loop3A_424 = arith.muli %parallel_loop3A_422, %parallel_loop3A_423 : i32
        %parallel_loop3A_425 = arith.index_cast %parallel_loop3A_424 : i32 to index
        %parallel_loop3A_426 = tpu.vector_load %arg10[%parallel_loop3A_425] {strides = array<i32>} : memref<4096xi32, #tpu.memory_space<vmem>>, vector<16xi32>,
        %parallel_loop3A_427 = arith.constant 16 : i32
        %parallel_loop3A_428 = arith.muli %parallel_loop3A_422, %parallel_loop3A_427 : i32
        %parallel_loop3A_429 = vector.broadcast %parallel_loop3A_428 : i32 to vector<16xi32>
        %parallel_loop3A_430 = arith.addi %parallel_loop3A_429, %iota3A : vector<16xi32>
        %parallel_loop3A_431 = vector.broadcast %reduce_max3A_67 : i32 to vector<16xi32>
        %parallel_loop3A_432 = arith.cmpi slt, %parallel_loop3A_430, %parallel_loop3A_431 : vector<16xi32>
        %parallel_loop3A_433 = arith.cmpi sge, %parallel_loop3A_426, %broadcast_in_dim3A_116 : vector<16xi32>
        %parallel_loop3A_434 = arith.cmpi slt, %parallel_loop3A_426, %broadcast_in_dim3A_117 : vector<16xi32>
        %parallel_loop3A_435 = arith.andi %parallel_loop3A_433, %parallel_loop3A_434 : vector<16xi1>
        %parallel_loop3A_436 = arith.andi %parallel_loop3A_435, %parallel_loop3A_432 : vector<16xi1>
        %parallel_loop3A_437 = arith.constant 15 : i32
        %parallel_loop3A_438 = vector.broadcast %parallel_loop3A_437 : i32 to vector<16xi32>
        %parallel_loop3A_439 = arith.shrui %parallel_loop3A_426, %parallel_loop3A_438 : vector<16xi32>
        %parallel_loop3A_440 = arith.constant 255 : i32
        %parallel_loop3A_441 = vector.broadcast %parallel_loop3A_440 : i32 to vector<16xi32>
        %parallel_loop3A_442 = arith.andi %parallel_loop3A_439, %parallel_loop3A_441 : vector<16xi32>
        %parallel_loop3A_443 = arith.constant 256 : i32
        %parallel_loop3A_444 = vector.broadcast %parallel_loop3A_443 : i32 to vector<16xi32>
        %parallel_loop3A_445 = arith.muli %iota3A, %parallel_loop3A_444 : vector<16xi32>
        %parallel_loop3A_446 = arith.addi %parallel_loop3A_445, %parallel_loop3A_442 : vector<16xi32>
        tpu.vector_store_idx %arg12[%parallel_loop3A_446], %broadcast_in_dim3A_4 masked %parallel_loop3A_436 {add = true} : memref<8192xi32, #tpu.memory_space<vmem>>[vector<16xi32>], vector<16xi32>, vector<16xi1>
      } {sc.loop_unroll_factor = 4 : i64, sc.parallel_access}
      %scan3A_120 = arith.constant 0 : i32
      %scan3A_121 = arith.constant 0 : i32
      %scan3A_122 = arith.constant 16 : i32
      %scan3A_123 = arith.addi %scan3A_121, %scan3A_122 : i32
      %scan3A_124 = arith.constant 1 : i32
      %scan3A_125:2 = scf.for %scan3A_422 = %scan3A_121 to %scan3A_123 step %scan3A_124 iter_args(%scan3A_423 = %scan3A_120, %scan3A_424 = %broadcast_in_dim3A_2) -> (i32, vector<16xi32>)  : i32 {
        %mul3A_425 = arith.constant 16 : i32
        %mul3A_426 = arith.muli %scan3A_422, %mul3A_425 : i32
        %add3A_427 = arith.constant 0 : i32
        %add3A_428 = arith.addi %add3A_427, %mul3A_426 : i32
        %get3A_429 = arith.index_cast %add3A_428 : i32 to index
        %get3A_430 = tpu.vector_load %arg12[%get3A_429] {strides = array<i32>} : memref<8192xi32, #tpu.memory_space<vmem>>, vector<16xi32>,
        %add3A_431 = arith.addi %broadcast_in_dim3A_2, %get3A_430 : vector<16xi32>
        %mul3A_432 = arith.constant 16 : i32
        %mul3A_433 = arith.muli %scan3A_422, %mul3A_432 : i32
        %add3A_434 = arith.constant 256 : i32
        %add3A_435 = arith.addi %add3A_434, %mul3A_433 : i32
        %get3A_436 = arith.index_cast %add3A_435 : i32 to index
        %get3A_437 = tpu.vector_load %arg12[%get3A_436] {strides = array<i32>} : memref<8192xi32, #tpu.memory_space<vmem>>, vector<16xi32>,
        %add3A_438 = arith.addi %add3A_431, %get3A_437 : vector<16xi32>
        %mul3A_439 = arith.constant 16 : i32
        %mul3A_440 = arith.muli %scan3A_422, %mul3A_439 : i32
        %add3A_441 = arith.constant 512 : i32
        %add3A_442 = arith.addi %add3A_441, %mul3A_440 : i32
        %get3A_443 = arith.index_cast %add3A_442 : i32 to index
        %get3A_444 = tpu.vector_load %arg12[%get3A_443] {strides = array<i32>} : memref<8192xi32, #tpu.memory_space<vmem>>, vector<16xi32>,
        %add3A_445 = arith.addi %add3A_438, %get3A_444 : vector<16xi32>
        %mul3A_446 = arith.constant 16 : i32
        %mul3A_447 = arith.muli %scan3A_422, %mul3A_446 : i32
        %add3A_448 = arith.constant 768 : i32
        %add3A_449 = arith.addi %add3A_448, %mul3A_447 : i32
        %get3A_450 = arith.index_cast %add3A_449 : i32 to index
        %get3A_451 = tpu.vector_load %arg12[%get3A_450] {strides = array<i32>} : memref<8192xi32, #tpu.memory_space<vmem>>, vector<16xi32>,
        %add3A_452 = arith.addi %add3A_445, %get3A_451 : vector<16xi32>
        %mul3A_453 = arith.constant 16 : i32
        %mul3A_454 = arith.muli %scan3A_422, %mul3A_453 : i32
        %add3A_455 = arith.constant 1024 : i32
        %add3A_456 = arith.addi %add3A_455, %mul3A_454 : i32
        %get3A_457 = arith.index_cast %add3A_456 : i32 to index
        %get3A_458 = tpu.vector_load %arg12[%get3A_457] {strides = array<i32>} : memref<8192xi32, #tpu.memory_space<vmem>>, vector<16xi32>,
        %add3A_459 = arith.addi %add3A_452, %get3A_458 : vector<16xi32>
        %mul3A_460 = arith.constant 16 : i32
        %mul3A_461 = arith.muli %scan3A_422, %mul3A_460 : i32
        %add3A_462 = arith.constant 1280 : i32
        %add3A_463 = arith.addi %add3A_462, %mul3A_461 : i32
        %get3A_464 = arith.index_cast %add3A_463 : i32 to index
        %get3A_465 = tpu.vector_load %arg12[%get3A_464] {strides = array<i32>} : memref<8192xi32, #tpu.memory_space<vmem>>, vector<16xi32>,
        %add3A_466 = arith.addi %add3A_459, %get3A_465 : vector<16xi32>
        %mul3A_467 = arith.constant 16 : i32
        %mul3A_468 = arith.muli %scan3A_422, %mul3A_467 : i32
        %add3A_469 = arith.constant 1536 : i32
        %add3A_470 = arith.addi %add3A_469, %mul3A_468 : i32
        %get3A_471 = arith.index_cast %add3A_470 : i32 to index
        %get3A_472 = tpu.vector_load %arg12[%get3A_471] {strides = array<i32>} : memref<8192xi32, #tpu.memory_space<vmem>>, vector<16xi32>,
        %add3A_473 = arith.addi %add3A_466, %get3A_472 : vector<16xi32>
        %mul3A_474 = arith.constant 16 : i32
        %mul3A_475 = arith.muli %scan3A_422, %mul3A_474 : i32
        %add3A_476 = arith.constant 1792 : i32
        %add3A_477 = arith.addi %add3A_476, %mul3A_475 : i32
        %get3A_478 = arith.index_cast %add3A_477 : i32 to index
        %get3A_479 = tpu.vector_load %arg12[%get3A_478] {strides = array<i32>} : memref<8192xi32, #tpu.memory_space<vmem>>, vector<16xi32>,
        %add3A_480 = arith.addi %add3A_473, %get3A_479 : vector<16xi32>
        %mul3A_481 = arith.constant 16 : i32
        %mul3A_482 = arith.muli %scan3A_422, %mul3A_481 : i32
        %add3A_483 = arith.constant 2048 : i32
        %add3A_484 = arith.addi %add3A_483, %mul3A_482 : i32
        %get3A_485 = arith.index_cast %add3A_484 : i32 to index
        %get3A_486 = tpu.vector_load %arg12[%get3A_485] {strides = array<i32>} : memref<8192xi32, #tpu.memory_space<vmem>>, vector<16xi32>,
        %add3A_487 = arith.addi %add3A_480, %get3A_486 : vector<16xi32>
        %mul3A_488 = arith.constant 16 : i32
        %mul3A_489 = arith.muli %scan3A_422, %mul3A_488 : i32
        %add3A_490 = arith.constant 2304 : i32
        %add3A_491 = arith.addi %add3A_490, %mul3A_489 : i32
        %get3A_492 = arith.index_cast %add3A_491 : i32 to index
        %get3A_493 = tpu.vector_load %arg12[%get3A_492] {strides = array<i32>} : memref<8192xi32, #tpu.memory_space<vmem>>, vector<16xi32>,
        %add3A_494 = arith.addi %add3A_487, %get3A_493 : vector<16xi32>
        %mul3A_495 = arith.constant 16 : i32
        %mul3A_496 = arith.muli %scan3A_422, %mul3A_495 : i32
        %add3A_497 = arith.constant 2560 : i32
        %add3A_498 = arith.addi %add3A_497, %mul3A_496 : i32
        %get3A_499 = arith.index_cast %add3A_498 : i32 to index
        %get3A_500 = tpu.vector_load %arg12[%get3A_499] {strides = array<i32>} : memref<8192xi32, #tpu.memory_space<vmem>>, vector<16xi32>,
        %add3A_501 = arith.addi %add3A_494, %get3A_500 : vector<16xi32>
        %mul3A_502 = arith.constant 16 : i32
        %mul3A_503 = arith.muli %scan3A_422, %mul3A_502 : i32
        %add3A_504 = arith.constant 2816 : i32
        %add3A_505 = arith.addi %add3A_504, %mul3A_503 : i32
        %get3A_506 = arith.index_cast %add3A_505 : i32 to index
        %get3A_507 = tpu.vector_load %arg12[%get3A_506] {strides = array<i32>} : memref<8192xi32, #tpu.memory_space<vmem>>, vector<16xi32>,
        %add3A_508 = arith.addi %add3A_501, %get3A_507 : vector<16xi32>
        %mul3A_509 = arith.constant 16 : i32
        %mul3A_510 = arith.muli %scan3A_422, %mul3A_509 : i32
        %add3A_511 = arith.constant 3072 : i32
        %add3A_512 = arith.addi %add3A_511, %mul3A_510 : i32
        %get3A_513 = arith.index_cast %add3A_512 : i32 to index
        %get3A_514 = tpu.vector_load %arg12[%get3A_513] {strides = array<i32>} : memref<8192xi32, #tpu.memory_space<vmem>>, vector<16xi32>,
        %add3A_515 = arith.addi %add3A_508, %get3A_514 : vector<16xi32>
        %mul3A_516 = arith.constant 16 : i32
        %mul3A_517 = arith.muli %scan3A_422, %mul3A_516 : i32
        %add3A_518 = arith.constant 3328 : i32
        %add3A_519 = arith.addi %add3A_518, %mul3A_517 : i32
        %get3A_520 = arith.index_cast %add3A_519 : i32 to index
        %get3A_521 = tpu.vector_load %arg12[%get3A_520] {strides = array<i32>} : memref<8192xi32, #tpu.memory_space<vmem>>, vector<16xi32>,
        %add3A_522 = arith.addi %add3A_515, %get3A_521 : vector<16xi32>
        %mul3A_523 = arith.constant 16 : i32
        %mul3A_524 = arith.muli %scan3A_422, %mul3A_523 : i32
        %add3A_525 = arith.constant 3584 : i32
        %add3A_526 = arith.addi %add3A_525, %mul3A_524 : i32
        %get3A_527 = arith.index_cast %add3A_526 : i32 to index
        %get3A_528 = tpu.vector_load %arg12[%get3A_527] {strides = array<i32>} : memref<8192xi32, #tpu.memory_space<vmem>>, vector<16xi32>,
        %add3A_529 = arith.addi %add3A_522, %get3A_528 : vector<16xi32>
        %mul3A_530 = arith.constant 16 : i32
        %mul3A_531 = arith.muli %scan3A_422, %mul3A_530 : i32
        %add3A_532 = arith.constant 3840 : i32
        %add3A_533 = arith.addi %add3A_532, %mul3A_531 : i32
        %get3A_534 = arith.index_cast %add3A_533 : i32 to index
        %get3A_535 = tpu.vector_load %arg12[%get3A_534] {strides = array<i32>} : memref<8192xi32, #tpu.memory_space<vmem>>, vector<16xi32>,
        %add3A_536 = arith.addi %add3A_529, %get3A_535 : vector<16xi32>
        %mul3A_537 = arith.constant 16 : i32
        %mul3A_538 = arith.muli %scan3A_422, %mul3A_537 : i32
        %swap3A_539 = arith.index_cast %mul3A_538 : i32 to index
        %swap3A_540 = tpu.vector_load %arg13[%swap3A_539] {strides = array<i32>} : memref<512xi32, #tpu.memory_space<vmem>>, vector<16xi32>,
        tpu.vector_store %arg13[%swap3A_539], %add3A_536 {strides = array<i32>} : memref<512xi32, #tpu.memory_space<vmem>>, vector<16xi32>,
        %broadcast_in_dim3A_541 = arith.constant true
        %broadcast_in_dim3A_542 = vector.broadcast %broadcast_in_dim3A_541 : i1 to vector<16xi1>
        %masked_cumsum3A = tpu.scan <sum>, %add3A_536 masked %broadcast_in_dim3A_542 : vector<16xi32>, vector<16xi1> -> vector<16xi32>
        %add3A_543 = vector.broadcast %scan3A_423 : i32 to vector<16xi32>
        %add3A_544 = arith.addi %masked_cumsum3A, %add3A_543 : vector<16xi32>
        %lt3A_545 = vector.broadcast %sub3A_115 : i32 to vector<16xi32>
        %lt3A_546 = arith.cmpi slt, %add3A_544, %lt3A_545 : vector<16xi32>
        %all_reduce_population_count3A = tpu.all_reduce %lt3A_546 {dim = 0 : i64, kind = #tpu.reduction_kind<sum>} : vector<16xi1> -> vector<16xi32>
        %add3A_547 = arith.addi %scan3A_424, %all_reduce_population_count3A : vector<16xi32>
        %reduce_max3A_548 = arith.constant true
        %reduce_max3A_549 = vector.broadcast %reduce_max3A_548 : i1 to vector<16xi1>
        %reduce_max3A_550 = arith.constant -2147483648 : i32
        %reduce_max3A_551 = vector.broadcast %reduce_max3A_550 : i32 to vector<16xi32>
        %reduce_max3A_552 = arith.xori %add3A_544, %reduce_max3A_551 : vector<16xi32>
        %reduce_max3A_553 = tpu.scan <max>, %reduce_max3A_552 masked %reduce_max3A_549 : vector<16xi32>, vector<16xi1> -> vector<16xi32>
        %reduce_max3A_554 = arith.xori %reduce_max3A_553, %reduce_max3A_551 : vector<16xi32>
        %reduce_max3A_555 = vector.extract %reduce_max3A_554[15] : i32 from vector<16xi32>
        scf.yield %reduce_max3A_555, %add3A_547 : i32, vector<16xi32>
      }
      %scan3A_126 = arith.constant 16 : i32
      %reduce_max3A_127 = arith.constant true
      %reduce_max3A_128 = vector.broadcast %reduce_max3A_127 : i1 to vector<16xi1>
      %reduce_max3A_129 = arith.constant -2147483648 : i32
      %reduce_max3A_130 = vector.broadcast %reduce_max3A_129 : i32 to vector<16xi32>
      %reduce_max3A_131 = arith.xori %scan3A_125#1, %reduce_max3A_130 : vector<16xi32>
      %reduce_max3A_132 = tpu.scan <max>, %reduce_max3A_131 masked %reduce_max3A_128 : vector<16xi32>, vector<16xi1> -> vector<16xi32>
      %reduce_max3A_133 = arith.xori %reduce_max3A_132, %reduce_max3A_130 : vector<16xi32>
      %reduce_max3A_134 = vector.extract %reduce_max3A_133[15] : i32 from vector<16xi32>
      %scan3A_135 = arith.constant 0 : i32
      %scan3A_136 = arith.constant 16 : i32
      %scan3A_137 = arith.addi %scan3A_135, %scan3A_136 : i32
      %scan3A_138 = arith.constant 1 : i32
      %scan3A_139 = scf.for %scan3A_422 = %scan3A_135 to %scan3A_137 step %scan3A_138 iter_args(%scan3A_423 = %broadcast_in_dim3A_2) -> (vector<16xi32>)  : i32 {
        %mul3A_424 = arith.constant 16 : i32
        %mul3A_425 = arith.muli %scan3A_422, %mul3A_424 : i32
        %get3A_426 = arith.index_cast %mul3A_425 : i32 to index
        %get3A_427 = tpu.vector_load %arg13[%get3A_426] {strides = array<i32>} : memref<512xi32, #tpu.memory_space<vmem>>, vector<16xi32>,
        %mul3A_428 = arith.constant 16 : i32
        %mul3A_429 = arith.muli %scan3A_422, %mul3A_428 : i32
        %add3A_430 = vector.broadcast %mul3A_429 : i32 to vector<16xi32>
        %add3A_431 = arith.addi %add3A_430, %iota3A : vector<16xi32>
        %lt3A_432 = vector.broadcast %reduce_max3A_134 : i32 to vector<16xi32>
        %lt3A_433 = arith.cmpi slt, %add3A_431, %lt3A_432 : vector<16xi32>
        %jit3A = arith.constant 0 : i32
        %broadcast_in_dim3A_434 = vector.broadcast %jit3A : i32 to vector<16xi32>
        %select_n3A_435 = arith.select %lt3A_433, %get3A_427, %broadcast_in_dim3A_434 : vector<16xi1>, vector<16xi32>
        %add3A_436 = arith.addi %scan3A_423, %select_n3A_435 : vector<16xi32>
        scf.yield %add3A_436 : vector<16xi32>
      }
      %scan3A_140 = arith.constant 16 : i32
      %reduce_sum3A_141 = arith.constant true
      %reduce_sum3A_142 = vector.broadcast %reduce_sum3A_141 : i1 to vector<16xi1>
      %reduce_sum3A_143 = tpu.scan <sum>, %scan3A_139 masked %reduce_sum3A_142 : vector<16xi32>, vector<16xi1> -> vector<16xi32>
      %reduce_sum3A_144 = vector.extract %reduce_sum3A_143[15] : i32 from vector<16xi32>
      %parallel_loop3A_145 = arith.constant 0 : i32
      %parallel_loop3A_146 = arith.constant 1 : i32
      scf.for %parallel_loop3A_422 = %parallel_loop3A_145 to %shift_right_logical3A_70 step %parallel_loop3A_146  : i32 {
        %parallel_loop3A_423 = arith.constant 16 : i32
        %parallel_loop3A_424 = arith.muli %parallel_loop3A_422, %parallel_loop3A_423 : i32
        %parallel_loop3A_425 = arith.index_cast %parallel_loop3A_424 : i32 to index
        %parallel_loop3A_426 = tpu.vector_load %arg10[%parallel_loop3A_425] {strides = array<i32>} : memref<4096xi32, #tpu.memory_space<vmem>>, vector<16xi32>,
        %parallel_loop3A_427 = arith.constant 16 : i32
        %parallel_loop3A_428 = arith.muli %parallel_loop3A_422, %parallel_loop3A_427 : i32
        %parallel_loop3A_429 = vector.broadcast %parallel_loop3A_428 : i32 to vector<16xi32>
        %parallel_loop3A_430 = arith.addi %parallel_loop3A_429, %iota3A : vector<16xi32>
        %parallel_loop3A_431 = vector.broadcast %reduce_max3A_67 : i32 to vector<16xi32>
        %parallel_loop3A_432 = arith.cmpi slt, %parallel_loop3A_430, %parallel_loop3A_431 : vector<16xi32>
        %parallel_loop3A_433 = arith.cmpi sge, %parallel_loop3A_426, %broadcast_in_dim3A_116 : vector<16xi32>
        %parallel_loop3A_434 = arith.cmpi slt, %parallel_loop3A_426, %broadcast_in_dim3A_117 : vector<16xi32>
        %parallel_loop3A_435 = arith.andi %parallel_loop3A_433, %parallel_loop3A_434 : vector<16xi1>
        %parallel_loop3A_436 = arith.andi %parallel_loop3A_435, %parallel_loop3A_432 : vector<16xi1>
        %parallel_loop3A_437 = arith.constant 15 : i32
        %parallel_loop3A_438 = vector.broadcast %parallel_loop3A_437 : i32 to vector<16xi32>
        %parallel_loop3A_439 = arith.shrui %parallel_loop3A_426, %parallel_loop3A_438 : vector<16xi32>
        %parallel_loop3A_440 = arith.constant 255 : i32
        %parallel_loop3A_441 = vector.broadcast %parallel_loop3A_440 : i32 to vector<16xi32>
        %parallel_loop3A_442 = arith.andi %parallel_loop3A_439, %parallel_loop3A_441 : vector<16xi32>
        %parallel_loop3A_443 = arith.constant 256 : i32
        %parallel_loop3A_444 = vector.broadcast %parallel_loop3A_443 : i32 to vector<16xi32>
        %parallel_loop3A_445 = arith.muli %iota3A, %parallel_loop3A_444 : vector<16xi32>
        %parallel_loop3A_446 = arith.addi %parallel_loop3A_445, %parallel_loop3A_442 : vector<16xi32>
        tpu.vector_store_idx %arg12[%parallel_loop3A_446], %neg3A_6 masked %parallel_loop3A_436 {add = true} : memref<8192xi32, #tpu.memory_space<vmem>>[vector<16xi32>], vector<16xi32>, vector<16xi1>
      } {sc.loop_unroll_factor = 4 : i64, sc.parallel_access}
      %shift_left3A_147 = arith.constant 15 : i32
      %shift_left3A_148 = arith.shli %reduce_max3A_134, %shift_left3A_147 : i32
      %add3A_149 = arith.addi %add3A_107, %shift_left3A_148 : i32
      %shift_left3A_150 = arith.constant 1 : i32
      %shift_left3A_151 = arith.constant 15 : i32
      %shift_left3A_152 = arith.shli %shift_left3A_150, %shift_left3A_151 : i32
      %add3A_153 = arith.addi %add3A_149, %shift_left3A_152 : i32
      %add3A_154 = arith.addi %add3A_113, %reduce_sum3A_144 : i32
      %sub3A_155 = arith.constant 50 : i32
      %sub3A_156 = arith.subi %sub3A_155, %add3A_154 : i32
      %broadcast_in_dim3A_157 = vector.broadcast %add3A_149 : i32 to vector<16xi32>
      %broadcast_in_dim3A_158 = vector.broadcast %add3A_153 : i32 to vector<16xi32>
      %parallel_loop3A_159 = arith.constant 0 : i32
      %parallel_loop3A_160 = arith.constant 1 : i32
      scf.for %parallel_loop3A_422 = %parallel_loop3A_159 to %shift_right_logical3A_70 step %parallel_loop3A_160  : i32 {
        %parallel_loop3A_423 = arith.constant 16 : i32
        %parallel_loop3A_424 = arith.muli %parallel_loop3A_422, %parallel_loop3A_423 : i32
        %parallel_loop3A_425 = arith.index_cast %parallel_loop3A_424 : i32 to index
        %parallel_loop3A_426 = tpu.vector_load %arg10[%parallel_loop3A_425] {strides = array<i32>} : memref<4096xi32, #tpu.memory_space<vmem>>, vector<16xi32>,
        %parallel_loop3A_427 = arith.constant 16 : i32
        %parallel_loop3A_428 = arith.muli %parallel_loop3A_422, %parallel_loop3A_427 : i32
        %parallel_loop3A_429 = vector.broadcast %parallel_loop3A_428 : i32 to vector<16xi32>
        %parallel_loop3A_430 = arith.addi %parallel_loop3A_429, %iota3A : vector<16xi32>
        %parallel_loop3A_431 = vector.broadcast %reduce_max3A_67 : i32 to vector<16xi32>
        %parallel_loop3A_432 = arith.cmpi slt, %parallel_loop3A_430, %parallel_loop3A_431 : vector<16xi32>
        %parallel_loop3A_433 = arith.cmpi sge, %parallel_loop3A_426, %broadcast_in_dim3A_157 : vector<16xi32>
        %parallel_loop3A_434 = arith.cmpi slt, %parallel_loop3A_426, %broadcast_in_dim3A_158 : vector<16xi32>
        %parallel_loop3A_435 = arith.andi %parallel_loop3A_433, %parallel_loop3A_434 : vector<16xi1>
        %parallel_loop3A_436 = arith.andi %parallel_loop3A_435, %parallel_loop3A_432 : vector<16xi1>
        %parallel_loop3A_437 = arith.constant 7 : i32
        %parallel_loop3A_438 = vector.broadcast %parallel_loop3A_437 : i32 to vector<16xi32>
        %parallel_loop3A_439 = arith.shrui %parallel_loop3A_426, %parallel_loop3A_438 : vector<16xi32>
        %parallel_loop3A_440 = arith.constant 255 : i32
        %parallel_loop3A_441 = vector.broadcast %parallel_loop3A_440 : i32 to vector<16xi32>
        %parallel_loop3A_442 = arith.andi %parallel_loop3A_439, %parallel_loop3A_441 : vector<16xi32>
        %parallel_loop3A_443 = arith.constant 256 : i32
        %parallel_loop3A_444 = vector.broadcast %parallel_loop3A_443 : i32 to vector<16xi32>
        %parallel_loop3A_445 = arith.muli %iota3A, %parallel_loop3A_444 : vector<16xi32>
        %parallel_loop3A_446 = arith.addi %parallel_loop3A_445, %parallel_loop3A_442 : vector<16xi32>
        tpu.vector_store_idx %arg12[%parallel_loop3A_446], %broadcast_in_dim3A_4 masked %parallel_loop3A_436 {add = true} : memref<8192xi32, #tpu.memory_space<vmem>>[vector<16xi32>], vector<16xi32>, vector<16xi1>
      } {sc.loop_unroll_factor = 4 : i64, sc.parallel_access}
      %scan3A_161 = arith.constant 0 : i32
      %scan3A_162 = arith.constant 0 : i32
      %scan3A_163 = arith.constant 16 : i32
      %scan3A_164 = arith.addi %scan3A_162, %scan3A_163 : i32
      %scan3A_165 = arith.constant 1 : i32
      %scan3A_166:2 = scf.for %scan3A_422 = %scan3A_162 to %scan3A_164 step %scan3A_165 iter_args(%scan3A_423 = %scan3A_161, %scan3A_424 = %broadcast_in_dim3A_2) -> (i32, vector<16xi32>)  : i32 {
        %mul3A_425 = arith.constant 16 : i32
        %mul3A_426 = arith.muli %scan3A_422, %mul3A_425 : i32
        %add3A_427 = arith.constant 0 : i32
        %add3A_428 = arith.addi %add3A_427, %mul3A_426 : i32
        %get3A_429 = arith.index_cast %add3A_428 : i32 to index
        %get3A_430 = tpu.vector_load %arg12[%get3A_429] {strides = array<i32>} : memref<8192xi32, #tpu.memory_space<vmem>>, vector<16xi32>,
        %add3A_431 = arith.addi %broadcast_in_dim3A_2, %get3A_430 : vector<16xi32>
        %mul3A_432 = arith.constant 16 : i32
        %mul3A_433 = arith.muli %scan3A_422, %mul3A_432 : i32
        %add3A_434 = arith.constant 256 : i32
        %add3A_435 = arith.addi %add3A_434, %mul3A_433 : i32
        %get3A_436 = arith.index_cast %add3A_435 : i32 to index
        %get3A_437 = tpu.vector_load %arg12[%get3A_436] {strides = array<i32>} : memref<8192xi32, #tpu.memory_space<vmem>>, vector<16xi32>,
        %add3A_438 = arith.addi %add3A_431, %get3A_437 : vector<16xi32>
        %mul3A_439 = arith.constant 16 : i32
        %mul3A_440 = arith.muli %scan3A_422, %mul3A_439 : i32
        %add3A_441 = arith.constant 512 : i32
        %add3A_442 = arith.addi %add3A_441, %mul3A_440 : i32
        %get3A_443 = arith.index_cast %add3A_442 : i32 to index
        %get3A_444 = tpu.vector_load %arg12[%get3A_443] {strides = array<i32>} : memref<8192xi32, #tpu.memory_space<vmem>>, vector<16xi32>,
        %add3A_445 = arith.addi %add3A_438, %get3A_444 : vector<16xi32>
        %mul3A_446 = arith.constant 16 : i32
        %mul3A_447 = arith.muli %scan3A_422, %mul3A_446 : i32
        %add3A_448 = arith.constant 768 : i32
        %add3A_449 = arith.addi %add3A_448, %mul3A_447 : i32
        %get3A_450 = arith.index_cast %add3A_449 : i32 to index
        %get3A_451 = tpu.vector_load %arg12[%get3A_450] {strides = array<i32>} : memref<8192xi32, #tpu.memory_space<vmem>>, vector<16xi32>,
        %add3A_452 = arith.addi %add3A_445, %get3A_451 : vector<16xi32>
        %mul3A_453 = arith.constant 16 : i32
        %mul3A_454 = arith.muli %scan3A_422, %mul3A_453 : i32
        %add3A_455 = arith.constant 1024 : i32
        %add3A_456 = arith.addi %add3A_455, %mul3A_454 : i32
        %get3A_457 = arith.index_cast %add3A_456 : i32 to index
        %get3A_458 = tpu.vector_load %arg12[%get3A_457] {strides = array<i32>} : memref<8192xi32, #tpu.memory_space<vmem>>, vector<16xi32>,
        %add3A_459 = arith.addi %add3A_452, %get3A_458 : vector<16xi32>
        %mul3A_460 = arith.constant 16 : i32
        %mul3A_461 = arith.muli %scan3A_422, %mul3A_460 : i32
        %add3A_462 = arith.constant 1280 : i32
        %add3A_463 = arith.addi %add3A_462, %mul3A_461 : i32
        %get3A_464 = arith.index_cast %add3A_463 : i32 to index
        %get3A_465 = tpu.vector_load %arg12[%get3A_464] {strides = array<i32>} : memref<8192xi32, #tpu.memory_space<vmem>>, vector<16xi32>,
        %add3A_466 = arith.addi %add3A_459, %get3A_465 : vector<16xi32>
        %mul3A_467 = arith.constant 16 : i32
        %mul3A_468 = arith.muli %scan3A_422, %mul3A_467 : i32
        %add3A_469 = arith.constant 1536 : i32
        %add3A_470 = arith.addi %add3A_469, %mul3A_468 : i32
        %get3A_471 = arith.index_cast %add3A_470 : i32 to index
        %get3A_472 = tpu.vector_load %arg12[%get3A_471] {strides = array<i32>} : memref<8192xi32, #tpu.memory_space<vmem>>, vector<16xi32>,
        %add3A_473 = arith.addi %add3A_466, %get3A_472 : vector<16xi32>
        %mul3A_474 = arith.constant 16 : i32
        %mul3A_475 = arith.muli %scan3A_422, %mul3A_474 : i32
        %add3A_476 = arith.constant 1792 : i32
        %add3A_477 = arith.addi %add3A_476, %mul3A_475 : i32
        %get3A_478 = arith.index_cast %add3A_477 : i32 to index
        %get3A_479 = tpu.vector_load %arg12[%get3A_478] {strides = array<i32>} : memref<8192xi32, #tpu.memory_space<vmem>>, vector<16xi32>,
        %add3A_480 = arith.addi %add3A_473, %get3A_479 : vector<16xi32>
        %mul3A_481 = arith.constant 16 : i32
        %mul3A_482 = arith.muli %scan3A_422, %mul3A_481 : i32
        %add3A_483 = arith.constant 2048 : i32
        %add3A_484 = arith.addi %add3A_483, %mul3A_482 : i32
        %get3A_485 = arith.index_cast %add3A_484 : i32 to index
        %get3A_486 = tpu.vector_load %arg12[%get3A_485] {strides = array<i32>} : memref<8192xi32, #tpu.memory_space<vmem>>, vector<16xi32>,
        %add3A_487 = arith.addi %add3A_480, %get3A_486 : vector<16xi32>
        %mul3A_488 = arith.constant 16 : i32
        %mul3A_489 = arith.muli %scan3A_422, %mul3A_488 : i32
        %add3A_490 = arith.constant 2304 : i32
        %add3A_491 = arith.addi %add3A_490, %mul3A_489 : i32
        %get3A_492 = arith.index_cast %add3A_491 : i32 to index
        %get3A_493 = tpu.vector_load %arg12[%get3A_492] {strides = array<i32>} : memref<8192xi32, #tpu.memory_space<vmem>>, vector<16xi32>,
        %add3A_494 = arith.addi %add3A_487, %get3A_493 : vector<16xi32>
        %mul3A_495 = arith.constant 16 : i32
        %mul3A_496 = arith.muli %scan3A_422, %mul3A_495 : i32
        %add3A_497 = arith.constant 2560 : i32
        %add3A_498 = arith.addi %add3A_497, %mul3A_496 : i32
        %get3A_499 = arith.index_cast %add3A_498 : i32 to index
        %get3A_500 = tpu.vector_load %arg12[%get3A_499] {strides = array<i32>} : memref<8192xi32, #tpu.memory_space<vmem>>, vector<16xi32>,
        %add3A_501 = arith.addi %add3A_494, %get3A_500 : vector<16xi32>
        %mul3A_502 = arith.constant 16 : i32
        %mul3A_503 = arith.muli %scan3A_422, %mul3A_502 : i32
        %add3A_504 = arith.constant 2816 : i32
        %add3A_505 = arith.addi %add3A_504, %mul3A_503 : i32
        %get3A_506 = arith.index_cast %add3A_505 : i32 to index
        %get3A_507 = tpu.vector_load %arg12[%get3A_506] {strides = array<i32>} : memref<8192xi32, #tpu.memory_space<vmem>>, vector<16xi32>,
        %add3A_508 = arith.addi %add3A_501, %get3A_507 : vector<16xi32>
        %mul3A_509 = arith.constant 16 : i32
        %mul3A_510 = arith.muli %scan3A_422, %mul3A_509 : i32
        %add3A_511 = arith.constant 3072 : i32
        %add3A_512 = arith.addi %add3A_511, %mul3A_510 : i32
        %get3A_513 = arith.index_cast %add3A_512 : i32 to index
        %get3A_514 = tpu.vector_load %arg12[%get3A_513] {strides = array<i32>} : memref<8192xi32, #tpu.memory_space<vmem>>, vector<16xi32>,
        %add3A_515 = arith.addi %add3A_508, %get3A_514 : vector<16xi32>
        %mul3A_516 = arith.constant 16 : i32
        %mul3A_517 = arith.muli %scan3A_422, %mul3A_516 : i32
        %add3A_518 = arith.constant 3328 : i32
        %add3A_519 = arith.addi %add3A_518, %mul3A_517 : i32
        %get3A_520 = arith.index_cast %add3A_519 : i32 to index
        %get3A_521 = tpu.vector_load %arg12[%get3A_520] {strides = array<i32>} : memref<8192xi32, #tpu.memory_space<vmem>>, vector<16xi32>,
        %add3A_522 = arith.addi %add3A_515, %get3A_521 : vector<16xi32>
        %mul3A_523 = arith.constant 16 : i32
        %mul3A_524 = arith.muli %scan3A_422, %mul3A_523 : i32
        %add3A_525 = arith.constant 3584 : i32
        %add3A_526 = arith.addi %add3A_525, %mul3A_524 : i32
        %get3A_527 = arith.index_cast %add3A_526 : i32 to index
        %get3A_528 = tpu.vector_load %arg12[%get3A_527] {strides = array<i32>} : memref<8192xi32, #tpu.memory_space<vmem>>, vector<16xi32>,
        %add3A_529 = arith.addi %add3A_522, %get3A_528 : vector<16xi32>
        %mul3A_530 = arith.constant 16 : i32
        %mul3A_531 = arith.muli %scan3A_422, %mul3A_530 : i32
        %add3A_532 = arith.constant 3840 : i32
        %add3A_533 = arith.addi %add3A_532, %mul3A_531 : i32
        %get3A_534 = arith.index_cast %add3A_533 : i32 to index
        %get3A_535 = tpu.vector_load %arg12[%get3A_534] {strides = array<i32>} : memref<8192xi32, #tpu.memory_space<vmem>>, vector<16xi32>,
        %add3A_536 = arith.addi %add3A_529, %get3A_535 : vector<16xi32>
        %mul3A_537 = arith.constant 16 : i32
        %mul3A_538 = arith.muli %scan3A_422, %mul3A_537 : i32
        %swap3A_539 = arith.index_cast %mul3A_538 : i32 to index
        %swap3A_540 = tpu.vector_load %arg13[%swap3A_539] {strides = array<i32>} : memref<512xi32, #tpu.memory_space<vmem>>, vector<16xi32>,
        tpu.vector_store %arg13[%swap3A_539], %add3A_536 {strides = array<i32>} : memref<512xi32, #tpu.memory_space<vmem>>, vector<16xi32>,
        %broadcast_in_dim3A_541 = arith.constant true
        %broadcast_in_dim3A_542 = vector.broadcast %broadcast_in_dim3A_541 : i1 to vector<16xi1>
        %masked_cumsum3A = tpu.scan <sum>, %add3A_536 masked %broadcast_in_dim3A_542 : vector<16xi32>, vector<16xi1> -> vector<16xi32>
        %add3A_543 = vector.broadcast %scan3A_423 : i32 to vector<16xi32>
        %add3A_544 = arith.addi %masked_cumsum3A, %add3A_543 : vector<16xi32>
        %lt3A_545 = vector.broadcast %sub3A_156 : i32 to vector<16xi32>
        %lt3A_546 = arith.cmpi slt, %add3A_544, %lt3A_545 : vector<16xi32>
        %all_reduce_population_count3A = tpu.all_reduce %lt3A_546 {dim = 0 : i64, kind = #tpu.reduction_kind<sum>} : vector<16xi1> -> vector<16xi32>
        %add3A_547 = arith.addi %scan3A_424, %all_reduce_population_count3A : vector<16xi32>
        %reduce_max3A_548 = arith.constant true
        %reduce_max3A_549 = vector.broadcast %reduce_max3A_548 : i1 to vector<16xi1>
        %reduce_max3A_550 = arith.constant -2147483648 : i32
        %reduce_max3A_551 = vector.broadcast %reduce_max3A_550 : i32 to vector<16xi32>
        %reduce_max3A_552 = arith.xori %add3A_544, %reduce_max3A_551 : vector<16xi32>
        %reduce_max3A_553 = tpu.scan <max>, %reduce_max3A_552 masked %reduce_max3A_549 : vector<16xi32>, vector<16xi1> -> vector<16xi32>
        %reduce_max3A_554 = arith.xori %reduce_max3A_553, %reduce_max3A_551 : vector<16xi32>
        %reduce_max3A_555 = vector.extract %reduce_max3A_554[15] : i32 from vector<16xi32>
        scf.yield %reduce_max3A_555, %add3A_547 : i32, vector<16xi32>
      }
      %scan3A_167 = arith.constant 16 : i32
      %reduce_max3A_168 = arith.constant true
      %reduce_max3A_169 = vector.broadcast %reduce_max3A_168 : i1 to vector<16xi1>
      %reduce_max3A_170 = arith.constant -2147483648 : i32
      %reduce_max3A_171 = vector.broadcast %reduce_max3A_170 : i32 to vector<16xi32>
      %reduce_max3A_172 = arith.xori %scan3A_166#1, %reduce_max3A_171 : vector<16xi32>
      %reduce_max3A_173 = tpu.scan <max>, %reduce_max3A_172 masked %reduce_max3A_169 : vector<16xi32>, vector<16xi1> -> vector<16xi32>
      %reduce_max3A_174 = arith.xori %reduce_max3A_173, %reduce_max3A_171 : vector<16xi32>
      %reduce_max3A_175 = vector.extract %reduce_max3A_174[15] : i32 from vector<16xi32>
      %scan3A_176 = arith.constant 0 : i32
      %scan3A_177 = arith.constant 16 : i32
      %scan3A_178 = arith.addi %scan3A_176, %scan3A_177 : i32
      %scan3A_179 = arith.constant 1 : i32
      %scan3A_180 = scf.for %scan3A_422 = %scan3A_176 to %scan3A_178 step %scan3A_179 iter_args(%scan3A_423 = %broadcast_in_dim3A_2) -> (vector<16xi32>)  : i32 {
        %mul3A_424 = arith.constant 16 : i32
        %mul3A_425 = arith.muli %scan3A_422, %mul3A_424 : i32
        %get3A_426 = arith.index_cast %mul3A_425 : i32 to index
        %get3A_427 = tpu.vector_load %arg13[%get3A_426] {strides = array<i32>} : memref<512xi32, #tpu.memory_space<vmem>>, vector<16xi32>,
        %mul3A_428 = arith.constant 16 : i32
        %mul3A_429 = arith.muli %scan3A_422, %mul3A_428 : i32
        %add3A_430 = vector.broadcast %mul3A_429 : i32 to vector<16xi32>
        %add3A_431 = arith.addi %add3A_430, %iota3A : vector<16xi32>
        %lt3A_432 = vector.broadcast %reduce_max3A_175 : i32 to vector<16xi32>
        %lt3A_433 = arith.cmpi slt, %add3A_431, %lt3A_432 : vector<16xi32>
        %jit3A = arith.constant 0 : i32
        %broadcast_in_dim3A_434 = vector.broadcast %jit3A : i32 to vector<16xi32>
        %select_n3A_435 = arith.select %lt3A_433, %get3A_427, %broadcast_in_dim3A_434 : vector<16xi1>, vector<16xi32>
        %add3A_436 = arith.addi %scan3A_423, %select_n3A_435 : vector<16xi32>
        scf.yield %add3A_436 : vector<16xi32>
      }
      %scan3A_181 = arith.constant 16 : i32
      %reduce_sum3A_182 = arith.constant true
      %reduce_sum3A_183 = vector.broadcast %reduce_sum3A_182 : i1 to vector<16xi1>
      %reduce_sum3A_184 = tpu.scan <sum>, %scan3A_180 masked %reduce_sum3A_183 : vector<16xi32>, vector<16xi1> -> vector<16xi32>
      %reduce_sum3A_185 = vector.extract %reduce_sum3A_184[15] : i32 from vector<16xi32>
      %parallel_loop3A_186 = arith.constant 0 : i32
      %parallel_loop3A_187 = arith.constant 1 : i32
      scf.for %parallel_loop3A_422 = %parallel_loop3A_186 to %shift_right_logical3A_70 step %parallel_loop3A_187  : i32 {
        %parallel_loop3A_423 = arith.constant 16 : i32
        %parallel_loop3A_424 = arith.muli %parallel_loop3A_422, %parallel_loop3A_423 : i32
        %parallel_loop3A_425 = arith.index_cast %parallel_loop3A_424 : i32 to index
        %parallel_loop3A_426 = tpu.vector_load %arg10[%parallel_loop3A_425] {strides = array<i32>} : memref<4096xi32, #tpu.memory_space<vmem>>, vector<16xi32>,
        %parallel_loop3A_427 = arith.constant 16 : i32
        %parallel_loop3A_428 = arith.muli %parallel_loop3A_422, %parallel_loop3A_427 : i32
        %parallel_loop3A_429 = vector.broadcast %parallel_loop3A_428 : i32 to vector<16xi32>
        %parallel_loop3A_430 = arith.addi %parallel_loop3A_429, %iota3A : vector<16xi32>
        %parallel_loop3A_431 = vector.broadcast %reduce_max3A_67 : i32 to vector<16xi32>
        %parallel_loop3A_432 = arith.cmpi slt, %parallel_loop3A_430, %parallel_loop3A_431 : vector<16xi32>
        %parallel_loop3A_433 = arith.cmpi sge, %parallel_loop3A_426, %broadcast_in_dim3A_157 : vector<16xi32>
        %parallel_loop3A_434 = arith.cmpi slt, %parallel_loop3A_426, %broadcast_in_dim3A_158 : vector<16xi32>
        %parallel_loop3A_435 = arith.andi %parallel_loop3A_433, %parallel_loop3A_434 : vector<16xi1>
        %parallel_loop3A_436 = arith.andi %parallel_loop3A_435, %parallel_loop3A_432 : vector<16xi1>
        %parallel_loop3A_437 = arith.constant 7 : i32
        %parallel_loop3A_438 = vector.broadcast %parallel_loop3A_437 : i32 to vector<16xi32>
        %parallel_loop3A_439 = arith.shrui %parallel_loop3A_426, %parallel_loop3A_438 : vector<16xi32>
        %parallel_loop3A_440 = arith.constant 255 : i32
        %parallel_loop3A_441 = vector.broadcast %parallel_loop3A_440 : i32 to vector<16xi32>
        %parallel_loop3A_442 = arith.andi %parallel_loop3A_439, %parallel_loop3A_441 : vector<16xi32>
        %parallel_loop3A_443 = arith.constant 256 : i32
        %parallel_loop3A_444 = vector.broadcast %parallel_loop3A_443 : i32 to vector<16xi32>
        %parallel_loop3A_445 = arith.muli %iota3A, %parallel_loop3A_444 : vector<16xi32>
        %parallel_loop3A_446 = arith.addi %parallel_loop3A_445, %parallel_loop3A_442 : vector<16xi32>
        tpu.vector_store_idx %arg12[%parallel_loop3A_446], %neg3A_6 masked %parallel_loop3A_436 {add = true} : memref<8192xi32, #tpu.memory_space<vmem>>[vector<16xi32>], vector<16xi32>, vector<16xi1>
      } {sc.loop_unroll_factor = 4 : i64, sc.parallel_access}
      %shift_left3A_188 = arith.constant 7 : i32
      %shift_left3A_189 = arith.shli %reduce_max3A_175, %shift_left3A_188 : i32
      %add3A_190 = arith.addi %add3A_149, %shift_left3A_189 : i32
      %shift_left3A_191 = arith.constant 1 : i32
      %shift_left3A_192 = arith.constant 7 : i32
      %shift_left3A_193 = arith.shli %shift_left3A_191, %shift_left3A_192 : i32
      %add3A_194 = arith.addi %add3A_190, %shift_left3A_193 : i32
      %add3A_195 = arith.addi %add3A_154, %reduce_sum3A_185 : i32
      %swap3A = arith.constant 0 : index
      %swap3A_196 = tpu.vector_load %arg15[%swap3A] {strides = array<i32>} : memref<64xi32, #tpu.memory_space<vmem>>, vector<16xi32>,
      tpu.vector_store %arg15[%swap3A], %broadcast_in_dim3A_8 {strides = array<i32>} : memref<64xi32, #tpu.memory_space<vmem>>, vector<16xi32>,
      %swap3A_197 = arith.constant 0 : index
      %swap3A_198 = tpu.vector_load %arg16[%swap3A_197] {strides = array<i32>} : memref<64xi32, #tpu.memory_space<vmem>>, vector<16xi32>,
      tpu.vector_store %arg16[%swap3A_197], %broadcast_in_dim3A_2 {strides = array<i32>} : memref<64xi32, #tpu.memory_space<vmem>>, vector<16xi32>,
      %swap3A_199 = arith.constant 16 : index
      %swap3A_200 = tpu.vector_load %arg15[%swap3A_199] {strides = array<i32>} : memref<64xi32, #tpu.memory_space<vmem>>, vector<16xi32>,
      tpu.vector_store %arg15[%swap3A_199], %broadcast_in_dim3A_8 {strides = array<i32>} : memref<64xi32, #tpu.memory_space<vmem>>, vector<16xi32>,
      %swap3A_201 = arith.constant 16 : index
      %swap3A_202 = tpu.vector_load %arg16[%swap3A_201] {strides = array<i32>} : memref<64xi32, #tpu.memory_space<vmem>>, vector<16xi32>,
      tpu.vector_store %arg16[%swap3A_201], %broadcast_in_dim3A_2 {strides = array<i32>} : memref<64xi32, #tpu.memory_space<vmem>>, vector<16xi32>,
      %swap3A_203 = arith.constant 32 : index
      %swap3A_204 = tpu.vector_load %arg15[%swap3A_203] {strides = array<i32>} : memref<64xi32, #tpu.memory_space<vmem>>, vector<16xi32>,
      tpu.vector_store %arg15[%swap3A_203], %broadcast_in_dim3A_8 {strides = array<i32>} : memref<64xi32, #tpu.memory_space<vmem>>, vector<16xi32>,
      %swap3A_205 = arith.constant 32 : index
      %swap3A_206 = tpu.vector_load %arg16[%swap3A_205] {strides = array<i32>} : memref<64xi32, #tpu.memory_space<vmem>>, vector<16xi32>,
      tpu.vector_store %arg16[%swap3A_205], %broadcast_in_dim3A_2 {strides = array<i32>} : memref<64xi32, #tpu.memory_space<vmem>>, vector<16xi32>,
      %swap3A_207 = arith.constant 48 : index
      %swap3A_208 = tpu.vector_load %arg15[%swap3A_207] {strides = array<i32>} : memref<64xi32, #tpu.memory_space<vmem>>, vector<16xi32>,
      tpu.vector_store %arg15[%swap3A_207], %broadcast_in_dim3A_8 {strides = array<i32>} : memref<64xi32, #tpu.memory_space<vmem>>, vector<16xi32>,
      %swap3A_209 = arith.constant 48 : index
      %swap3A_210 = tpu.vector_load %arg16[%swap3A_209] {strides = array<i32>} : memref<64xi32, #tpu.memory_space<vmem>>, vector<16xi32>,
      tpu.vector_store %arg16[%swap3A_209], %broadcast_in_dim3A_2 {strides = array<i32>} : memref<64xi32, #tpu.memory_space<vmem>>, vector<16xi32>,
      %broadcast_in_dim3A_211 = vector.broadcast %add3A_190 : i32 to vector<16xi32>
      %broadcast_in_dim3A_212 = vector.broadcast %add3A_194 : i32 to vector<16xi32>
      %parallel_loop3A_213 = arith.constant 0 : i32
      %parallel_loop3A_214 = arith.constant 1 : i32
      %parallel_loop3A_215:2 = scf.for %parallel_loop3A_422 = %parallel_loop3A_213 to %shift_right_logical3A_70 step %parallel_loop3A_214 iter_args(%parallel_loop3A_423 = %broadcast_in_dim3A_2, %parallel_loop3A_424 = %broadcast_in_dim3A_2) -> (vector<16xi32>, vector<16xi32>)  : i32 {
        %parallel_loop3A_425 = arith.constant 16 : i32
        %parallel_loop3A_426 = arith.muli %parallel_loop3A_422, %parallel_loop3A_425 : i32
        %parallel_loop3A_427 = arith.index_cast %parallel_loop3A_426 : i32 to index
        %parallel_loop3A_428 = tpu.vector_load %arg10[%parallel_loop3A_427] {strides = array<i32>} : memref<4096xi32, #tpu.memory_space<vmem>>, vector<16xi32>,
        %parallel_loop3A_429 = arith.constant 16 : i32
        %parallel_loop3A_430 = arith.muli %parallel_loop3A_422, %parallel_loop3A_429 : i32
        %parallel_loop3A_431 = arith.index_cast %parallel_loop3A_430 : i32 to index
        %parallel_loop3A_432 = tpu.vector_load %arg11[%parallel_loop3A_431] {strides = array<i32>} : memref<4096xi32, #tpu.memory_space<vmem>>, vector<16xi32>,
        %parallel_loop3A_433 = arith.constant 16 : i32
        %parallel_loop3A_434 = arith.muli %parallel_loop3A_422, %parallel_loop3A_433 : i32
        %parallel_loop3A_435 = vector.broadcast %parallel_loop3A_434 : i32 to vector<16xi32>
        %parallel_loop3A_436 = arith.addi %parallel_loop3A_435, %iota3A : vector<16xi32>
        %parallel_loop3A_437 = vector.broadcast %reduce_max3A_67 : i32 to vector<16xi32>
        %parallel_loop3A_438 = arith.cmpi slt, %parallel_loop3A_436, %parallel_loop3A_437 : vector<16xi32>
        %parallel_loop3A_439 = arith.cmpi slt, %parallel_loop3A_428, %broadcast_in_dim3A_211 : vector<16xi32>
        %parallel_loop3A_440 = arith.andi %parallel_loop3A_439, %parallel_loop3A_438 : vector<16xi1>
        %parallel_loop3A_441 = arith.cmpi sge, %parallel_loop3A_428, %broadcast_in_dim3A_211 : vector<16xi32>
        %parallel_loop3A_442 = arith.cmpi slt, %parallel_loop3A_428, %broadcast_in_dim3A_212 : vector<16xi32>
        %parallel_loop3A_443 = arith.andi %parallel_loop3A_441, %parallel_loop3A_442 : vector<16xi1>
        %parallel_loop3A_444 = arith.andi %parallel_loop3A_443, %parallel_loop3A_438 : vector<16xi1>
        %parallel_loop3A_445 = arith.constant 1 : i32
        %parallel_loop3A_446 = arith.constant 0 : i32
        %parallel_loop3A_447 = vector.broadcast %parallel_loop3A_445 : i32 to vector<16xi32>
        %parallel_loop3A_448 = vector.broadcast %parallel_loop3A_446 : i32 to vector<16xi32>
        %parallel_loop3A_449 = arith.select %parallel_loop3A_440, %parallel_loop3A_447, %parallel_loop3A_448 : vector<16xi1>, vector<16xi32>
        %parallel_loop3A_450 = arith.constant true
        %parallel_loop3A_451 = vector.broadcast %parallel_loop3A_450 : i1 to vector<16xi1>
        %parallel_loop3A_452 = tpu.scan <sum>, %parallel_loop3A_449 masked %parallel_loop3A_451 : vector<16xi32>, vector<16xi1> -> vector<16xi32>
        %parallel_loop3A_453 = arith.addi %parallel_loop3A_423, %parallel_loop3A_452 : vector<16xi32>
        %parallel_loop3A_454 = arith.constant 1 : i32
        %parallel_loop3A_455 = vector.broadcast %parallel_loop3A_454 : i32 to vector<16xi32>
        %parallel_loop3A_456 = arith.subi %parallel_loop3A_453, %parallel_loop3A_455 : vector<16xi32>
        %parallel_loop3A_457 = vector.broadcast %add3A_195 : i32 to vector<16xi32>
        %parallel_loop3A_458 = arith.addi %parallel_loop3A_457, %parallel_loop3A_424 : vector<16xi32>
        %parallel_loop3A_459 = arith.constant 1 : i32
        %parallel_loop3A_460 = arith.constant 0 : i32
        %parallel_loop3A_461 = vector.broadcast %parallel_loop3A_459 : i32 to vector<16xi32>
        %parallel_loop3A_462 = vector.broadcast %parallel_loop3A_460 : i32 to vector<16xi32>
        %parallel_loop3A_463 = arith.select %parallel_loop3A_444, %parallel_loop3A_461, %parallel_loop3A_462 : vector<16xi1>, vector<16xi32>
        %parallel_loop3A_464 = arith.constant true
        %parallel_loop3A_465 = vector.broadcast %parallel_loop3A_464 : i1 to vector<16xi1>
        %parallel_loop3A_466 = tpu.scan <sum>, %parallel_loop3A_463 masked %parallel_loop3A_465 : vector<16xi32>, vector<16xi1> -> vector<16xi32>
        %parallel_loop3A_467 = arith.addi %parallel_loop3A_458, %parallel_loop3A_466 : vector<16xi32>
        %parallel_loop3A_468 = arith.constant 1 : i32
        %parallel_loop3A_469 = vector.broadcast %parallel_loop3A_468 : i32 to vector<16xi32>
        %parallel_loop3A_470 = arith.subi %parallel_loop3A_467, %parallel_loop3A_469 : vector<16xi32>
        %parallel_loop3A_471 = arith.constant 50 : i32
        %parallel_loop3A_472 = vector.broadcast %parallel_loop3A_471 : i32 to vector<16xi32>
        %parallel_loop3A_473 = arith.cmpi slt, %parallel_loop3A_470, %parallel_loop3A_472 : vector<16xi32>
        %parallel_loop3A_474 = arith.andi %parallel_loop3A_444, %parallel_loop3A_473 : vector<16xi1>
        tpu.vector_store_idx %arg15[%parallel_loop3A_456], %parallel_loop3A_428 masked %parallel_loop3A_440 : memref<64xi32, #tpu.memory_space<vmem>>[vector<16xi32>], vector<16xi32>, vector<16xi1>
        tpu.vector_store_idx %arg16[%parallel_loop3A_456], %parallel_loop3A_432 masked %parallel_loop3A_440 : memref<64xi32, #tpu.memory_space<vmem>>[vector<16xi32>], vector<16xi32>, vector<16xi1>
        tpu.vector_store_idx %arg15[%parallel_loop3A_470], %parallel_loop3A_428 masked %parallel_loop3A_474 : memref<64xi32, #tpu.memory_space<vmem>>[vector<16xi32>], vector<16xi32>, vector<16xi1>
        tpu.vector_store_idx %arg16[%parallel_loop3A_470], %parallel_loop3A_432 masked %parallel_loop3A_474 : memref<64xi32, #tpu.memory_space<vmem>>[vector<16xi32>], vector<16xi32>, vector<16xi1>
        %parallel_loop3A_475 = tpu.all_reduce %parallel_loop3A_440 {dim = 0 : i64, kind = #tpu.reduction_kind<sum>} : vector<16xi1> -> vector<16xi32>
        %parallel_loop3A_476 = arith.addi %parallel_loop3A_423, %parallel_loop3A_475 : vector<16xi32>
        %parallel_loop3A_477 = tpu.all_reduce %parallel_loop3A_444 {dim = 0 : i64, kind = #tpu.reduction_kind<sum>} : vector<16xi1> -> vector<16xi32>
        %parallel_loop3A_478 = arith.addi %parallel_loop3A_424, %parallel_loop3A_477 : vector<16xi32>
        scf.yield %parallel_loop3A_476, %parallel_loop3A_478 : vector<16xi32>, vector<16xi32>
      } {sc.loop_unroll_factor = 2 : i64, sc.parallel_access}
      %get3A = arith.constant 0 : index
      %get3A_216 = tpu.vector_load %arg15[%get3A] {strides = array<i32>} : memref<64xi32, #tpu.memory_space<vmem>>, vector<16xi32>,
      %get3A_217 = arith.constant 0 : index
      %get3A_218 = tpu.vector_load %arg16[%get3A_217] {strides = array<i32>} : memref<64xi32, #tpu.memory_space<vmem>>, vector<16xi32>,
      %masked_sort3A = arith.constant dense<true> : vector<16xi1>
      %masked_sort3A_219 = arith.constant -2147483648 : i32
      %masked_sort3A_220 = vector.broadcast %masked_sort3A_219 : i32 to vector<16xi32>
      %masked_sort3A_221 = arith.xori %get3A_216, %masked_sort3A_220 : vector<16xi32>
      %masked_sort3A_222, %masked_sort3A_223, %masked_sort3A_224 = tpu.sort %masked_sort3A_221, %get3A_218 masked %masked_sort3A : (vector<16xi32>, vector<16xi32>, vector<16xi1>) -> (vector<16xi1>, vector<16xi32>, vector<16xi32>)
      %masked_sort3A_225 = arith.xori %masked_sort3A_223, %masked_sort3A_220 : vector<16xi32>
      %get3A_226 = arith.constant 16 : index
      %get3A_227 = tpu.vector_load %arg15[%get3A_226] {strides = array<i32>} : memref<64xi32, #tpu.memory_space<vmem>>, vector<16xi32>,
      %get3A_228 = arith.constant 16 : index
      %get3A_229 = tpu.vector_load %arg16[%get3A_228] {strides = array<i32>} : memref<64xi32, #tpu.memory_space<vmem>>, vector<16xi32>,
      %masked_sort3A_230 = arith.constant dense<true> : vector<16xi1>
      %masked_sort3A_231 = arith.constant -2147483648 : i32
      %masked_sort3A_232 = vector.broadcast %masked_sort3A_231 : i32 to vector<16xi32>
      %masked_sort3A_233 = arith.xori %get3A_227, %masked_sort3A_232 : vector<16xi32>
      %masked_sort3A_234, %masked_sort3A_235, %masked_sort3A_236 = tpu.sort %masked_sort3A_233, %get3A_229 masked %masked_sort3A_230 : (vector<16xi32>, vector<16xi32>, vector<16xi1>) -> (vector<16xi1>, vector<16xi32>, vector<16xi32>)
      %masked_sort3A_237 = arith.xori %masked_sort3A_235, %masked_sort3A_232 : vector<16xi32>
      %get3A_238 = arith.constant 32 : index
      %get3A_239 = tpu.vector_load %arg15[%get3A_238] {strides = array<i32>} : memref<64xi32, #tpu.memory_space<vmem>>, vector<16xi32>,
      %get3A_240 = arith.constant 32 : index
      %get3A_241 = tpu.vector_load %arg16[%get3A_240] {strides = array<i32>} : memref<64xi32, #tpu.memory_space<vmem>>, vector<16xi32>,
      %masked_sort3A_242 = arith.constant dense<true> : vector<16xi1>
      %masked_sort3A_243 = arith.constant -2147483648 : i32
      %masked_sort3A_244 = vector.broadcast %masked_sort3A_243 : i32 to vector<16xi32>
      %masked_sort3A_245 = arith.xori %get3A_239, %masked_sort3A_244 : vector<16xi32>
      %masked_sort3A_246, %masked_sort3A_247, %masked_sort3A_248 = tpu.sort %masked_sort3A_245, %get3A_241 masked %masked_sort3A_242 : (vector<16xi32>, vector<16xi32>, vector<16xi1>) -> (vector<16xi1>, vector<16xi32>, vector<16xi32>)
      %masked_sort3A_249 = arith.xori %masked_sort3A_247, %masked_sort3A_244 : vector<16xi32>
      %get3A_250 = arith.constant 48 : index
      %get3A_251 = tpu.vector_load %arg15[%get3A_250] {strides = array<i32>} : memref<64xi32, #tpu.memory_space<vmem>>, vector<16xi32>,
      %get3A_252 = arith.constant 48 : index
      %get3A_253 = tpu.vector_load %arg16[%get3A_252] {strides = array<i32>} : memref<64xi32, #tpu.memory_space<vmem>>, vector<16xi32>,
      %masked_sort3A_254 = arith.constant dense<true> : vector<16xi1>
      %masked_sort3A_255 = arith.constant -2147483648 : i32
      %masked_sort3A_256 = vector.broadcast %masked_sort3A_255 : i32 to vector<16xi32>
      %masked_sort3A_257 = arith.xori %get3A_251, %masked_sort3A_256 : vector<16xi32>
      %masked_sort3A_258, %masked_sort3A_259, %masked_sort3A_260 = tpu.sort %masked_sort3A_257, %get3A_253 masked %masked_sort3A_254 : (vector<16xi32>, vector<16xi32>, vector<16xi1>) -> (vector<16xi1>, vector<16xi32>, vector<16xi32>)
      %masked_sort3A_261 = arith.xori %masked_sort3A_259, %masked_sort3A_256 : vector<16xi32>
      %rev3A = arith.constant 15 : i32
      %rev3A_262 = vector.broadcast %rev3A : i32 to vector<16xi32>
      %rev3A_263 = tpu.iota {dimensions = array<i32: 0>} : vector<16xi32>
      %rev3A_264 = arith.subi %rev3A_262, %rev3A_263 : vector<16xi32>
      %rev3A_265 = tpu.dynamic_gather %masked_sort3A_237[%rev3A_264] in [0] : vector<16xi32>, vector<16xi32> -> vector<16xi32>
      %rev3A_266 = arith.constant 15 : i32
      %rev3A_267 = vector.broadcast %rev3A_266 : i32 to vector<16xi32>
      %rev3A_268 = tpu.iota {dimensions = array<i32: 0>} : vector<16xi32>
      %rev3A_269 = arith.subi %rev3A_267, %rev3A_268 : vector<16xi32>
      %rev3A_270 = tpu.dynamic_gather %masked_sort3A_236[%rev3A_269] in [0] : vector<16xi32>, vector<16xi32> -> vector<16xi32>
      %le3A = arith.cmpi sle, %masked_sort3A_225, %rev3A_265 : vector<16xi32>
      %select_n3A = arith.select %le3A, %masked_sort3A_225, %rev3A_265 : vector<16xi1>, vector<16xi32>
      %select_n3A_271 = arith.select %le3A, %masked_sort3A_224, %rev3A_270 : vector<16xi1>, vector<16xi32>
      %select_n3A_272 = arith.select %le3A, %rev3A_265, %masked_sort3A_225 : vector<16xi1>, vector<16xi32>
      %select_n3A_273 = arith.select %le3A, %rev3A_270, %masked_sort3A_224 : vector<16xi1>, vector<16xi32>
      %masked_sort3A_274 = arith.constant dense<true> : vector<16xi1>
      %masked_sort3A_275 = arith.constant -2147483648 : i32
      %masked_sort3A_276 = vector.broadcast %masked_sort3A_275 : i32 to vector<16xi32>
      %masked_sort3A_277 = arith.xori %select_n3A, %masked_sort3A_276 : vector<16xi32>
      %masked_sort3A_278, %masked_sort3A_279, %masked_sort3A_280 = tpu.sort %masked_sort3A_277, %select_n3A_271 masked %masked_sort3A_274 : (vector<16xi32>, vector<16xi32>, vector<16xi1>) -> (vector<16xi1>, vector<16xi32>, vector<16xi32>)
      %masked_sort3A_281 = arith.xori %masked_sort3A_279, %masked_sort3A_276 : vector<16xi32>
      %masked_sort3A_282 = arith.constant dense<true> : vector<16xi1>
      %masked_sort3A_283 = arith.constant -2147483648 : i32
      %masked_sort3A_284 = vector.broadcast %masked_sort3A_283 : i32 to vector<16xi32>
      %masked_sort3A_285 = arith.xori %select_n3A_272, %masked_sort3A_284 : vector<16xi32>
      %masked_sort3A_286, %masked_sort3A_287, %masked_sort3A_288 = tpu.sort %masked_sort3A_285, %select_n3A_273 masked %masked_sort3A_282 : (vector<16xi32>, vector<16xi32>, vector<16xi1>) -> (vector<16xi1>, vector<16xi32>, vector<16xi32>)
      %masked_sort3A_289 = arith.xori %masked_sort3A_287, %masked_sort3A_284 : vector<16xi32>
      %rev3A_290 = arith.constant 15 : i32
      %rev3A_291 = vector.broadcast %rev3A_290 : i32 to vector<16xi32>
      %rev3A_292 = tpu.iota {dimensions = array<i32: 0>} : vector<16xi32>
      %rev3A_293 = arith.subi %rev3A_291, %rev3A_292 : vector<16xi32>
      %rev3A_294 = tpu.dynamic_gather %masked_sort3A_261[%rev3A_293] in [0] : vector<16xi32>, vector<16xi32> -> vector<16xi32>
      %rev3A_295 = arith.constant 15 : i32
      %rev3A_296 = vector.broadcast %rev3A_295 : i32 to vector<16xi32>
      %rev3A_297 = tpu.iota {dimensions = array<i32: 0>} : vector<16xi32>
      %rev3A_298 = arith.subi %rev3A_296, %rev3A_297 : vector<16xi32>
      %rev3A_299 = tpu.dynamic_gather %masked_sort3A_260[%rev3A_298] in [0] : vector<16xi32>, vector<16xi32> -> vector<16xi32>
      %le3A_300 = arith.cmpi sle, %masked_sort3A_249, %rev3A_294 : vector<16xi32>
      %select_n3A_301 = arith.select %le3A_300, %masked_sort3A_249, %rev3A_294 : vector<16xi1>, vector<16xi32>
      %select_n3A_302 = arith.select %le3A_300, %masked_sort3A_248, %rev3A_299 : vector<16xi1>, vector<16xi32>
      %select_n3A_303 = arith.select %le3A_300, %rev3A_294, %masked_sort3A_249 : vector<16xi1>, vector<16xi32>
      %select_n3A_304 = arith.select %le3A_300, %rev3A_299, %masked_sort3A_248 : vector<16xi1>, vector<16xi32>
      %masked_sort3A_305 = arith.constant dense<true> : vector<16xi1>
      %masked_sort3A_306 = arith.constant -2147483648 : i32
      %masked_sort3A_307 = vector.broadcast %masked_sort3A_306 : i32 to vector<16xi32>
      %masked_sort3A_308 = arith.xori %select_n3A_301, %masked_sort3A_307 : vector<16xi32>
      %masked_sort3A_309, %masked_sort3A_310, %masked_sort3A_311 = tpu.sort %masked_sort3A_308, %select_n3A_302 masked %masked_sort3A_305 : (vector<16xi32>, vector<16xi32>, vector<16xi1>) -> (vector<16xi1>, vector<16xi32>, vector<16xi32>)
      %masked_sort3A_312 = arith.xori %masked_sort3A_310, %masked_sort3A_307 : vector<16xi32>
      %masked_sort3A_313 = arith.constant dense<true> : vector<16xi1>
      %masked_sort3A_314 = arith.constant -2147483648 : i32
      %masked_sort3A_315 = vector.broadcast %masked_sort3A_314 : i32 to vector<16xi32>
      %masked_sort3A_316 = arith.xori %select_n3A_303, %masked_sort3A_315 : vector<16xi32>
      %masked_sort3A_317, %masked_sort3A_318, %masked_sort3A_319 = tpu.sort %masked_sort3A_316, %select_n3A_304 masked %masked_sort3A_313 : (vector<16xi32>, vector<16xi32>, vector<16xi1>) -> (vector<16xi1>, vector<16xi32>, vector<16xi32>)
      %masked_sort3A_320 = arith.xori %masked_sort3A_318, %masked_sort3A_315 : vector<16xi32>
      %rev3A_321 = arith.constant 15 : i32
      %rev3A_322 = vector.broadcast %rev3A_321 : i32 to vector<16xi32>
      %rev3A_323 = tpu.iota {dimensions = array<i32: 0>} : vector<16xi32>
      %rev3A_324 = arith.subi %rev3A_322, %rev3A_323 : vector<16xi32>
      %rev3A_325 = tpu.dynamic_gather %masked_sort3A_320[%rev3A_324] in [0] : vector<16xi32>, vector<16xi32> -> vector<16xi32>
      %rev3A_326 = arith.constant 15 : i32
      %rev3A_327 = vector.broadcast %rev3A_326 : i32 to vector<16xi32>
      %rev3A_328 = tpu.iota {dimensions = array<i32: 0>} : vector<16xi32>
      %rev3A_329 = arith.subi %rev3A_327, %rev3A_328 : vector<16xi32>
      %rev3A_330 = tpu.dynamic_gather %masked_sort3A_319[%rev3A_329] in [0] : vector<16xi32>, vector<16xi32> -> vector<16xi32>
      %rev3A_331 = arith.constant 15 : i32
      %rev3A_332 = vector.broadcast %rev3A_331 : i32 to vector<16xi32>
      %rev3A_333 = tpu.iota {dimensions = array<i32: 0>} : vector<16xi32>
      %rev3A_334 = arith.subi %rev3A_332, %rev3A_333 : vector<16xi32>
      %rev3A_335 = tpu.dynamic_gather %masked_sort3A_312[%rev3A_334] in [0] : vector<16xi32>, vector<16xi32> -> vector<16xi32>
      %rev3A_336 = arith.constant 15 : i32
      %rev3A_337 = vector.broadcast %rev3A_336 : i32 to vector<16xi32>
      %rev3A_338 = tpu.iota {dimensions = array<i32: 0>} : vector<16xi32>
      %rev3A_339 = arith.subi %rev3A_337, %rev3A_338 : vector<16xi32>
      %rev3A_340 = tpu.dynamic_gather %masked_sort3A_311[%rev3A_339] in [0] : vector<16xi32>, vector<16xi32> -> vector<16xi32>
      %le3A_341 = arith.cmpi sle, %masked_sort3A_281, %rev3A_325 : vector<16xi32>
      %select_n3A_342 = arith.select %le3A_341, %masked_sort3A_281, %rev3A_325 : vector<16xi1>, vector<16xi32>
      %select_n3A_343 = arith.select %le3A_341, %masked_sort3A_280, %rev3A_330 : vector<16xi1>, vector<16xi32>
      %select_n3A_344 = arith.select %le3A_341, %rev3A_325, %masked_sort3A_281 : vector<16xi1>, vector<16xi32>
      %select_n3A_345 = arith.select %le3A_341, %rev3A_330, %masked_sort3A_280 : vector<16xi1>, vector<16xi32>
      %le3A_346 = arith.cmpi sle, %masked_sort3A_289, %rev3A_335 : vector<16xi32>
      %select_n3A_347 = arith.select %le3A_346, %masked_sort3A_289, %rev3A_335 : vector<16xi1>, vector<16xi32>
      %select_n3A_348 = arith.select %le3A_346, %masked_sort3A_288, %rev3A_340 : vector<16xi1>, vector<16xi32>
      %select_n3A_349 = arith.select %le3A_346, %rev3A_335, %masked_sort3A_289 : vector<16xi1>, vector<16xi32>
      %select_n3A_350 = arith.select %le3A_346, %rev3A_340, %masked_sort3A_288 : vector<16xi1>, vector<16xi32>
      %le3A_351 = arith.cmpi sle, %select_n3A_342, %select_n3A_347 : vector<16xi32>
      %select_n3A_352 = arith.select %le3A_351, %select_n3A_342, %select_n3A_347 : vector<16xi1>, vector<16xi32>
      %select_n3A_353 = arith.select %le3A_351, %select_n3A_343, %select_n3A_348 : vector<16xi1>, vector<16xi32>
      %select_n3A_354 = arith.select %le3A_351, %select_n3A_347, %select_n3A_342 : vector<16xi1>, vector<16xi32>
      %select_n3A_355 = arith.select %le3A_351, %select_n3A_348, %select_n3A_343 : vector<16xi1>, vector<16xi32>
      %le3A_356 = arith.cmpi sle, %select_n3A_344, %select_n3A_349 : vector<16xi32>
      %select_n3A_357 = arith.select %le3A_356, %select_n3A_344, %select_n3A_349 : vector<16xi1>, vector<16xi32>
      %select_n3A_358 = arith.select %le3A_356, %select_n3A_345, %select_n3A_350 : vector<16xi1>, vector<16xi32>
      %select_n3A_359 = arith.select %le3A_356, %select_n3A_349, %select_n3A_344 : vector<16xi1>, vector<16xi32>
      %select_n3A_360 = arith.select %le3A_356, %select_n3A_350, %select_n3A_345 : vector<16xi1>, vector<16xi32>
      %masked_sort3A_361 = arith.constant dense<true> : vector<16xi1>
      %masked_sort3A_362 = arith.constant -2147483648 : i32
      %masked_sort3A_363 = vector.broadcast %masked_sort3A_362 : i32 to vector<16xi32>
      %masked_sort3A_364 = arith.xori %select_n3A_352, %masked_sort3A_363 : vector<16xi32>
      %masked_sort3A_365, %masked_sort3A_366, %masked_sort3A_367 = tpu.sort %masked_sort3A_364, %select_n3A_353 masked %masked_sort3A_361 : (vector<16xi32>, vector<16xi32>, vector<16xi1>) -> (vector<16xi1>, vector<16xi32>, vector<16xi32>)
      %masked_sort3A_368 = arith.xori %masked_sort3A_366, %masked_sort3A_363 : vector<16xi32>
      %masked_sort3A_369 = arith.constant dense<true> : vector<16xi1>
      %masked_sort3A_370 = arith.constant -2147483648 : i32
      %masked_sort3A_371 = vector.broadcast %masked_sort3A_370 : i32 to vector<16xi32>
      %masked_sort3A_372 = arith.xori %select_n3A_354, %masked_sort3A_371 : vector<16xi32>
      %masked_sort3A_373, %masked_sort3A_374, %masked_sort3A_375 = tpu.sort %masked_sort3A_372, %select_n3A_355 masked %masked_sort3A_369 : (vector<16xi32>, vector<16xi32>, vector<16xi1>) -> (vector<16xi1>, vector<16xi32>, vector<16xi32>)
      %masked_sort3A_376 = arith.xori %masked_sort3A_374, %masked_sort3A_371 : vector<16xi32>
      %masked_sort3A_377 = arith.constant dense<true> : vector<16xi1>
      %masked_sort3A_378 = arith.constant -2147483648 : i32
      %masked_sort3A_379 = vector.broadcast %masked_sort3A_378 : i32 to vector<16xi32>
      %masked_sort3A_380 = arith.xori %select_n3A_357, %masked_sort3A_379 : vector<16xi32>
      %masked_sort3A_381, %masked_sort3A_382, %masked_sort3A_383 = tpu.sort %masked_sort3A_380, %select_n3A_358 masked %masked_sort3A_377 : (vector<16xi32>, vector<16xi32>, vector<16xi1>) -> (vector<16xi1>, vector<16xi32>, vector<16xi32>)
      %masked_sort3A_384 = arith.xori %masked_sort3A_382, %masked_sort3A_379 : vector<16xi32>
      %masked_sort3A_385 = arith.constant dense<true> : vector<16xi1>
      %masked_sort3A_386 = arith.constant -2147483648 : i32
      %masked_sort3A_387 = vector.broadcast %masked_sort3A_386 : i32 to vector<16xi32>
      %masked_sort3A_388 = arith.xori %select_n3A_359, %masked_sort3A_387 : vector<16xi32>
      %masked_sort3A_389, %masked_sort3A_390, %masked_sort3A_391 = tpu.sort %masked_sort3A_388, %select_n3A_360 masked %masked_sort3A_385 : (vector<16xi32>, vector<16xi32>, vector<16xi1>) -> (vector<16xi1>, vector<16xi32>, vector<16xi32>)
      %masked_sort3A_392 = arith.xori %masked_sort3A_390, %masked_sort3A_387 : vector<16xi32>
      %and3A = arith.constant 31 : i32
      %and3A_393 = arith.andi %scan3A_19, %and3A : i32
      %mul3A_394 = arith.constant 50 : i32
      %mul3A_395 = arith.muli %and3A_393, %mul3A_394 : i32
      %add3A_396 = arith.constant 0 : i32
      %add3A_397 = arith.addi %mul3A_395, %add3A_396 : i32
      %add3A_398 = vector.broadcast %add3A_397 : i32 to vector<16xi32>
      %add3A_399 = arith.addi %add3A_398, %iota3A : vector<16xi32>
      tpu.vector_store_idx %arg17[%add3A_399], %masked_sort3A_367 : memref<1600xi32, #tpu.memory_space<vmem>>[vector<16xi32>], vector<16xi32>,
      %bitcast_convert_type3A = tpu.bitcast %masked_sort3A_368 : vector<16xi32> -> vector<16xf32>
      tpu.vector_store_idx %arg18[%add3A_399], %bitcast_convert_type3A : memref<1600xf32, #tpu.memory_space<vmem>>[vector<16xi32>], vector<16xf32>,
      %add3A_400 = arith.constant 16 : i32
      %add3A_401 = arith.addi %mul3A_395, %add3A_400 : i32
      %add3A_402 = vector.broadcast %add3A_401 : i32 to vector<16xi32>
      %add3A_403 = arith.addi %add3A_402, %iota3A : vector<16xi32>
      tpu.vector_store_idx %arg17[%add3A_403], %masked_sort3A_375 : memref<1600xi32, #tpu.memory_space<vmem>>[vector<16xi32>], vector<16xi32>,
      %bitcast_convert_type3A_404 = tpu.bitcast %masked_sort3A_376 : vector<16xi32> -> vector<16xf32>
      tpu.vector_store_idx %arg18[%add3A_403], %bitcast_convert_type3A_404 : memref<1600xf32, #tpu.memory_space<vmem>>[vector<16xi32>], vector<16xf32>,
      %add3A_405 = arith.constant 32 : i32
      %add3A_406 = arith.addi %mul3A_395, %add3A_405 : i32
      %add3A_407 = vector.broadcast %add3A_406 : i32 to vector<16xi32>
      %add3A_408 = arith.addi %add3A_407, %iota3A : vector<16xi32>
      tpu.vector_store_idx %arg17[%add3A_408], %masked_sort3A_383 : memref<1600xi32, #tpu.memory_space<vmem>>[vector<16xi32>], vector<16xi32>,
      %bitcast_convert_type3A_409 = tpu.bitcast %masked_sort3A_384 : vector<16xi32> -> vector<16xf32>
      tpu.vector_store_idx %arg18[%add3A_408], %bitcast_convert_type3A_409 : memref<1600xf32, #tpu.memory_space<vmem>>[vector<16xi32>], vector<16xf32>,
      %lt3A = arith.constant 2 : i32
      %lt3A_410 = vector.broadcast %lt3A : i32 to vector<16xi32>
      %lt3A_411 = arith.cmpi slt, %iota3A, %lt3A_410 : vector<16xi32>
      %add3A_412 = arith.constant 48 : i32
      %add3A_413 = arith.addi %mul3A_395, %add3A_412 : i32
      %add3A_414 = vector.broadcast %add3A_413 : i32 to vector<16xi32>
      %add3A_415 = arith.addi %add3A_414, %iota3A : vector<16xi32>
      tpu.vector_store_idx %arg17[%add3A_415], %masked_sort3A_391 masked %lt3A_411 : memref<1600xi32, #tpu.memory_space<vmem>>[vector<16xi32>], vector<16xi32>, vector<16xi1>
      %bitcast_convert_type3A_416 = tpu.bitcast %masked_sort3A_392 : vector<16xi32> -> vector<16xf32>
      tpu.vector_store_idx %arg18[%add3A_415], %bitcast_convert_type3A_416 masked %lt3A_411 : memref<1600xf32, #tpu.memory_space<vmem>>[vector<16xi32>], vector<16xf32>, vector<16xi1>
      %and3A_417 = arith.constant 31 : i32
      %and3A_418 = arith.andi %scan3A_19, %and3A_417 : i32
      %eq3A = arith.constant 31 : i32
      %eq3A_419 = arith.cmpi eq, %and3A_418, %eq3A : i32
      %convert_element_type3A = arith.extui %eq3A_419 : i1 to i32
      %cond3A = arith.constant 0 : i32
      %cond3A_420 = arith.cmpi ne, %convert_element_type3A, %cond3A : i32
      scf.if %cond3A_420 {
        %sub3A_422 = arith.constant 31 : i32
        %sub3A_423 = arith.subi %add3A_23, %sub3A_422 : i32
        %mul3A_424 = arith.constant 50 : i32
        %mul3A_425 = arith.muli %sub3A_423, %mul3A_424 : i32
        %multiple_of3A = tpu.assume_multiple %mul3A_425, 1600 : i32
        "tpu.region"() ({
          %run_scoped3A = tpu.sem_alloc : memref<!tpu.dma_semaphore, #tpu.memory_space<semaphore_mem>>
          %dma_start3A = tpu.memref_slice %arg5[%multiple_of3A] : memref<819200xi32, #tpu.memory_space<hbm>> -> memref<1600xi32, #tpu.memory_space<hbm>>
          %dma_start3A_426 = tpu.memref_slice %arg5[%multiple_of3A] : memref<819200xi32, #tpu.memory_space<hbm>> -> memref<1600xi32, #tpu.memory_space<hbm>>
          tpu.enqueue_dma source(%arg17 : memref<1600xi32, #tpu.memory_space<vmem>>) target(%dma_start3A_426 : memref<1600xi32, #tpu.memory_space<hbm>>) target_semaphore(%run_scoped3A : memref<!tpu.dma_semaphore, #tpu.memory_space<semaphore_mem>>)
          %dma_wait3A = tpu.memref_slice %arg5[%multiple_of3A] : memref<819200xi32, #tpu.memory_space<hbm>> -> memref<1600xi32, #tpu.memory_space<hbm>>
          %dma_wait3A_427 = tpu.memref_slice %arg5[%multiple_of3A] : memref<819200xi32, #tpu.memory_space<hbm>> -> memref<1600xi32, #tpu.memory_space<hbm>>
          tpu.wait_dma2 semaphore(%run_scoped3A : memref<!tpu.dma_semaphore, #tpu.memory_space<semaphore_mem>>) src(%arg17 : memref<1600xi32, #tpu.memory_space<vmem>>) dst(%dma_wait3A_427 : memref<1600xi32, #tpu.memory_space<hbm>>)
          tpu.yield
        }) : () -> ()
        "tpu.region"() ({
          %run_scoped3A = tpu.sem_alloc : memref<!tpu.dma_semaphore, #tpu.memory_space<semaphore_mem>>
          %dma_start3A = tpu.memref_slice %arg6[%multiple_of3A] : memref<819200xf32, #tpu.memory_space<hbm>> -> memref<1600xf32, #tpu.memory_space<hbm>>
          %dma_start3A_426 = tpu.memref_slice %arg6[%multiple_of3A] : memref<819200xf32, #tpu.memory_space<hbm>> -> memref<1600xf32, #tpu.memory_space<hbm>>
          tpu.enqueue_dma source(%arg18 : memref<1600xf32, #tpu.memory_space<vmem>>) target(%dma_start3A_426 : memref<1600xf32, #tpu.memory_space<hbm>>) target_semaphore(%run_scoped3A : memref<!tpu.dma_semaphore, #tpu.memory_space<semaphore_mem>>)
          %dma_wait3A = tpu.memref_slice %arg6[%multiple_of3A] : memref<819200xf32, #tpu.memory_space<hbm>> -> memref<1600xf32, #tpu.memory_space<hbm>>
          %dma_wait3A_427 = tpu.memref_slice %arg6[%multiple_of3A] : memref<819200xf32, #tpu.memory_space<hbm>> -> memref<1600xf32, #tpu.memory_space<hbm>>
          tpu.wait_dma2 semaphore(%run_scoped3A : memref<!tpu.dma_semaphore, #tpu.memory_space<semaphore_mem>>) src(%arg18 : memref<1600xf32, #tpu.memory_space<vmem>>) dst(%dma_wait3A_427 : memref<1600xf32, #tpu.memory_space<hbm>>)
          tpu.yield
        }) : () -> ()
      } else {
      }
      %scan3A_421 = arith.constant 0 : i32
      scf.yield %scan3A_421 : i32
    }
    %scan3A_18 = arith.constant 512 : i32
    return
  }
}

module attributes {stable_mosaic.version = 14 : i64} {
  func.func @_edge_kernel(%arg0: i32, %arg1: memref<400x128xi32, #tpu.memory_space<vmem>>, %arg2: memref<2x2x400x128xi32, #tpu.memory_space<vmem>>) attributes {dimension_semantics = [#tpu.dimension_semantics<arbitrary>], iteration_bounds = array<i64: 16>, scalar_prefetch = 0 : i64, scratch_operands = 0 : i64, tpu.core_type = #tpu.core_type<tc>, window_params = [{transform_indices = @transform_0, window_bounds = array<i64: 400, 128>}, {transform_indices = @transform_1, window_bounds = array<i64: 2, 2, 400, 128>}]} {
    %get3A = arith.constant 0 : index
    %get3A_0 = arith.constant 0 : index
    %get3A_1 = vector.load %arg1[%get3A, %get3A_0] : memref<400x128xi32, #tpu.memory_space<vmem>>, vector<400x128xi32>
    %iota3A = tpu.iota {dimensions = array<i32: 0>} : vector<400x128xi32>
    %iota3A_2 = tpu.iota {dimensions = array<i32: 1>} : vector<400x128xi32>
    %mul3A = arith.constant 400 : i32
    %mul3A_3 = arith.muli %arg0, %mul3A : i32
    %add3A = vector.broadcast %mul3A_3 : i32 to vector<400x128xi32>
    %add3A_4 = arith.addi %add3A, %iota3A : vector<400x128xi32>
    %mul3A_5 = arith.constant 128 : i32
    %mul3A_6 = vector.broadcast %mul3A_5 : i32 to vector<400x128xi32>
    %mul3A_7 = arith.muli %add3A_4, %mul3A_6 : vector<400x128xi32>
    %add3A_8 = arith.addi %mul3A_7, %iota3A_2 : vector<400x128xi32>
    %jit3A = arith.constant 50 : i32
    %div3A = vector.broadcast %jit3A : i32 to vector<400x128xi32>
    %div3A_9 = arith.divsi %add3A_8, %div3A : vector<400x128xi32>
    %sign3A = arith.constant 0 : i32
    %sign3A_10 = vector.broadcast %sign3A : i32 to vector<400x128xi32>
    %sign3A_11 = arith.cmpi sgt, %add3A_8, %sign3A_10 : vector<400x128xi32>
    %sign3A_12 = arith.extui %sign3A_11 : vector<400x128xi1> to vector<400x128xi32>
    %sign3A_13 = arith.constant 0 : i32
    %sign3A_14 = vector.broadcast %sign3A_13 : i32 to vector<400x128xi32>
    %sign3A_15 = arith.cmpi slt, %add3A_8, %sign3A_14 : vector<400x128xi32>
    %sign3A_16 = arith.extui %sign3A_15 : vector<400x128xi1> to vector<400x128xi32>
    %sign3A_17 = arith.subi %sign3A_12, %sign3A_16 : vector<400x128xi32>
    %sign3A_18 = arith.constant 0 : i32
    %sign3A_19 = arith.cmpi sgt, %jit3A, %sign3A_18 : i32
    %sign3A_20 = arith.extui %sign3A_19 : i1 to i32
    %sign3A_21 = arith.constant 0 : i32
    %sign3A_22 = arith.cmpi slt, %jit3A, %sign3A_21 : i32
    %sign3A_23 = arith.extui %sign3A_22 : i1 to i32
    %sign3A_24 = arith.subi %sign3A_20, %sign3A_23 : i32
    %ne3A = vector.broadcast %sign3A_24 : i32 to vector<400x128xi32>
    %ne3A_25 = arith.cmpi ne, %sign3A_17, %ne3A : vector<400x128xi32>
    %rem3A = vector.broadcast %jit3A : i32 to vector<400x128xi32>
    %rem3A_26 = arith.remsi %add3A_8, %rem3A : vector<400x128xi32>
    %ne3A_27 = arith.constant 0 : i32
    %ne3A_28 = vector.broadcast %ne3A_27 : i32 to vector<400x128xi32>
    %ne3A_29 = arith.cmpi ne, %rem3A_26, %ne3A_28 : vector<400x128xi32>
    %and3A = arith.andi %ne3A_25, %ne3A_29 : vector<400x128xi1>
    %sub3A = arith.constant 1 : i32
    %sub3A_30 = vector.broadcast %sub3A : i32 to vector<400x128xi32>
    %sub3A_31 = arith.subi %div3A_9, %sub3A_30 : vector<400x128xi32>
    %select_n3A = arith.select %and3A, %sub3A_31, %div3A_9 : vector<400x128xi1>, vector<400x128xi32>
    %swap3A = arith.constant 0 : index
    %swap3A_32 = arith.constant 0 : index
    %swap3A_33 = arith.constant 0 : index
    %swap3A_34 = arith.constant 0 : index
    %swap3A_35 = vector.load %arg2[%swap3A, %swap3A_32, %swap3A_33, %swap3A_34] : memref<2x2x400x128xi32, #tpu.memory_space<vmem>>, vector<1x1x400x128xi32>
    %swap3A_36 = vector.shape_cast %swap3A_35 : vector<1x1x400x128xi32> to vector<400x128xi32>
    %swap3A_37 = vector.shape_cast %get3A_1 : vector<400x128xi32> to vector<1x1x400x128xi32>
    tpu.vector_store %arg2[%swap3A, %swap3A_32, %swap3A_33, %swap3A_34], %swap3A_37 {strides = array<i32>} : memref<2x2x400x128xi32, #tpu.memory_space<vmem>>, vector<1x1x400x128xi32>,
    %swap3A_38 = arith.constant 0 : index
    %swap3A_39 = arith.constant 1 : index
    %swap3A_40 = arith.constant 0 : index
    %swap3A_41 = arith.constant 0 : index
    %swap3A_42 = vector.load %arg2[%swap3A_38, %swap3A_39, %swap3A_40, %swap3A_41] : memref<2x2x400x128xi32, #tpu.memory_space<vmem>>, vector<1x1x400x128xi32>
    %swap3A_43 = vector.shape_cast %swap3A_42 : vector<1x1x400x128xi32> to vector<400x128xi32>
    %swap3A_44 = vector.shape_cast %select_n3A : vector<400x128xi32> to vector<1x1x400x128xi32>
    tpu.vector_store %arg2[%swap3A_38, %swap3A_39, %swap3A_40, %swap3A_41], %swap3A_44 {strides = array<i32>} : memref<2x2x400x128xi32, #tpu.memory_space<vmem>>, vector<1x1x400x128xi32>,
    %swap3A_45 = arith.constant 1 : index
    %swap3A_46 = arith.constant 0 : index
    %swap3A_47 = arith.constant 0 : index
    %swap3A_48 = arith.constant 0 : index
    %swap3A_49 = vector.load %arg2[%swap3A_45, %swap3A_46, %swap3A_47, %swap3A_48] : memref<2x2x400x128xi32, #tpu.memory_space<vmem>>, vector<1x1x400x128xi32>
    %swap3A_50 = vector.shape_cast %swap3A_49 : vector<1x1x400x128xi32> to vector<400x128xi32>
    %swap3A_51 = vector.shape_cast %select_n3A : vector<400x128xi32> to vector<1x1x400x128xi32>
    tpu.vector_store %arg2[%swap3A_45, %swap3A_46, %swap3A_47, %swap3A_48], %swap3A_51 {strides = array<i32>} : memref<2x2x400x128xi32, #tpu.memory_space<vmem>>, vector<1x1x400x128xi32>,
    %swap3A_52 = arith.constant 1 : index
    %swap3A_53 = arith.constant 1 : index
    %swap3A_54 = arith.constant 0 : index
    %swap3A_55 = arith.constant 0 : index
    %swap3A_56 = vector.load %arg2[%swap3A_52, %swap3A_53, %swap3A_54, %swap3A_55] : memref<2x2x400x128xi32, #tpu.memory_space<vmem>>, vector<1x1x400x128xi32>
    %swap3A_57 = vector.shape_cast %swap3A_56 : vector<1x1x400x128xi32> to vector<400x128xi32>
    %swap3A_58 = vector.shape_cast %get3A_1 : vector<400x128xi32> to vector<1x1x400x128xi32>
    tpu.vector_store %arg2[%swap3A_52, %swap3A_53, %swap3A_54, %swap3A_55], %swap3A_58 {strides = array<i32>} : memref<2x2x400x128xi32, #tpu.memory_space<vmem>>, vector<1x1x400x128xi32>,
    return
  }
  func.func @transform_0(%arg0: i32) -> (i32, i32) {
    %c0_i32 = arith.constant 0 : i32
    %c0_i32_0 = arith.constant 0 : i32
    return %arg0, %c0_i32 : i32, i32
  }
  func.func @transform_1(%arg0: i32) -> (i32, i32, i32, i32) {
    %c0_i32 = arith.constant 0 : i32
    %c0_i32_0 = arith.constant 0 : i32
    %c0_i32_1 = arith.constant 0 : i32
    %c0_i32_2 = arith.constant 0 : i32
    return %c0_i32, %c0_i32_0, %arg0, %c0_i32_1 : i32, i32, i32, i32
  }
}

module attributes {stable_mosaic.version = 14 : i64} {
  func.func @_rdf_kernel(%arg0: i32, %arg1: memref<8192xf32, #tpu.memory_space<vmem>>, %arg2: memref<5x8192xf32, #tpu.memory_space<vmem>>) attributes {dimension_semantics = [#tpu.dimension_semantics<arbitrary>], iteration_bounds = array<i64: 200>, scalar_prefetch = 0 : i64, scratch_operands = 0 : i64, tpu.core_type = #tpu.core_type<tc>, window_params = [{transform_indices = @transform_0, window_bounds = array<i64: 8192>}, {transform_indices = @transform_1, window_bounds = array<i64: 5, 8192>}]} {
    %get3A = arith.constant 0 : index
    %get3A_0 = vector.load %arg1[%get3A] : memref<8192xf32, #tpu.memory_space<vmem>>, vector<8192xf32>
    %sqrt3A = math.sqrt %get3A_0 : vector<8192xf32>
    %sub3A = arith.constant 0.000000e+00 : f32
    %sub3A_1 = vector.broadcast %sub3A : f32 to vector<8192xf32>
    %sub3A_2 = arith.subf %sqrt3A, %sub3A_1 : vector<8192xf32>
    %integer_pow3A = arith.mulf %sub3A_2, %sub3A_2 : vector<8192xf32>
    %mul3A = arith.constant -5.000000e-01 : f32
    %mul3A_3 = vector.broadcast %mul3A : f32 to vector<8192xf32>
    %mul3A_4 = arith.mulf %mul3A_3, %integer_pow3A : vector<8192xf32>
    %exp3A = math.exp %mul3A_4 : vector<8192xf32>
    %broadcast_in_dim3A = vector.shape_cast %exp3A : vector<8192xf32> to vector<1x8192xf32>
    %sub3A_5 = arith.constant 2.500000e+00 : f32
    %sub3A_6 = vector.broadcast %sub3A_5 : f32 to vector<8192xf32>
    %sub3A_7 = arith.subf %sqrt3A, %sub3A_6 : vector<8192xf32>
    %integer_pow3A_8 = arith.mulf %sub3A_7, %sub3A_7 : vector<8192xf32>
    %mul3A_9 = arith.constant -5.000000e-01 : f32
    %mul3A_10 = vector.broadcast %mul3A_9 : f32 to vector<8192xf32>
    %mul3A_11 = arith.mulf %mul3A_10, %integer_pow3A_8 : vector<8192xf32>
    %exp3A_12 = math.exp %mul3A_11 : vector<8192xf32>
    %broadcast_in_dim3A_13 = vector.shape_cast %exp3A_12 : vector<8192xf32> to vector<1x8192xf32>
    %sub3A_14 = arith.constant 5.000000e+00 : f32
    %sub3A_15 = vector.broadcast %sub3A_14 : f32 to vector<8192xf32>
    %sub3A_16 = arith.subf %sqrt3A, %sub3A_15 : vector<8192xf32>
    %integer_pow3A_17 = arith.mulf %sub3A_16, %sub3A_16 : vector<8192xf32>
    %mul3A_18 = arith.constant -5.000000e-01 : f32
    %mul3A_19 = vector.broadcast %mul3A_18 : f32 to vector<8192xf32>
    %mul3A_20 = arith.mulf %mul3A_19, %integer_pow3A_17 : vector<8192xf32>
    %exp3A_21 = math.exp %mul3A_20 : vector<8192xf32>
    %broadcast_in_dim3A_22 = vector.shape_cast %exp3A_21 : vector<8192xf32> to vector<1x8192xf32>
    %sub3A_23 = arith.constant 7.500000e+00 : f32
    %sub3A_24 = vector.broadcast %sub3A_23 : f32 to vector<8192xf32>
    %sub3A_25 = arith.subf %sqrt3A, %sub3A_24 : vector<8192xf32>
    %integer_pow3A_26 = arith.mulf %sub3A_25, %sub3A_25 : vector<8192xf32>
    %mul3A_27 = arith.constant -5.000000e-01 : f32
    %mul3A_28 = vector.broadcast %mul3A_27 : f32 to vector<8192xf32>
    %mul3A_29 = arith.mulf %mul3A_28, %integer_pow3A_26 : vector<8192xf32>
    %exp3A_30 = math.exp %mul3A_29 : vector<8192xf32>
    %broadcast_in_dim3A_31 = vector.shape_cast %exp3A_30 : vector<8192xf32> to vector<1x8192xf32>
    %sub3A_32 = arith.constant 1.000000e+01 : f32
    %sub3A_33 = vector.broadcast %sub3A_32 : f32 to vector<8192xf32>
    %sub3A_34 = arith.subf %sqrt3A, %sub3A_33 : vector<8192xf32>
    %integer_pow3A_35 = arith.mulf %sub3A_34, %sub3A_34 : vector<8192xf32>
    %mul3A_36 = arith.constant -5.000000e-01 : f32
    %mul3A_37 = vector.broadcast %mul3A_36 : f32 to vector<8192xf32>
    %mul3A_38 = arith.mulf %mul3A_37, %integer_pow3A_35 : vector<8192xf32>
    %exp3A_39 = math.exp %mul3A_38 : vector<8192xf32>
    %broadcast_in_dim3A_40 = vector.shape_cast %exp3A_39 : vector<8192xf32> to vector<1x8192xf32>
    %concatenate3A = tpu.concatenate %broadcast_in_dim3A, %broadcast_in_dim3A_13, %broadcast_in_dim3A_22, %broadcast_in_dim3A_31, %broadcast_in_dim3A_40 in 0 : vector<1x8192xf32>, vector<1x8192xf32>, vector<1x8192xf32>, vector<1x8192xf32>, vector<1x8192xf32> -> vector<5x8192xf32>
    %swap3A = arith.constant 0 : index
    %swap3A_41 = arith.constant 0 : index
    %swap3A_42 = vector.load %arg2[%swap3A, %swap3A_41] : memref<5x8192xf32, #tpu.memory_space<vmem>>, vector<5x8192xf32>
    tpu.vector_store %arg2[%swap3A, %swap3A_41], %concatenate3A {strides = array<i32>} : memref<5x8192xf32, #tpu.memory_space<vmem>>, vector<5x8192xf32>,
    return
  }
  func.func @transform_0(%arg0: i32) -> i32 {
    %jit3A = arith.constant 100 : i32
    %eq3A = arith.constant 0 : i32
    %eq3A_0 = arith.cmpi eq, %jit3A, %eq3A : i32
    %jit3A_1 = arith.constant 1 : i32
    %select_n3A = arith.select %eq3A_0, %jit3A_1, %jit3A : i32
    %rem3A = arith.remsi %arg0, %select_n3A : i32
    %ne3A = arith.constant 0 : i32
    %ne3A_2 = arith.cmpi ne, %rem3A, %ne3A : i32
    %lt3A = arith.constant 0 : i32
    %lt3A_3 = arith.cmpi slt, %rem3A, %lt3A : i32
    %lt3A_4 = arith.constant 0 : i32
    %lt3A_5 = arith.cmpi slt, %select_n3A, %lt3A_4 : i32
    %ne3A_6 = arith.xori %lt3A_3, %lt3A_5 : i1
    %and3A = arith.andi %ne3A_6, %ne3A_2 : i1
    %add3A = arith.addi %rem3A, %select_n3A : i32
    %select_n3A_7 = arith.select %and3A, %add3A, %rem3A : i32
    %c0_i32 = arith.constant 0 : i32
    return %select_n3A_7 : i32
  }
  func.func @transform_1(%arg0: i32) -> (i32, i32) {
    %c0_i32 = arith.constant 0 : i32
    %c0_i32_0 = arith.constant 0 : i32
    return %c0_i32, %arg0 : i32, i32
  }
}

</mosaic_0001>

<sc_bundles>
// kernel: kernel.5.cloned.1.call-start
scs
__scs_entry_jumppad:
0x0: {  	(pc) =	sbr.rel $0x88, $3  }
0x1: {  	(tag) =	ssettag $0x0;
	lr =	simm.s32 $0x1  }
0x2: {  	[smem:$0x3FA0] =	sst lr;
	_ =	strace $0xD0000000  }
0x3: {  	_ = 	snop  }
0x4: {  	_ = 	snop  }
0x5: {  	_ = 	snop  }
0x6: {  	_ = 	snop  }
0x7: {  	_ = 	snop  }
__scs_overlays_trampoline_lowered:
0x8: {  	[smem:$0x3FAF] =	sst s0  }
0x9: {  	[smem:$0x3FB0] =	sst s1  }
0xa: {  	[smem:$0x3FB1] =	sst s2  }
0xb: {  	[smem:$0x3FB2] =	sst s3  }
0xc: {  	[smem:$0x3FB3] =	sst s4  }
0xd: {  	[smem:$0x3FB4] =	sst s5  }
0xe: {  	[smem:$0x3FB5] =	sst s6  }
0xf: {  	[smem:$0x3FB6] =	sst s7  }
0x10: {  	[smem:$0x3FB7] =	sst s8  }
0x11: {  	[smem:$0x3FB8] =	sst s9;
	s0 =	simm.s32 @!p0 $0x0  }
0x12: {  	s1 =	sld [smem:$0x3F9E];
	s0 =	simm.s32 @p0 $0x1  }
0x13: {  	[smem:$0x3FB9] =	sst s0;
	s0 =	simm.s32 @!p1 $0x0  }
0x14: {  	s2 =	sld [smem:$0x3F9D];
	s0 =	simm.s32 @p1 $0x1  }
0x15: {  	[smem:$0x3FBA] =	sst s0;
	s0 =	simm.s32 @!p2 $0x0  }
0x16: {  	s3 =	sld [smem:$0x3FDB];
	s0 =	simm.s32 @p2 $0x1  }
0x17: {  	s4 =	simm.s32 $0x1BF5;
	[smem:$0x3FBC] =	sst s0  }
0x18: {  	s0 =	sld [smem:$0x3F9F];
	_ =	swait.ge [sflag:s4], $0x0  }
0x19: {  	s7 =	sld [smem:$0x3FA0]  }
0x1a: {  	s8 =	sadd.s32 $0xFFFFE003, lr  }
0x1b: {  	s9 =	sadd.s32 $0xFFFFFEF7, lr;
	s5 =	simm.s32 $0xFFFFFFFF;
	p2 =	slt.u32 s8, $0xFFFFF086  }
0x1c: {  	p1 =	slt.u32 s9, $0xF7A;
	s5 =	simm.s32 @!p2 $0x0  }
0x1d: {  	s5 =	simm.s32 @p1 $0x1;
	p0 =	seq.s32 s7, s2  }
0x1e: {  	s7 =	smul.u32 @!p0 $0xF7A, s2;
	p2 =	seq.s32 @!p0 s5, $0x0  }
0x1f: {  	s9 =	smul.u32 $0xF7A, s1;
	s8 =	simm.s32 @!p0 $0x1BF5;
	p2 =	por !p2, p0  }
0x20: {  	[sflag:s8] =	ssyncset.s32 @!p0 $0xFFFFF086;
	s6 =	sadd.s32 @!p0 s3, s7;
	s7 =	simm.s32 @!p0 $0x108  }
0x21: {  	s3 =	sadd.s32 s3, s9;
	s6 =	sadd.s32 @!p0 $0x88, s6;
	s7 =	simm.s32 @p2 $0x1082  }
0x22: {  	[simem:s7], [sflag:s8] =	dma.local @!p0 [hbm:s6], $0xF7A  }
0x23: {  	s9 =	sor.u32 $0xD0000000, s2;
	s6 =	simm.s32 $0x108;
	_ =	swait.ge @!p0 [sflag:s8], $0x0  }
0x24: {  	s3 =	sadd.s32 $0x88, s3;
	s6 =	simm.s32 @!p1 $0x1082;
	[sflag:s4] =	ssyncset.s32 $0xFFFFF086  }
0x25: {  	[simem:s6], [sflag:s4] =	dma.local [hbm:s3], $0xF7A  }
0x26: {  	[smem:$0x3FA0] =	sst s1;
	(tag) =	ssettag s2;
	_ =	strace s9  }
0x27: {  	s1 =	sld [smem:$0x3FB0]  }
0x28: {  	s2 =	sld [smem:$0x3FB1]  }
0x29: {  	s4 =	sld [smem:$0x3FB3]  }
0x2a: {  	p0 =	seq.s32 s5, $0x0;
	s5 =	sld [smem:$0x3FB4]  }
0x2b: {  	s6 =	sld [smem:$0x3FB5]  }
0x2c: {  	s7 =	sld [smem:$0x3FB6]  }
0x2d: {  	s3 =	simm.s32 $0x108;
	s8 =	sld [smem:$0x3FB7]  }
0x2e: {  	s3 =	simm.s32 @!p0 $0x1082;
	s9 =	sld [smem:$0x3FB8]  }
0x2f: {  	lr =	sadd.s32 s0, s3;
	s0 =	sld [smem:$0x3FAF]  }
0x30: {  	s3 =	sld [smem:$0x3FB2]  }
0x31: {  	[smem:$0x3FBB] =	sst s10  }
0x32: {  	s10 =	sld [smem:$0x3FB9];
	_ =	sdelay $0x3  }
0x33: {  	p0 =	seq.s32 s10, $0x1;
	s10 =	sld [smem:$0x3FBB];
	_ =	sdelay $0x3  }
0x34: {  	[smem:$0x3FBB] =	sst s10  }
0x35: {  	s10 =	sld [smem:$0x3FBA];
	_ =	sdelay $0x3  }
0x36: {  	p1 =	seq.s32 s10, $0x1;
	s10 =	sld [smem:$0x3FBB];
	_ =	sdelay $0x3  }
0x37: {  	[smem:$0x3FBB] =	sst s10  }
0x38: {  	s10 =	sld [smem:$0x3FBC]  }
0x39: {  	_ = 	snop;
	(pc) =	sbr.ind lr, $3  }
0x3a: {  	_ = 	snop  }
0x3b: {  	_ = 	snop  }
0x3c: {  	p2 =	seq.s32 s10, $0x1;
	s10 =	sld [smem:$0x3FBB]  }
0x3d: {  	_ =	shalt  }
0x3e: {  	_ =	shalt  }
0x3f: {  	_ =	shalt  }
0x40: {  	_ =	shalt  }
0x41: {  	_ =	shalt  }
0x42: {  	_ =	shalt  }
0x43: {  	_ =	shalt  }
0x44: {  	_ =	shalt  }
0x45: {  	_ =	shalt  }
0x46: {  	_ =	shalt  }
0x47: {  	_ =	shalt  }
0x48: {  	_ =	shalt  }
0x49: {  	_ =	shalt  }
0x4a: {  	_ =	shalt  }
0x4b: {  	_ =	shalt  }
0x4c: {  	_ =	shalt  }
0x4d: {  	_ =	shalt  }
0x4e: {  	_ =	shalt  }
0x4f: {  	_ =	shalt  }
0x50: {  	_ =	shalt  }
0x51: {  	_ =	shalt  }
0x52: {  	_ =	shalt  }
0x53: {  	_ =	shalt  }
0x54: {  	_ =	shalt  }
0x55: {  	_ =	shalt  }
0x56: {  	_ =	shalt  }
0x57: {  	_ =	shalt  }
0x58: {  	_ =	shalt  }
0x59: {  	_ =	shalt  }
0x5a: {  	_ =	shalt  }
0x5b: {  	_ =	shalt  }
0x5c: {  	_ =	shalt  }
0x5d: {  	_ =	shalt  }
0x5e: {  	_ =	shalt  }
0x5f: {  	_ =	shalt  }
0x60: {  	_ =	shalt  }
0x61: {  	_ =	shalt  }
0x62: {  	_ =	shalt  }
0x63: {  	_ =	shalt  }
0x64: {  	_ =	shalt  }
0x65: {  	_ =	shalt  }
0x66: {  	_ =	shalt  }
0x67: {  	_ =	shalt  }
0x68: {  	_ =	shalt  }
0x69: {  	_ =	shalt  }
0x6a: {  	_ =	shalt  }
0x6b: {  	_ =	shalt  }
0x6c: {  	_ =	shalt  }
0x6d: {  	_ =	shalt  }
0x6e: {  	_ =	shalt  }
0x6f: {  	_ =	shalt  }
0x70: {  	_ =	shalt  }
0x71: {  	_ =	shalt  }
0x72: {  	_ =	shalt  }
0x73: {  	_ =	shalt  }
0x74: {  	_ =	shalt  }
0x75: {  	_ =	shalt  }
0x76: {  	_ =	shalt  }
0x77: {  	_ =	shalt  }
0x78: {  	_ =	shalt  }
0x79: {  	_ =	shalt  }
0x7a: {  	_ =	shalt  }
0x7b: {  	_ =	shalt  }
0x7c: {  	_ =	shalt  }
0x7d: {  	_ =	shalt  }
0x7e: {  	_ =	shalt  }
0x7f: {  	_ =	shalt  }
0x80: {  	_ =	shalt  }
0x81: {  	_ =	shalt  }
0x82: {  	_ =	shalt  }
0x83: {  	_ =	shalt  }
0x84: {  	_ =	shalt  }
0x85: {  	_ =	shalt  }
0x86: {  	_ =	shalt  }
0x87: {  	_ =	shalt  }
.Lfunc_end0:
.L_simem_size_0:
called_computation_lowered:
.L_overlay_start_0:
0x88: {  	s2 =	sld [smem:$0x3FD9]  }
0x89: {  	s3 =	sld [smem:$0x3FFE];
	_ =	sdelay $0x1  }
0x8a: {  	s1 =	srdreg.scid  }
0x8b: {  	s0 =	sand.u32 $0x1, s1  }
0x8c: {  	s14 =	sshll.u32 s0, $0xA;
	s2 =	sadd.s32 s3, s2  }
0x8d: {  	s2 =	sadd.s32 s2, s14  }
0x8e: {  	[smem:$0x3FC7] =	sst s2  }
0x8f: {  	_ = 	snop  }
0x90: {  	s2 =	sld [smem:$0x3FD0];
	_ =	sdelay $0x2  }
0x91: {  	s15 =	simm.s32 $0xA;
	s4 =	simm.s32 $0x10  }
0x92: {  	[smem:s4], [sflag:s15] =	dma.local [hbm:s2], $0x1  }
0x93: {  	_ =	swait.eq [sflag:s15], $0x1  }
0x94: {  	[sflag:s15] =	ssyncset.done $0x0  }
0x95: {  	s16 =	sld [smem:$0x10];
	[sflag:s15] =	ssyncadd.s32 $0xFFFFFFFF  }
0x96: {  	s17 =	sld [smem:$0x11];
	(tm) =	ssettm $0x1  }
0x97: {  	s18 =	sld [smem:$0x3FFB];
	_ =	sdelay $0x3  }
0x98: {  	_ =	strace s18  }
0x99: {  	s4 =	sld [smem:$0x3FFC];
	_ =	sdelay $0x3  }
0x9a: {  	_ =	strace s4  }
0x9b: {  	s4 =	sld [smem:$0x3FFD];
	_ =	sdelay $0x3  }
0x9c: {  	_ =	strace s4  }
0x9d: {  	_ =	strace $0x8FFFFFFF  }
0x9e: {  	s19 =	sld [smem:$0x3FDB];
	_ =	sdelay $0x1  }
0x9f: {  	s5 =	simm.s32 $_scs_section_size  }
0xa0: {  	s6 =	simm.s32 $_size__tile_overlayer_lowered;
	s7 =	simm.s32 $_tile_overlayer_lowered  }
0xa1: {  	s22 =	simm.s32 $0x1BFF;
	s21 =	sshll.u32 s7, $0x1;
	s4 =	sadd.s32 s5, s19  }
0xa2: {  	s8 =	simm.s32 $0x0;
	s20 =	sshll.u32 s6, $0x1;
	s6 =	sadd.s32 s21, s4  }
0xa3: {  	[timem:s8], [sflag:s22] =	dma.local [hbm:s6], s20  }
0xa4: {  	_ =	swait.ge [sflag:s22], s20  }
0xa5: {  	s5 =	ssub.s32 $0x0, s20;
	[sflag:s22] =	ssyncset.done $0x0  }
0xa6: {  	[sflag:s22] =	ssyncadd.s32 s5;
	_ =	sdelay $0x1  }
0xa7: {  	s23 =	simm.s32 $0x1B8B  }
0xa8: {  	_ =	swait.ge [sflag:s23], $0x1  }
0xa9: {  	[sflag:s23] =	ssyncset.done $0x0  }
0xaa: {  	s25 =	simm.s32 $0x1B8E;
	s24 =	sld [smem:$0x3FFE];
	[sflag:s23] =	ssyncadd.s32 $0xFFFFFFFF  }
0xab: {  	s26 =	simm.s32 $execute0_lowered;
	[smem:$0x3FD2] =	sst s25  }
0xac: {  	s6 =	sshll.u32 s26, $0x1;
	_ =	strace $0x80000046;
	[dreg:$0x1] =	wrdreg $0xFFFFFFFF  }
0xad: {  	s28 =	simm.s32 $_size_execute0_lowered;
	s4 =	sadd.s32 s4, s6;
	[dreg:$0x0] =	wrdreg $0x0  }
0xae: {  	s6 =	sshll.u32 s28, $0x1;
	[dreg:$0x2] =	wrdreg s4  }
0xaf: {  	[dreg:$0x3] =	wrdreg s6  }
0xb0: {  	[dreg:$0x4] =	wrdreg $0xC0  }
0xb1: {  	_ =	task [dreg:s8], $0x5FFFF  }
0xb2: {  	[dreg:$0x1] =	wrdreg $0xFFFFFFFF  }
0xb3: {  	[dreg:$0x0] =	wrdreg $0x60  }
0xb4: {  	[dreg:$0x2] =	wrdreg s24  }
0xb5: {  	[dreg:$0x3] =	wrdreg s16  }
0xb6: {  	[dreg:$0x4] =	wrdreg s17  }
0xb7: {  	[dreg:$0x5] =	wrdreg $0x9  }
0xb8: {  	_ =	task.clear_ibuf [dreg:s8], $0x6FFFF;
	_ =	strace $0x90000046  }
0xb9: {  	s29 =	simm.s32 $0x9;
	_ =	strace $0x80000048  }
0xba: {  	_ =	swait.ge [sflag:s29], $0x1  }
0xbb: {  	[sflag:s29] =	ssyncadd.s32 $0xFFFFFFFF  }
0xbc: {  	_ =	strace $0x90000048  }
0xbd: {  	_ =	sfence  }
0xbe: {  	s30 =	sld [smem:$0x0];
	_ =	sdelay $0x2  }
0xbf: {  	s31 =	sshll.u32 s1, $0xD;
	s1 =	sshrl.u32 s1, $0x2  }
0xc0: {  	s3 =	sand.u32 $0x4000, s31;
	s1 =	sadd.s32 s1, s30  }
0xc1: {  	s0 =	sor.u32 s3, s0;
	s1 =	sshll.u32 s1, $0x11  }
0xc2: {  	s0 =	sor.u32 s1, s0  }
0xc3: {  	s0 =	sadd.s32 $0x8F2B, s0  }
0xc4: {  	[sflag:s0] =	ssyncadd.remote.s32 $0x1  }
0xc5: {  	_ =	sfence.sel $0xFFFF  }
0xc6: {  	[dreg:$0x0] =	wrdreg $0xFFFFFFFF;
	(pc) =	sbr.abs _section_cstart, $3  }
0xc7: {  	[dreg:$0x1] =	wrdreg $0xFFFFFFFF  }
0xc8: {  	_ =	task.clear_ibuf [dreg:s8], $0x2FFFF;
	_ =	strace $0x9FFFFFFF  }
0xc9: {  	(tm) =	ssettm $0x7FFFFFFF  }
tec
execute0_lowered:
.L_overlay_start_1:
0x0: {  	(tag) =	ssettag $0x1  }
0x1: {  	s0 =	rddreg [dreg:$0x0]  }
0x2: {  	s1 =	rddreg [dreg:$0x1]  }
0x3: {  	s2 =	rddreg [dreg:$0x2];
	s3 =	simm.s32 $0x0;
	s4 =	srdreg.scid  }
0x4: {  	s6 =	stileid.u32;
	s10 =	simm.s32 $0x1;
	s11 =	simm.s32 $0x4000  }
0x5: {  	s12 =	simm.s32 $0x8000;
	s13 =	simm.s32 $0xC000;
	s14 =	simm.s32 $0xD000  }
0x6: {  	s15 =	simm.s32 $0x11300;
	s16 =	simm.s32 $0x11980;
	s17 =	simm.s32 $0x11200  }
0x7: {  	s18 =	simm.s32 $0x11280;
	s19 =	simm.s32 $0xE000;
	[smem:$0x7FF] =	sst s3  }
0x8: {  	s5 =	sadd.s32 $0x1E00, s0;
	s4 =	sand.u32 $0x1, s4;
	s29 =	sadd.s32 $0x1600, s0  }
.Ltmp0:
0x9: {  	s9 =	sshll.u32 s6, $0xA;
	s30 =	ssub.s32 $0x2, s4;
	(pc) =	sbr.rel .LBB2_1-.Ltmp0, $4  }
0xa: {  	_ =	strace $0x80000047;
	[dreg:$0x4] =	wrdreg s5;
	s8 =	sshrl.u32 s30, $0x1  }
0xb: {  	s0 =	sadd.s32 $0xE00, s0;
	[dreg:$0x5] =	wrdreg s29;
	s31 =	ssub.s32 s30, s8  }
0xc: {  	v0 =	vlaneseq.u32;
	v1 =	vimm.s32 $0x0;
	v3 =	vimm.s32 $0x1;
	s4 =	sshll.u32 s4, $0x9;
	[dreg:$0x6] =	wrdreg s0;
	s0 =	smax.u32 s31, $0x1  }
0xd: {  	v4 =	vimm.s32 $0x7F800000;
	v5 =	vimm.s32 $0xFFFFFFFF;
	s20 =	simm.s32 $0x0;
	v2 =	vmul.u32 $0x100, v0;
	s8 =	sor.u32 s4, s9;
	[dreg:$0x7] =	wrdreg s0  }
.LBB2_83:
0xe: {  	s20 =	sadd.s32 $0x1, s20;
	s0 =	rddreg [dreg:$0x7]  }
0xf: {  	p0 =	sne.s32 s20, s0  }
.Ltmp1:
0x10: {  	_ = 	snop;
	(pc) =	sbr.rel @!p0 .LBB2_84-.Ltmp1, $1  }
0x11: {  	_ =	sdelay $0x3  }
.LBB2_1:
0x12: {  	s0 =	rddreg [dreg:$0x4]  }
0x13: {  	[tilespmem:s3], [sflag:$0x1] =	stream.linear.gather [hbm4b:s0+s3], $0x4000, $0x38;
	[tilespmem:$0x12000] =	vst v63  }
0x14: {  	_ =	swait.ge [sflag:s10], $0x4000  }
0x15: {  	[sflag:s10] =	ssyncset.done $0x0  }
0x16: {  	s30 =	rddreg [dreg:$0x5];
	[sflag:s10] =	ssyncadd.s32 $0xFFFFC000  }
0x17: {  	[tilespmem:s11], [sflag:$0x1] =	stream.linear.gather [hbm4b:s30+s3], $0x4000, $0x38;
	[tilespmem:$0x12000] =	vst v63  }
0x18: {  	_ =	swait.ge [sflag:s10], $0x4000  }
0x19: {  	[sflag:s10] =	ssyncset.done $0x0  }
0x1a: {  	s31 =	rddreg [dreg:$0x6];
	[sflag:s10] =	ssyncadd.s32 $0xFFFFC000  }
0x1b: {  	[tilespmem:s12], [sflag:$0x1] =	stream.linear.gather [hbm4b:s31+s3], $0x4000, $0x38;
	[tilespmem:$0x12000] =	vst v63  }
0x1c: {  	_ =	swait.ge [sflag:s10], $0x4000  }
0x1d: {  	[sflag:s10] =	ssyncset.done $0x0  }
0x1e: {  	s0 =	simm.s32 $0xE020;
	[sflag:s10] =	ssyncadd.s32 $0xFFFFC000  }
0x1f: {  	[tilespmem:s0+$0xFFFFFFE0] =	vst v1  }
0x20: {  	[tilespmem:s0+$0x10] =	vst v1  }
0x21: {  	s4 =	simm.s32 $0x0;
	[tilespmem:s0+$0x0] =	vst v1  }
.LBB2_2:
0x22: {  	s4 =	sadd.s32 $0x4, s4  }
0x23: {  	[tilespmem:s0+$0xFFFFFFF0] =	vst v1;
	s0 =	sadd.s32 $0x40, s0;
	p0 =	slt.u32 s4, $0xFC  }
.Ltmp2:
0x24: {  	[tilespmem:s0+$0xFFFFFFE0] =	vst v1;
	(pc) =	sbr.rel @p0 .LBB2_2-.Ltmp2, $3  }
0x25: {  	_ =	sdelay $0x1  }
0x26: {  	[tilespmem:s0+$0x10] =	vst v1  }
0x27: {  	[tilespmem:s0+$0x0] =	vst v1  }
.Ltmp3:
0x28: {  	(pc) =	sbr.rel .LBB2_4-.Ltmp3, $2  }
0x29: {  	_ =	sdelay $0x2  }
0x2a: {  	[tilespmem:s0+$0xFFFFFFF0] =	vst v1;
	s21 =	simm.s32 $0x0  }
.LBB2_82:
0x2b: {  	v6 =	vld [tilespmem:$0x11200]  }
0x2c: {  	v7 =	vld [tilespmem:$0x11280]  }
0x2d: {  	v8 =	vld [tilespmem:$0x11210]  }
0x2e: {  	v9 =	vld [tilespmem:$0x11290]  }
0x2f: {  	v10 =	vld [tilespmem:$0x11220]  }
0x30: {  	v11 =	vld [tilespmem:$0x112A0]  }
0x31: {  	v12 =	vld [tilespmem:$0x11230]  }
0x32: {  	v13 =	vld [tilespmem:$0x112B0]  }
0x33: {  	v6 =	vxor.u32 $0x80000000, v6  }
0x34: {  	(xrf1) =	vsort.ascd.msk.u32 $0xffff, v6, v7;
	v6 =	vxor.u32 $0x80000000, v8  }
0x35: {  	(xrf1) =	vsort.ascd.msk.u32 $0xffff, v6, v9;
	v6 =	vxor.u32 $0x80000000, v10  }
0x36: {  	(xrf1) =	vsort.ascd.msk.u32 $0xffff, v6, v11;
	v6 =	vxor.u32 $0x80000000, v12  }
0x37: {  	(xrf1) =	vsort.ascd.msk.u32 $0xffff, v6, v13;
	_ =	sdelay $0xa  }
0x38: {  	v33 =	vmul.u32 $0xFFFFFFFF, v0;
	v6, v7, _ =	vpop (xrf1)  }
0x39: {  	v9, v34, _ =	vpop (xrf1)  }
0x3a: {  	v8 =	vadd.s32 $0xF, v33;
	v9 =	vxor.u32 $0x80000000, v9;
	v11, v35, _ =	vpop (xrf1)  }
0x3b: {  	v13, v14, _ =	vpop (xrf1);
	v9 =	vperm.xlane v9, v8  }
0x3c: {  	v6 =	vxor.u32 $0x80000000, v6;
	v10 =	vperm.xlane v34, v8;
	v13 =	vxor.u32 $0x80000000, v13  }
0x3d: {  	v11 =	vxor.u32 $0x80000000, v11;
	vm0 =	vgt.s32 v6, v9;
	v13 =	vperm.xlane v13, v8  }
0x3e: {  	v14 =	vperm.xlane v14, v8;
	v15 =	vsel vm0, v9, v6;
	v16 =	vsel vm0, v10, v7  }
0x3f: {  	v6 =	vsel vm0, v6, v9;
	v36 =	vxor.u32 $0x80000000, v15;
	vm1 =	vgt.s32 v11, v13  }
0x40: {  	v7 =	vsel vm0, v7, v10;
	v6 =	vxor.u32 $0x80000000, v6;
	(xrf1) =	vsort.ascd.msk.u32 $0xffff, v36, v16;
	v37 =	vsel vm1, v13, v11  }
0x41: {  	(xrf1) =	vsort.ascd.msk.u32 $0xffff, v6, v7;
	v6 =	vsel vm1, v14, v35;
	v7 =	vsel vm1, v11, v13;
	v9 =	vxor.u32 $0x80000000, v37  }
0x42: {  	v38 =	vsel vm1, v35, v14;
	(xrf1) =	vsort.ascd.msk.u32 $0xffff, v9, v6;
	v6 =	vxor.u32 $0x80000000, v7  }
0x43: {  	(xrf1) =	vsort.ascd.msk.u32 $0xffff, v6, v38;
	_ =	sdelay $0xa  }
0x44: {  	v6, v7, _ =	vpop (xrf1)  }
0x45: {  	v39, v40, _ =	vpop (xrf1)  }
0x46: {  	v41, v42, _ =	vpop (xrf1)  }
0x47: {  	v43, v44, _ =	vpop (xrf1)  }
0x48: {  	v11 =	vxor.u32 $0x80000000, v41;
	v13 =	vxor.u32 $0x80000000, v43  }
0x49: {  	v11 =	vperm.xlane v11, v8;
	v13 =	vperm.xlane v13, v8  }
0x4a: {  	v6 =	vxor.u32 $0x80000000, v6;
	v9 =	vxor.u32 $0x80000000, v39;
	v14 =	vperm.xlane v44, v8  }
0x4b: {  	v8 =	vperm.xlane v42, v8;
	vm14 =	vgt.s32 v9, v11;
	vm13 =	vgt.s32 v6, v13  }
0x4c: {  	v46 =	vsel vm14, v11, v9;
	v45 =	vsel vm13, v13, v6  }
0x4d: {  	v48 =	vsel vm14, v8, v40;
	vm2 =	vgt.s32 v45, v46  }
0x4e: {  	v9 =	vsel vm14, v9, v11;
	v47 =	vsel vm13, v14, v7;
	v17 =	vsel vm2, v46, v45  }
0x4f: {  	v8 =	vsel vm14, v40, v8;
	v49 =	vsel vm2, v48, v47;
	v17 =	vxor.u32 $0x80000000, v17  }
0x50: {  	v6 =	vsel vm13, v6, v13;
	v50 =	vsel vm2, v45, v46;
	(xrf1) =	vsort.ascd.msk.u32 $0xffff, v17, v49  }
0x51: {  	vm15 =	vgt.s32 v6, v9;
	v51 =	vsel vm2, v47, v48;
	v11 =	vxor.u32 $0x80000000, v50  }
0x52: {  	v7 =	vsel vm13, v7, v14;
	v52 =	vsel vm15, v9, v6;
	(xrf1) =	vsort.ascd.msk.u32 $0xffff, v11, v51  }
0x53: {  	v53 =	vsel vm15, v8, v7;
	v10 =	vxor.u32 $0x80000000, v52  }
0x54: {  	v6 =	vsel vm15, v6, v9;
	(xrf1) =	vsort.ascd.msk.u32 $0xffff, v10, v53  }
0x55: {  	v7 =	vsel vm15, v7, v8;
	v6 =	vxor.u32 $0x80000000, v6  }
0x56: {  	(xrf1) =	vsort.ascd.msk.u32 $0xffff, v6, v7  }
0x57: {  	s0 =	sand.u32 $0x1F, s21  }
0x58: {  	s4 =	smul.u32 $0x32, s0;
	_ =	sdelay $0x1  }
0x59: {  	v6 =	vadd.s32 s4, v0  }
0x5a: {  	s5 =	sadd.s32 $0x10, s4  }
0x5b: {  	v7 =	vadd.s32 s5, v0  }
0x5c: {  	s31 =	sadd.s32 $0x20, s4  }
0x5d: {  	v56 =	vadd.s32 s31, v0;
	v55, v54, _ =	vpop (xrf1)  }
0x5e: {  	s4 =	sadd.s32 $0x30, s4;
	v8 =	vxor.u32 $0x80000000, v55;
	[tilespmem:v6+s15+$0x0] =	vst.idx.msk $0xffff, v54  }
0x5f: {  	v58, v57, _ =	vpop (xrf1);
	[tilespmem:v6+s16+$0x0] =	vst.idx.msk $0xffff, v8;
	v6 =	vadd.s32 s4, v0  }
0x60: {  	p0 =	sne.s32 s0, $0x1F;
	v59 =	vxor.u32 $0x80000000, v58;
	[tilespmem:v7+s15+$0x0] =	vst.idx.msk $0xffff, v57  }
0x61: {  	s0 =	smul.u32 @!p0 $0x32, s22;
	v60, v61, _ =	vpop (xrf1);
	[tilespmem:v7+s16+$0x0] =	vst.idx.msk $0xffff, v59  }
0x62: {  	v7 =	vxor.u32 $0x80000000, v60;
	[tilespmem:v56+s15+$0x0] =	vst.idx.msk $0xffff, v61  }
0x63: {  	s0 =	sadd.s32 @!p0 $0xFFFFF9F2, s0;
	v62, v63, _ =	vpop (xrf1);
	[tilespmem:v56+s16+$0x0] =	vst.idx.msk $0xffff, v7  }
0x64: {  	s0 =	sshrl.u32 @!p0 s0, $0x3;
	v7 =	vxor.u32 $0x80000000, v62;
	[tilespmem:v6+s15+$0x0] =	vst.idx.msk $0x3, v63  }
0x65: {  	s6 =	simm.s32 @!p0 $0x11300;
	s5 =	simm.s32 @!p0 $0x0;
	s4 =	sadd.s32 @!p0 s1, s0;
	[tilespmem:v6+s16+$0x0] =	vst.idx.msk $0x3, v7  }
0x66: {  	[hbm4b:s4+s5] =	stream.linear.scatter @!p0 [tilespmem:s6], [sflag:$0x2], $0x640, $0x38;
	[tilespmem:$0x12000] =	vst v63  }
0x67: {  	s4 =	simm.s32 @!p0 $0x2  }
0x68: {  	s21 =	sadd.s32 $0x1, s21;
	_ =	swait.ge @!p0 [sflag:s4], $0x640  }
0x69: {  	p1 =	sne.s32 s21, $0x200;
	[sflag:s4] =	ssyncset.done @!p0 $0x0  }
0x6a: {  	s0 =	sadd.s32 @!p0 s2, s0;
	[sflag:s4] =	ssyncadd.s32 @!p0 $0xFFFFF9C0;
	s4 =	simm.s32 @!p0 $0x11980  }
0x6b: {  	[hbm4b:s0+s5] =	stream.linear.scatter @!p0 [tilespmem:s4], [sflag:$0x1], $0x640, $0x38;
	[tilespmem:$0x12000] =	vst v63  }
.Ltmp4:
0x6c: {  	_ = 	snop;
	(pc) =	sbr.rel @!p1 .LBB2_83-.Ltmp4, $4  }
0x6d: {  	s0 =	simm.s32 @!p0 $0x1  }
0x6e: {  	_ =	swait.ge @!p0 [sflag:s0], $0x640  }
0x6f: {  	[sflag:s0] =	ssyncset.done @!p0 $0x0  }
0x70: {  	[sflag:s0] =	ssyncadd.s32 @!p0 $0xFFFFF9C0  }
.LBB2_4:
0x71: {  	s0 =	simm.s32 $0x40  }
0x72: {  	s4 =	simm.s32 $0x8040;
	v10 =	vld [tilespmem:s0+$0x0]  }
0x73: {  	s5 =	simm.s32 $0x4040;
	v11 =	vld [tilespmem:s4+$0xFFFFFFD0]  }
0x74: {  	v12 =	vld [tilespmem:s5+$0xFFFFFFC0]  }
0x75: {  	v13 =	vld [tilespmem:s4+$0xFFFFFFE0]  }
0x76: {  	s22 =	sadd.s32 s8, s21;
	v14 =	vld [tilespmem:s0+$0xFFFFFFD0]  }
0x77: {  	v6 =	vmov s22;
	v15 =	vld [tilespmem:s5+$0xFFFFFFD0]  }
0x78: {  	v16 =	vld [tilespmem:s0+$0xFFFFFFE0]  }
0x79: {  	v17 =	vld [tilespmem:s4+$0xFFFFFFF0]  }
0x7a: {  	v18 =	vld [tilespmem:s0+$0xFFFFFFF0]  }
0x7b: {  	v19 =	vld [tilespmem:s4+$0x0]  }
0x7c: {  	v9 =	vld.idx.msk [tilespmem:v6+s12+$0x0], $0xffff  }
0x7d: {  	v8 =	vld.idx.msk [tilespmem:v6+s3+$0x0], $0xffff  }
0x7e: {  	v7 =	vld.idx.msk [tilespmem:v6+s11+$0x0], $0xffff  }
0x7f: {  	v20 =	vld [tilespmem:s5+$0xFFFFFFF0]  }
0x80: {  	v21 =	vld [tilespmem:s5+$0x0]  }
0x81: {  	v22 =	vld [tilespmem:s5+$0xFFFFFFE0];
	v13 =	vsub.f32 v13, v9  }
0x82: {  	v23 =	vld [tilespmem:s4+$0xFFFFFFC0];
	v10 =	vsub.f32 v10, v8;
	v16 =	vsub.f32 v16, v8  }
0x83: {  	v24 =	vld [tilespmem:s5+$0x20];
	v17 =	vsub.f32 v17, v9;
	v15 =	vsub.f32 v15, v7  }
0x84: {  	v25 =	vld [tilespmem:s4+$0x10];
	v14 =	vsub.f32 v14, v8;
	v18 =	vsub.f32 v18, v8  }
0x85: {  	v26 =	vld [tilespmem:s0+$0x20];
	v12 =	vsub.f32 v12, v7;
	v11 =	vsub.f32 v11, v9  }
0x86: {  	s9 =	simm.s32 $0xC0;
	v28 =	vld [tilespmem:s0+$0x30];
	v20 =	vsub.f32 v20, v7;
	v21 =	vsub.f32 v21, v7  }
0x87: {  	v33 =	vld [tilespmem:s9+$0xFFFFFFF0];
	v19 =	vsub.f32 v19, v9;
	v22 =	vsub.f32 v22, v7  }
0x88: {  	s25 =	simm.s32 $0x40C0;
	v23 =	vsub.f32 v23, v9;
	v24 =	vsub.f32 v24, v7;
	v10 =	vmul.f32 v10, v10  }
0x89: {  	v37 =	vld [tilespmem:s25+$0xFFFFFFC0];
	v25 =	vsub.f32 v25, v9;
	v16 =	vmul.f32 v16, v16;
	v14 =	vmul.f32 v14, v14  }
0x8a: {  	v26 =	vsub.f32 v26, v8;
	v12 =	vmul.f32 v12, v12;
	v18 =	vmul.f32 v18, v18  }
0x8b: {  	v28 =	vsub.f32 v28, v8;
	v20 =	vmul.f32 v20, v20;
	v21 =	vmul.f32 v21, v21  }
0x8c: {  	v27 =	vld [tilespmem:s5+$0x30];
	v33 =	vsub.f32 v33, v8;
	v11 =	vmul.f32 v11, v11;
	v15 =	vmul.f32 v15, v15  }
0x8d: {  	v18 =	vadd.f32 v20, v18;
	v20 =	vmul.f32 v22, v22;
	v10 =	vadd.f32 v21, v10;
	v21 =	vld [tilespmem:s0+$0x10]  }
0x8e: {  	v54 =	vsub.f32 v37, v7;
	v19 =	vmul.f32 v19, v19;
	v13 =	vmul.f32 v13, v13;
	v22 =	vld [tilespmem:s4+$0x20]  }
0x8f: {  	v23 =	vmul.f32 v23, v23;
	v14 =	vadd.f32 v15, v14;
	v16 =	vadd.f32 v20, v16  }
0x90: {  	v28 =	vmul.f32 v28, v28;
	v20 =	vld [tilespmem:s5+$0x10];
	v10 =	vadd.f32 v19, v10;
	v19 =	vmul.f32 v24, v24  }
0x91: {  	v24 =	vld [tilespmem:s4+$0x30];
	v11 =	vadd.f32 v11, v14;
	v15 =	vadd.f32 v13, v16;
	v16 =	vmul.f32 v26, v26  }
0x92: {  	v13 =	vmul.f32 v17, v17;
	v17 =	vsub.f32 v27, v7;
	v21 =	vsub.f32 v21, v8  }
0x93: {  	v34 =	vld [tilespmem:s9+$0xFFFFFFD0];
	v26 =	vshrl.u32 v10, $0x17;
	v22 =	vsub.f32 v22, v9;
	v16 =	vadd.f32 v19, v16  }
0x94: {  	v57 =	vld [tilespmem:s25+$0x20];
	v19 =	vadd.s32 v2, v26;
	v17 =	vmul.f32 v17, v17;
	v26 =	vand.u32 $0x7F, v26  }
0x95: {  	v27 =	vld [tilespmem:s0+$0xFFFFFFC0];
	v13 =	vadd.f32 v13, v18;
	v18 =	vmul.f32 v25, v25;
	v31 =	vshrl.u32 v15, $0x17  }
0x96: {  	s7 =	simm.s32 $0x80C0;
	s26 =	simm.s32 $0x10240;
	v20 =	vsub.f32 v20, v7;
	v19 =	vand.u32 $0x1F80, v19;
	v24 =	vsub.f32 v24, v9  }
0x97: {  	[tilespmem:s26+$0x0] =	vst v10;
	v10 =	vld [tilespmem:s7+$0xFFFFFFC0];
	v14 =	vmul.f32 v22, v22;
	v21 =	vmul.f32 v21, v21;
	v52 =	vadd.s32 v2, v31  }
0x98: {  	v19 =	vor.u32 v26, v19;
	v26 =	vshrl.u32 v11, $0x17;
	v17 =	vadd.f32 v17, v28  }
0x99: {  	[tilespmem:s26+$0xFFFFFFD0] =	vst v11;
	v36 =	vshrl.u32 v13, $0x17;
	v11 =	vsub.f32 v34, v8;
	v34 =	vsub.f32 v57, v7  }
0x9a: {  	v25 =	vld [tilespmem:s9+$0x0];
	v20 =	vmul.f32 v20, v20;
	v27 =	vsub.f32 v27, v8;
	v29 =	vadd.s32 v2, v26  }
0x9b: {  	v26 =	vand.u32 $0x7F, v26;
	v16 =	vadd.f32 v14, v16;
	v38 =	vadd.s32 v2, v36  }
0x9c: {  	v22 =	vld [tilespmem:s7+$0xFFFFFFE0];
	v36 =	vand.u32 $0x7F, v36;
	v10 =	vsub.f32 v10, v9;
	v29 =	vand.u32 $0x1F80, v29  }
0x9d: {  	v39 =	vld [tilespmem:s25+$0xFFFFFFF0];
	v56 =	vmul.f32 v11, v11;
	v11 =	vmul.f32 v54, v54;
	v20 =	vadd.f32 v20, v21  }
0x9e: {  	v14 =	vld [tilespmem:s25+$0xFFFFFFD0];
	v21 =	vmul.f32 v24, v24;
	v27 =	vmul.f32 v27, v27;
	v30 =	vshrl.u32 v16, $0x17  }
0x9f: {  	v26 =	vor.u32 v26, v29;
	v29 =	vld [tilespmem:s7+$0xFFFFFFF0];
	v25 =	vsub.f32 v25, v8;
	v10 =	vmul.f32 v10, v10  }
0xa0: {  	v24 =	vld [tilespmem:s7+$0xFFFFFFD0];
	[tilespmem:s26+$0x20] =	vst v16;
	v16 =	vmul.f32 v33, v33;
	v32 =	vand.u32 $0x7F, v30;
	v30 =	vadd.s32 v2, v30  }
0xa1: {  	v55 =	vld [tilespmem:s25+$0xFFFFFFE0];
	v22 =	vsub.f32 v22, v9;
	v18 =	vadd.f32 v18, v20;
	v30 =	vand.u32 $0x1F80, v30  }
0xa2: {  	s24 =	simm.s32 $0xE000;
	v20 =	vld [tilespmem:s9+$0xFFFFFFE0];
	v25 =	vmul.f32 v25, v25;
	v12 =	vadd.f32 v12, v27;
	v21 =	vadd.f32 v21, v17  }
0xa3: {  	[tilespmem:v19+s24+$0x0] =	vst.idx.add.s32.msk $0xffff, v3;
	v30 =	vor.u32 v32, v30;
	v62 =	vmul.f32 v22, v22;
	v35 =	vshrl.u32 v18, $0x17  }
0xa4: {  	v27 =	vld [tilespmem:s25+$0x0];
	v12 =	vadd.f32 v23, v12;
	v28 =	vadd.s32 v2, v35;
	v53 =	vsub.f32 v29, v9  }
0xa5: {  	[tilespmem:s26+$0x10] =	vst v18;
	v29 =	vsub.f32 v14, v7;
	v24 =	vsub.f32 v24, v9;
	v14 =	vand.u32 $0x1F80, v28;
	v28 =	vld [tilespmem:s7+$0x0]  }
0xa6: {  	v18 =	vshrl.u32 v21, $0x17;
	v19 =	vand.u32 $0x7F, v35;
	[tilespmem:v26+s24+$0x0] =	vst.idx.add.s32.msk $0xffff, v3;
	v26 =	vand.u32 $0x1F80, v38  }
0xa7: {  	v58 =	vld [tilespmem:s9+$0x20];
	v19 =	vor.u32 v19, v14;
	v14 =	vmul.f32 v24, v24;
	v24 =	vsub.f32 v39, v7  }
0xa8: {  	v17 =	vld [tilespmem:s7+$0x10];
	v63 =	vadd.s32 v2, v18;
	v23 =	vor.u32 v36, v26;
	v20 =	vsub.f32 v20, v8  }
0xa9: {  	v31 =	vand.u32 $0x7F, v31;
	[tilespmem:v30+s24+$0x0] =	vst.idx.add.s32.msk $0xffff, v3;
	v30 =	vsub.f32 v55, v7;
	v24 =	vmul.f32 v24, v24  }
0xaa: {  	v61 =	vld [tilespmem:s25+$0x30];
	[tilespmem:s26+$0xFFFFFFE0] =	vst v15;
	v27 =	vsub.f32 v27, v7;
	v29 =	vmul.f32 v29, v29;
	v26 =	vsub.f32 v28, v9  }
0xab: {  	v15 =	vld [tilespmem:s9+$0x30];
	[tilespmem:s26+$0xFFFFFFF0] =	vst v13;
	v20 =	vmul.f32 v20, v20;
	v16 =	vadd.f32 v24, v16;
	v24 =	vmul.f32 v30, v30  }
0xac: {  	v22 =	vld [tilespmem:s7+$0x20];
	[tilespmem:s26+$0x30] =	vst v21;
	v59 =	vshrl.u32 v12, $0x17;
	v60 =	vmul.f32 v26, v26;
	v26 =	vmul.f32 v27, v27  }
0xad: {  	v17 =	vsub.f32 v17, v9;
	v21 =	vmul.f32 v53, v53;
	v28 =	vand.u32 $0x1F80, v52;
	[tilespmem:v23+s24+$0x0] =	vst.idx.add.s32.msk $0xffff, v3  }
0xae: {  	v40 =	vadd.f32 v24, v20;
	v20 =	vor.u32 v31, v28;
	v24 =	vadd.f32 v26, v25;
	v26 =	vld [tilespmem:s9+$0x10]  }
0xaf: {  	v30 =	vand.u32 $0x7F, v59;
	[tilespmem:v19+s24+$0x0] =	vst.idx.add.s32.msk $0xffff, v3;
	v19 =	vadd.s32 v2, v59;
	v31 =	vsub.f32 v58, v8  }
0xb0: {  	s23 =	simm.s32 $0x10000;
	[tilespmem:s26+$0xFFFFFFC0] =	vst v12;
	v23 =	vld [tilespmem:s25+$0x10];
	v12 =	vand.u32 $0x1F80, v19;
	v28 =	vmul.f32 v34, v34;
	v27 =	vadd.f32 v60, v24  }
0xb1: {  	s28 =	simm.s32 $0x102C0;
	s29 =	simm.s32 $0x140;
	s30 =	simm.s32 $0x4140;
	v19 =	vor.u32 v30, v12;
	v30 =	vsub.f32 v61, v7;
	v25 =	vadd.f32 v29, v56;
	v24 =	vld [tilespmem:s7+$0x30]  }
0xb2: {  	s31 =	simm.s32 $0x8140;
	v13 =	vld [tilespmem:s9+$0xFFFFFFC0];
	s26 =	simm.s32 $0x102C0;
	s25 =	simm.s32 $0x8;
	v12 =	vadd.f32 v62, v40;
	v29 =	vand.u32 $0x1F80, v63;
	v31 =	vmul.f32 v31, v31;
	[tilespmem:s28+$0x0] =	vst v27  }
.LBB2_5:
0xb3: {  	s25 =	sadd.s32 $0x8, s25;
	v26 =	vsub.f32 v26, v8;
	v22 =	vsub.f32 v22, v9;
	s28 =	sadd.s32 $0x80, s28;
	[tilespmem:v20+s24+$0x0] =	vst.idx.add.s32.msk $0xffff, v3;
	v18 =	vand.u32 $0x7F, v18  }
0xb4: {  	v27 =	vshrl.u32 v27, $0x17;
	v20 =	vld [tilespmem:s29+$0x0];
	p0 =	slt.u32 s25, $0xF8;
	v28 =	vadd.f32 v28, v31;
	v18 =	vor.u32 v18, v29  }
0xb5: {  	v31 =	vadd.s32 v2, v27;
	v23 =	vsub.f32 v23, v7;
	v30 =	vmul.f32 v30, v30;
	v29 =	vld [tilespmem:s31+$0xFFFFFFD0]  }
0xb6: {  	v27 =	vand.u32 $0x7F, v27;
	v31 =	vand.u32 $0x1F80, v31;
	v24 =	vsub.f32 v24, v9;
	v32 =	vld [tilespmem:s30+$0xFFFFFFC0]  }
0xb7: {  	v14 =	vadd.f32 v14, v25;
	v22 =	vmul.f32 v22, v22;
	v25 =	vor.u32 v27, v31;
	v33 =	vld [tilespmem:s31+$0xFFFFFFE0]  }
0xb8: {  	v26 =	vmul.f32 v26, v26;
	v23 =	vmul.f32 v23, v23;
	[tilespmem:v19+s24+$0x0] =	vst.idx.add.s32.msk $0xffff, v3  }
0xb9: {  	v17 =	vmul.f32 v17, v17;
	v16 =	vadd.f32 v21, v16;
	v19 =	vshrl.u32 v14, $0x17;
	[tilespmem:v18+s24+$0x0] =	vst.idx.add.s32.msk $0xffff, v3  }
0xba: {  	v13 =	vsub.f32 v13, v8;
	v21 =	vmul.f32 v24, v24;
	v18 =	vld [tilespmem:s29+$0xFFFFFFD0];
	[tilespmem:s26+$0xFFFFFFD0] =	vst v14;
	v14 =	vadd.f32 v23, v26  }
0xbb: {  	v22 =	vadd.f32 v22, v28;
	v24 =	vadd.s32 v2, v19;
	v19 =	vand.u32 $0x7F, v19;
	v23 =	vld [tilespmem:s30+$0xFFFFFFD0];
	[tilespmem:s26+$0xFFFFFFF0] =	vst v16  }
0xbc: {  	v26 =	vmul.f32 v13, v13;
	v13 =	vand.u32 $0x1F80, v24;
	v27 =	vld [tilespmem:s31+$0x10];
	v14 =	vadd.f32 v17, v14  }
0xbd: {  	v13 =	vor.u32 v19, v13;
	v19 =	vshrl.u32 v22, $0x17;
	v24 =	vsub.f32 v33, v9;
	v17 =	vld [tilespmem:s29+$0xFFFFFFE0];
	[tilespmem:s26+$0x20] =	vst v22  }
0xbe: {  	v28 =	vshrl.u32 v12, $0x17;
	v15 =	vsub.f32 v15, v8;
	v31 =	vand.u32 $0x7F, v19;
	v22 =	vld [tilespmem:s31+$0xFFFFFFF0];
	[tilespmem:s26+$0x10] =	vst v14  }
0xbf: {  	v20 =	vsub.f32 v20, v8;
	v19 =	vadd.s32 v2, v19;
	v14 =	vshrl.u32 v14, $0x17;
	v33 =	vld [tilespmem:s29+$0xFFFFFFF0]  }
0xc0: {  	v15 =	vmul.f32 v15, v15;
	v16 =	vshrl.u32 v16, $0x17;
	v19 =	vand.u32 $0x1F80, v19;
	[tilespmem:v25+s24+$0x0] =	vst.idx.add.s32.msk $0xffff, v3  }
0xc1: {  	v20 =	vmul.f32 v20, v20;
	v34 =	vadd.s32 v2, v16;
	v35 =	vadd.s32 v2, v14;
	v25 =	vld [tilespmem:s31+$0xFFFFFFC0]  }
0xc2: {  	v36 =	vadd.s32 v2, v28;
	v15 =	vadd.f32 v30, v15;
	v14 =	vand.u32 $0x7F, v14;
	[tilespmem:v13+s24+$0x0] =	vst.idx.add.s32.msk $0xffff, v3  }
0xc3: {  	v19 =	vor.u32 v31, v19;
	v17 =	vsub.f32 v17, v8;
	v30 =	vsub.f32 v22, v9;
	v22 =	vld [tilespmem:s31+$0x0]  }
0xc4: {  	v16 =	vand.u32 $0x7F, v16;
	v23 =	vsub.f32 v23, v7;
	v31 =	vsub.f32 v33, v8;
	v33 =	vld [tilespmem:s30+$0xFFFFFFF0]  }
0xc5: {  	v34 =	vand.u32 $0x1F80, v34;
	v18 =	vsub.f32 v18, v8;
	v35 =	vand.u32 $0x1F80, v35  }
0xc6: {  	v28 =	vand.u32 $0x7F, v28;
	v32 =	vsub.f32 v32, v7;
	v17 =	vmul.f32 v17, v17;
	v13 =	vld [tilespmem:s29+$0xFFFFFFC0]  }
0xc7: {  	v29 =	vsub.f32 v29, v9;
	v37 =	vmul.f32 v18, v18;
	v35 =	vor.u32 v14, v35;
	v18 =	vld [tilespmem:s30+$0xFFFFFFE0]  }
0xc8: {  	v26 =	vadd.f32 v11, v26;
	v11 =	vmul.f32 v32, v32;
	v25 =	vsub.f32 v25, v9;
	v38 =	vld [tilespmem:s30+$0x0]  }
0xc9: {  	v15 =	vadd.f32 v21, v15;
	v14 =	vmul.f32 v29, v29;
	v29 =	vsub.f32 v33, v7;
	v32 =	vld [tilespmem:s30+$0x30]  }
0xca: {  	v26 =	vadd.f32 v10, v26;
	v10 =	vmul.f32 v25, v25;
	v25 =	vor.u32 v16, v34;
	v21 =	vld [tilespmem:s30+$0x20]  }
0xcb: {  	v16 =	vmul.f32 v31, v31;
	v22 =	vsub.f32 v22, v9;
	v31 =	vand.u32 $0x1F80, v36;
	[tilespmem:v19+s24+$0x0] =	vst.idx.add.s32.msk $0xffff, v3  }
0xcc: {  	v29 =	vmul.f32 v29, v29;
	v19 =	vsub.f32 v18, v7;
	v33 =	vld [tilespmem:s29+$0x20];
	[tilespmem:s26+$0xFFFFFFC0] =	vst v26;
	v26 =	vshrl.u32 v26, $0x17  }
0xcd: {  	v36 =	vmul.f32 v22, v22;
	v18 =	vshrl.u32 v15, $0x17;
	v34 =	vsub.f32 v38, v7;
	[tilespmem:v35+s24+$0x0] =	vst.idx.add.s32.msk $0xffff, v3  }
0xce: {  	v35 =	vmul.f32 v23, v23;
	v16 =	vadd.f32 v29, v16;
	v29 =	vadd.s32 v2, v26;
	[tilespmem:s26+$0x30] =	vst v15  }
0xcf: {  	v15 =	vmul.f32 v19, v19;
	v19 =	vmul.f32 v34, v34;
	v34 =	vand.u32 $0x7F, v26;
	[tilespmem:v25+s24+$0x0] =	vst.idx.add.s32.msk $0xffff, v3  }
0xd0: {  	v38 =	vmul.f32 v24, v24;
	v39 =	vadd.s32 v2, v18;
	v21 =	vsub.f32 v21, v7;
	v22 =	vld [tilespmem:s31+$0x20]  }
.Ltmp5:
0xd1: {  	v15 =	vadd.f32 v15, v17;
	v19 =	vadd.f32 v19, v20;
	v26 =	vld [tilespmem:s29+$0x10];
	v20 =	vor.u32 v28, v31;
	(pc) =	sbr.rel @p0 .LBB2_5-.Ltmp5, $4  }
0xd2: {  	v25 =	vand.u32 $0x1F80, v29;
	v17 =	vsub.f32 v27, v9;
	v31 =	vsub.f32 v33, v8;
	v23 =	vld [tilespmem:s30+$0x10]  }
0xd3: {  	v28 =	vmul.f32 v21, v21;
	v27 =	vadd.f32 v36, v19;
	v24 =	vld [tilespmem:s31+$0x30];
	v19 =	vor.u32 v34, v25  }
0xd4: {  	v29 =	vand.u32 $0x1F80, v39;
	v25 =	vadd.f32 v35, v37;
	[tilespmem:s26+$0xFFFFFFE0] =	vst v12;
	v12 =	vadd.f32 v38, v15;
	s26 =	smov.u32 s28  }
0xd5: {  	v21 =	vmul.f32 v30, v30;
	v30 =	vsub.f32 v32, v7;
	s30 =	sadd.s32 $0x80, s30;
	v31 =	vmul.f32 v31, v31;
	s31 =	sadd.s32 $0x80, s31;
	[tilespmem:s28+$0x0] =	vst v27;
	v15 =	vld [tilespmem:s29+$0x30];
	s29 =	sadd.s32 $0x80, s29  }
0xd6: {  	v26 =	vsub.f32 v26, v8;
	v22 =	vsub.f32 v22, v9  }
0xd7: {  	v18 =	vand.u32 $0x7F, v18;
	v27 =	vshrl.u32 v27, $0x17;
	v14 =	vadd.f32 v14, v25  }
0xd8: {  	v17 =	vmul.f32 v17, v17;
	v13 =	vsub.f32 v13, v8;
	v45 =	vshrl.u32 v12, $0x17  }
0xd9: {  	v28 =	vadd.f32 v28, v31;
	v18 =	vor.u32 v18, v29;
	v36 =	vadd.s32 v2, v27  }
0xda: {  	v23 =	vsub.f32 v23, v7;
	v30 =	vmul.f32 v30, v30;
	v27 =	vand.u32 $0x7F, v27  }
0xdb: {  	v16 =	vadd.f32 v21, v16;
	v52 =	vadd.s32 v2, v45;
	v56 =	vand.u32 $0x7F, v45  }
0xdc: {  	v29 =	vand.u32 $0x1F80, v36;
	v24 =	vsub.f32 v24, v9;
	v22 =	vmul.f32 v22, v22  }
0xdd: {  	v26 =	vmul.f32 v26, v26;
	v38 =	vshrl.u32 v14, $0x17;
	v13 =	vmul.f32 v13, v13  }
0xde: {  	v37 =	vor.u32 v27, v29;
	v23 =	vmul.f32 v23, v23;
	v41 =	vadd.s32 v2, v38  }
0xdf: {  	v42 =	vand.u32 $0x7F, v38;
	v48 =	vshrl.u32 v16, $0x17;
	[tilespmem:s26+$0xFFFFFFF0] =	vst v16;
	v16 =	vand.u32 $0x1F80, v52  }
0xe0: {  	[tilespmem:v20+s24+$0x0] =	vst.idx.add.s32.msk $0xffff, v3;
	v40 =	vmul.f32 v24, v24;
	v22 =	vadd.f32 v22, v28;
	v24 =	vand.u32 $0x1F80, v41  }
0xe1: {  	v15 =	vsub.f32 v15, v8;
	v50 =	vadd.s32 v2, v48;
	v11 =	vadd.f32 v11, v13  }
0xe2: {  	[tilespmem:v19+s24+$0x0] =	vst.idx.add.s32.msk $0xffff, v3;
	v55 =	vand.u32 $0x7F, v48;
	v39 =	vadd.f32 v23, v26;
	v43 =	vor.u32 v42, v24  }
0xe3: {  	[tilespmem:s26+$0xFFFFFFE0] =	vst v12;
	v44 =	vshrl.u32 v22, $0x17;
	v49 =	vmul.f32 v15, v15;
	v10 =	vadd.f32 v10, v11  }
0xe4: {  	[tilespmem:s26+$0xFFFFFFD0] =	vst v14;
	v11 =	vand.u32 $0x1F80, v50;
	v15 =	vor.u32 v56, v16;
	v17 =	vadd.f32 v17, v39  }
0xe5: {  	[tilespmem:v18+s24+$0x0] =	vst.idx.add.s32.msk $0xffff, v3;
	v46 =	vand.u32 $0x7F, v44;
	v21 =	vadd.s32 v2, v44;
	v14 =	vadd.f32 v30, v49  }
0xe6: {  	s25 =	simm.s32 $0xE000;
	[tilespmem:s26+$0x20] =	vst v22;
	v11 =	vor.u32 v55, v11;
	v21 =	vand.u32 $0x1F80, v21;
	v57 =	vshrl.u32 v10, $0x17  }
0xe7: {  	[tilespmem:v37+s25+$0x0] =	vst.idx.add.s32.msk $0xffff, v3;
	v47 =	vshrl.u32 v17, $0x17;
	v19 =	vor.u32 v46, v21;
	v14 =	vadd.f32 v40, v14  }
0xe8: {  	[tilespmem:s26+$0x10] =	vst v17;
	v59 =	vadd.s32 v2, v57;
	v17 =	vand.u32 $0x7F, v57;
	v51 =	vadd.s32 v2, v47  }
0xe9: {  	[tilespmem:s26+$0xFFFFFFC0] =	vst v10;
	v53 =	vand.u32 $0x7F, v47;
	v60 =	vand.u32 $0x1F80, v59;
	v58 =	vshrl.u32 v14, $0x17  }
0xea: {  	[tilespmem:v43+s25+$0x0] =	vst.idx.add.s32.msk $0xffff, v3;
	v54 =	vand.u32 $0x1F80, v51;
	v61 =	vor.u32 v17, v60;
	v10 =	vadd.s32 v2, v58  }
0xeb: {  	[tilespmem:v15+s25+$0x0] =	vst.idx.add.s32.msk $0xffff, v3;
	v13 =	vor.u32 v53, v54;
	v62 =	vand.u32 $0x7F, v58;
	v10 =	vand.u32 $0x1F80, v10  }
0xec: {  	p3 =	por $0x1, $0x1;
	[tilespmem:s26+$0x30] =	vst v14;
	v63 =	vor.u32 v62, v10  }
.Ltmp6:
0xed: {  	[tilespmem:v11+s25+$0x0] =	vst.idx.add.s32.msk $0xffff, v3;
	(pc) =	sbr.rel @!p3 .LBB2_7-.Ltmp6, $4  }
0xee: {  	[tilespmem:v19+s25+$0x0] =	vst.idx.add.s32.msk $0xffff, v3  }
0xef: {  	[tilespmem:v61+s25+$0x0] =	vst.idx.add.s32.msk $0xffff, v3  }
0xf0: {  	s4 =	simm.s32 $0x10;
	p0 =	por $0x0, $0x0;
	[tilespmem:v13+s25+$0x0] =	vst.idx.add.s32.msk $0xffff, v3  }
0xf1: {  	p1 =	por $0x0, $0x0;
	p2 =	por $0x0, $0x0;
	s24 =	simm.s32 $0x0;
	v10 =	vimm.s32 $0x0;
	[tilespmem:v63+s25+$0x0] =	vst.idx.add.s32.msk $0xffff, v3  }
0xf2: {  	p3 =	por $0x1, $0x1  }
.Ltmp7:
0xf3: {  	_ = 	snop;
	(pc) =	sbr.rel @!p3 .LBB2_9-.Ltmp7, $2  }
0xf4: {  	_ =	sdelay $0x2  }
0xf5: {  	s26 =	simm.s32 $0x20;
	p0 =	por $0x1, $0x1  }
0xf6: {  	s0 =	sand.u32 $0xF0, s24;
	v12 =	vld [tilespmem:s25+$0x0]  }
0xf7: {  	v11 =	vld [tilespmem:s0+$0xE100]  }
0xf8: {  	v13 =	vld [tilespmem:s0+$0xE200]  }
0xf9: {  	v14 =	vld [tilespmem:s0+$0xE300]  }
0xfa: {  	v15 =	vld [tilespmem:s0+$0xE400]  }
0xfb: {  	v16 =	vld [tilespmem:s0+$0xE500]  }
0xfc: {  	v11 =	vadd.s32 v12, v11;
	v12 =	vld [tilespmem:s0+$0xE600]  }
0xfd: {  	v11 =	vadd.s32 v13, v11;
	v13 =	vld [tilespmem:s0+$0xE700]  }
0xfe: {  	v11 =	vadd.s32 v14, v11;
	v14 =	vld [tilespmem:s0+$0xE800]  }
0xff: {  	v11 =	vadd.s32 v15, v11;
	v15 =	vld [tilespmem:s0+$0xE900]  }
0x100: {  	v62 =	vld [tilespmem:s0+$0xEA00];
	v11 =	vadd.s32 v16, v11  }
0x101: {  	v11 =	vadd.s32 v12, v11;
	v12 =	vld [tilespmem:s0+$0xEB00]  }
0x102: {  	v11 =	vadd.s32 v13, v11;
	v13 =	vld [tilespmem:s0+$0xEC00]  }
0x103: {  	v11 =	vadd.s32 v14, v11;
	v14 =	vld [tilespmem:s0+$0xED00]  }
0x104: {  	v11 =	vadd.s32 v15, v11;
	v15 =	vld [tilespmem:s0+$0xEE00]  }
0x105: {  	p3 =	por $0x1, $0x1;
	v63 =	vld [tilespmem:s0+$0xEF00];
	v11 =	vadd.s32 v62, v11  }
.Ltmp8:
0x106: {  	v11 =	vadd.s32 v12, v11;
	(pc) =	sbr.rel @!p3 .LBB2_11-.Ltmp8, $4  }
0x107: {  	v11 =	vadd.s32 v13, v11  }
0x108: {  	v11 =	vadd.s32 v14, v11  }
0x109: {  	v11 =	vadd.s32 v15, v11  }
0x10a: {  	p1 =	por $0x1, $0x1;
	s0 =	simm.s32 $0x30;
	v12 =	vadd.s32 v63, v11  }
0x10b: {  	[tilespmem:s23+$0x0] =	vst v12;
	s4 =	sand.u32 $0xF0, s4  }
0x10c: {  	s29 =	simm.s32 $0xE010;
	v11 =	vld [tilespmem:s4+$0xE100]  }
0x10d: {  	v13 =	vld [tilespmem:s29+$0x0]  }
0x10e: {  	(xrf0) =	vadd.scan.msk.s32 $0xffff, v12;
	v14 =	vld [tilespmem:s4+$0xE200]  }
0x10f: {  	v15 =	vld [tilespmem:s4+$0xE300]  }
0x110: {  	v16 =	vld [tilespmem:s4+$0xE400]  }
0x111: {  	v17 =	vld [tilespmem:s4+$0xE500]  }
0x112: {  	v11 =	vadd.s32 v13, v11;
	v13 =	vld [tilespmem:s4+$0xE600]  }
0x113: {  	v11 =	vadd.s32 v14, v11;
	v14 =	vld [tilespmem:s4+$0xE700]  }
0x114: {  	v18, _, _ =	vpop (xrf0);
	v11 =	vadd.s32 v15, v11;
	v15 =	vld [tilespmem:s4+$0xE800]  }
0x115: {  	v60 =	vld [tilespmem:s4+$0xE900];
	v18 =	vadd.s32 s24, v18;
	v11 =	vadd.s32 v16, v11  }
0x116: {  	v61 =	vld [tilespmem:s4+$0xEA00];
	v19 =	vxor.u32 $0x80000000, v18;
	v11 =	vadd.s32 v17, v11  }
0x117: {  	(xrf0) =	vmax.scan.msk.u32 $0xffff, v19;
	v11 =	vadd.s32 v13, v11;
	v13 =	vld [tilespmem:s4+$0xEB00]  }
0x118: {  	v11 =	vadd.s32 v14, v11;
	v14 =	vld [tilespmem:s4+$0xEC00]  }
0x119: {  	v11 =	vadd.s32 v15, v11  }
0x11a: {  	v11 =	vadd.s32 v60, v11  }
0x11b: {  	v11 =	vadd.s32 v61, v11  }
0x11c: {  	v11 =	vadd.s32 v13, v11  }
0x11d: {  	v11 =	vadd.s32 v14, v11;
	v14, _, _ =	vpop (xrf0)  }
0x11e: {  	(v2sf) =	vpush v14, $0xF;
	_ =	sdelay $0x1  }
0x11f: {  	v15 =	vld [tilespmem:s4+$0xED00]  }
0x120: {  	v62 =	vld [tilespmem:s4+$0xEE00]  }
0x121: {  	p3 =	por $0x1, $0x1;
	v63 =	vld [tilespmem:s4+$0xEF00]  }
.Ltmp9:
0x122: {  	_ = 	snop;
	(pc) =	sbr.rel @!p3 .LBB2_13-.Ltmp9, $4  }
0x123: {  	vm0 =	vlt.s32 v18, $0x33  }
0x124: {  	v13 =	vmpcnt.ones.xlane vm0;
	v11 =	vadd.s32 v15, v11  }
0x125: {  	v15 =	vadd.s32 v62, v11  }
0x126: {  	s28 =	simm.s32 $0x10010;
	p2 =	por $0x1, $0x1;
	s4 =	simm.s32 $0x40;
	v11 =	vadd.s32 v10, v13;
	v13 =	vadd.s32 v63, v15  }
.LBB2_14:
0x127: {  	p3 =	sne.s32 s4, $0xF0;
	[tilespmem:s28+$0x0] =	vst v13;
	(xrf0) =	vadd.scan.msk.s32 $0xffff, v13;
	_ =	sdelay $0x3  }
0x128: {  	s5 =	sand.u32 $0xF0, s26;
	s26 =	smov.u32 s0;
	s0 =	smov.u32 s4  }
0x129: {  	s29 =	sadd.s32 $0x10, s29;
	v13 =	vld [tilespmem:s5+$0xE100];
	s30 =	spop (v2sf)  }
0x12a: {  	v14 =	vld [tilespmem:s29+$0x0];
	v15, _, _ =	vpop (xrf0);
	s30 =	sxor.u32 $0x80000000, s30  }
0x12b: {  	v16 =	vld [tilespmem:s5+$0xE200];
	v15 =	vadd.s32 s30, v15  }
0x12c: {  	v17 =	vld [tilespmem:s5+$0xE300];
	vm0 =	vlt.s32 v15, $0x33;
	v15 =	vxor.u32 $0x80000000, v15  }
0x12d: {  	v18 =	vld [tilespmem:s5+$0xE400];
	v19 =	vmpcnt.ones.xlane vm0;
	(xrf0) =	vmax.scan.msk.u32 $0xffff, v15  }
0x12e: {  	v15 =	vld [tilespmem:s5+$0xE500]  }
0x12f: {  	v13 =	vadd.s32 v14, v13;
	v14 =	vld [tilespmem:s5+$0xE600];
	v11 =	vadd.s32 v11, v19  }
0x130: {  	v13 =	vadd.s32 v16, v13;
	v16 =	vld [tilespmem:s5+$0xE700]  }
0x131: {  	v13 =	vadd.s32 v17, v13;
	v17 =	vld [tilespmem:s5+$0xE800]  }
0x132: {  	v13 =	vadd.s32 v18, v13;
	v18 =	vld [tilespmem:s5+$0xE900]  }
0x133: {  	v13 =	vadd.s32 v15, v13;
	v15 =	vld [tilespmem:s5+$0xEA00];
	v19, _, _ =	vpop (xrf0)  }
0x134: {  	v13 =	vadd.s32 v14, v13;
	v14 =	vld [tilespmem:s5+$0xEB00];
	(v2sf) =	vpush v19, $0xF  }
0x135: {  	v13 =	vadd.s32 v16, v13;
	v16 =	vld [tilespmem:s5+$0xEC00]  }
0x136: {  	v13 =	vadd.s32 v17, v13;
	v17 =	vld [tilespmem:s5+$0xED00]  }
0x137: {  	v13 =	vadd.s32 v18, v13;
	v18 =	vld [tilespmem:s5+$0xEE00]  }
0x138: {  	v13 =	vadd.s32 v15, v13;
	v15 =	vld [tilespmem:s5+$0xEF00]  }
.Ltmp10:
0x139: {  	v13 =	vadd.s32 v14, v13;
	(pc) =	sbr.rel @p3 .LBB2_14-.Ltmp10, $4  }
0x13a: {  	v13 =	vadd.s32 v16, v13  }
0x13b: {  	v13 =	vadd.s32 v17, v13  }
0x13c: {  	v13 =	vadd.s32 v18, v13  }
0x13d: {  	s4 =	sadd.s32 $0x10, s4;
	s28 =	sadd.s32 $0x10, s28;
	v13 =	vadd.s32 v15, v13  }
0x13e: {  	s4 =	smov.u32 s26;
	s26 =	smov.u32 s0  }
.LBB2_16:
0x13f: {  	(xrf0) =	vadd.scan.msk.s32 @p1 $0xffff, v13;
	_ =	sdelay $0x2  }
0x140: {  	s0 =	sand.u32 @p0 $0xF0, s4  }
0x141: {  	[tilespmem:s28+$0x0] =	vst @p1 v13;
	s4 =	sadd.s32 @p1 $0x10, s29;
	s29 =	simm.s32 $0xE000;
	s5 =	spop @p2 (v2sf)  }
0x142: {  	v13 =	vld @p0 [tilespmem:s0+$0xE100];
	s29 =	smov.u32 @p1 s4;
	s4 =	sxor.u32 @p2 $0x80000000, s5;
	s5 =	simm.s32 $0x0  }
0x143: {  	v14 =	vld @p0 [tilespmem:s29+$0x0];
	v15, _, _ =	vpop @p1 (xrf0);
	s5 =	smov.u32 @p2 s4  }
0x144: {  	v16 =	vld @p0 [tilespmem:s0+$0xE200];
	v15 =	vadd.s32 @p1 s5, v15  }
0x145: {  	v17 =	vld @p0 [tilespmem:s0+$0xE300];
	v18 =	vxor.u32 @p1 $0x80000000, v15  }
0x146: {  	v19 =	vld @p0 [tilespmem:s0+$0xE400];
	(xrf0) =	vmax.scan.msk.u32 @p1 $0xffff, v18  }
0x147: {  	v18 =	vld @p0 [tilespmem:s0+$0xE500]  }
0x148: {  	v13 =	vadd.s32 @p0 v14, v13;
	v14 =	vld @p0 [tilespmem:s0+$0xE600]  }
0x149: {  	v13 =	vadd.s32 @p0 v16, v13;
	v16 =	vld @p0 [tilespmem:s0+$0xE700]  }
0x14a: {  	v13 =	vadd.s32 @p0 v17, v13;
	v17 =	vld @p0 [tilespmem:s0+$0xE800]  }
0x14b: {  	v13 =	vadd.s32 @p0 v19, v13;
	v19 =	vld @p0 [tilespmem:s0+$0xE900]  }
0x14c: {  	v13 =	vadd.s32 @p0 v18, v13;
	v18 =	vld @p0 [tilespmem:s0+$0xEA00];
	v20, _, _ =	vpop @p1 (xrf0)  }
0x14d: {  	v13 =	vadd.s32 @p0 v14, v13;
	v14 =	vld @p0 [tilespmem:s0+$0xEB00];
	(v2sf) =	vpush @p1 v20, $0xF  }
0x14e: {  	v13 =	vadd.s32 @p0 v16, v13;
	v16 =	vld @p0 [tilespmem:s0+$0xEC00]  }
0x14f: {  	v13 =	vadd.s32 @p0 v17, v13;
	v17 =	vld @p0 [tilespmem:s0+$0xED00]  }
0x150: {  	v13 =	vadd.s32 @p0 v19, v13;
	v19 =	vld @p0 [tilespmem:s0+$0xEE00]  }
0x151: {  	v13 =	vadd.s32 @p0 v18, v13;
	v18 =	vld @p0 [tilespmem:s0+$0xEF00]  }
0x152: {  	v13 =	vadd.s32 @p0 v14, v13  }
0x153: {  	v13 =	vadd.s32 @p0 v16, v13  }
0x154: {  	v13 =	vadd.s32 @p0 v17, v13  }
0x155: {  	v13 =	vadd.s32 @p0 v19, v13  }
0x156: {  	v13 =	vadd.s32 @p0 v18, v13  }
0x157: {  	v12 =	vpsel p0, v13, v12  }
0x158: {  	(xrf0) =	vadd.scan.msk.s32 @p0 $0xffff, v12;
	_ =	sdelay $0x2  }
0x159: {  	s4 =	simm.s32 $0x10000;
	s0 =	sadd.s32 @p1 $0x10, s28  }
0x15a: {  	s30 =	sand.u32 $0xF0, s26;
	s4 =	smov.u32 @p1 s0;
	s5 =	spop @p1 (v2sf)  }
0x15b: {  	s26 =	sadd.s32 @p0 $0x10, s29;
	s28 =	simm.s32 $0x0;
	[tilespmem:s4+$0x0] =	vst @p0 v12;
	s5 =	sxor.u32 @p1 $0x80000000, s5  }
0x15c: {  	s25 =	smov.u32 @p0 s26;
	v12 =	vld [tilespmem:s30+$0xE100];
	v13, _, _ =	vpop @p0 (xrf0);
	s28 =	smov.u32 @p1 s5  }
0x15d: {  	v46 =	vld [tilespmem:s25+$0x0];
	v13 =	vadd.s32 @p0 s28, v13  }
0x15e: {  	v47 =	vld [tilespmem:s30+$0xE200];
	v17 =	vxor.u32 @p0 $0x80000000, v13  }
0x15f: {  	v48 =	vld [tilespmem:s30+$0xE300];
	(xrf0) =	vmax.scan.msk.u32 @p0 $0xffff, v17  }
0x160: {  	v49 =	vld [tilespmem:s30+$0xE400]  }
0x161: {  	v50 =	vld [tilespmem:s30+$0xE500]  }
0x162: {  	v51 =	vld [tilespmem:s30+$0xE600];
	v12 =	vadd.s32 v46, v12  }
0x163: {  	v52 =	vld [tilespmem:s30+$0xE700];
	v12 =	vadd.s32 v47, v12  }
0x164: {  	v53 =	vld [tilespmem:s30+$0xE800];
	v12 =	vadd.s32 v48, v12  }
0x165: {  	v54 =	vld [tilespmem:s30+$0xE900];
	v12 =	vadd.s32 v49, v12;
	v20, _, _ =	vpop @p0 (xrf0)  }
0x166: {  	v55 =	vld [tilespmem:s30+$0xEA00];
	v12 =	vadd.s32 v50, v12;
	(v2sf) =	vpush @p0 v20, $0xF  }
0x167: {  	v56 =	vld [tilespmem:s30+$0xEB00];
	v12 =	vadd.s32 v51, v12  }
0x168: {  	v57 =	vld [tilespmem:s30+$0xEC00];
	v12 =	vadd.s32 v52, v12  }
0x169: {  	v58 =	vld [tilespmem:s30+$0xED00];
	v12 =	vadd.s32 v53, v12  }
0x16a: {  	v59 =	vld [tilespmem:s30+$0xEE00];
	v12 =	vadd.s32 v54, v12  }
0x16b: {  	v60 =	vld [tilespmem:s30+$0xEF00];
	v12 =	vadd.s32 v55, v12  }
0x16c: {  	v12 =	vadd.s32 v56, v12  }
0x16d: {  	v12 =	vadd.s32 v57, v12  }
0x16e: {  	v12 =	vadd.s32 v58, v12  }
0x16f: {  	v12 =	vadd.s32 v59, v12  }
0x170: {  	v12 =	vadd.s32 v60, v12  }
0x171: {  	(xrf0) =	vadd.scan.msk.s32 $0xffff, v12;
	_ =	sdelay $0x3  }
0x172: {  	s0 =	spop @p0 (v2sf)  }
0x173: {  	s0 =	sxor.u32 @p0 $0x80000000, s0  }
0x174: {  	v61, _, _ =	vpop (xrf0);
	s24 =	smov.u32 @p0 s0  }
0x175: {  	v14 =	vadd.s32 s24, v61  }
0x176: {  	v62 =	vxor.u32 $0x80000000, v14  }
0x177: {  	(xrf0) =	vmax.scan.msk.u32 $0xffff, v62;
	_ =	sdelay $0x5  }
0x178: {  	v16, _, _ =	vpop (xrf0)  }
0x179: {  	(v2sf) =	vpush v16, $0xF;
	_ =	sdelay $0x5  }
0x17a: {  	s0 =	sadd.s32 @p0 $0x10, s4  }
0x17b: {  	s23 =	smov.u32 @p0 s0  }
0x17c: {  	vm0 =	vlt.s32 @p1 v15, $0x33;
	s0 =	simm.s32 $0xE040;
	[tilespmem:s23+$0x0] =	vst v12  }
0x17d: {  	v12 =	vmpcnt.ones.xlane @p1 vm0;
	[tilespmem:s0+$0xFFFFFFC0] =	vst v1  }
0x17e: {  	vm0 =	vlt.s32 @p0 v13, $0x33;
	[tilespmem:s0+$0x30] =	vst v1  }
0x17f: {  	[tilespmem:s0+$0x20] =	vst v1;
	v11 =	vadd.s32 @p1 v11, v12;
	v12 =	vmpcnt.ones.xlane @p0 vm0  }
0x180: {  	vm15 =	vlt.s32 v14, $0x33;
	[tilespmem:s0+$0x10] =	vst v1;
	v11 =	vpsel p1, v11, v10  }
0x181: {  	v63 =	vmpcnt.ones.xlane vm15;
	[tilespmem:s0+$0x0] =	vst v1;
	v11 =	vadd.s32 @p0 v11, v12  }
0x182: {  	[tilespmem:s0+$0xFFFFFFF0] =	vst v1;
	v10 =	vpsel p0, v11, v10  }
0x183: {  	s4 =	simm.s32 $0x0;
	[tilespmem:s0+$0xFFFFFFE0] =	vst v1;
	v10 =	vadd.s32 v10, v63;
	s31 =	spop (v2sf)  }
.LBB2_17:
0x184: {  	s4 =	sadd.s32 $0x8, s4;
	[tilespmem:s0+$0xFFFFFFD0] =	vst v1;
	s0 =	sadd.s32 $0x80, s0  }
0x185: {  	[tilespmem:s0+$0xFFFFFFC0] =	vst v1;
	p0 =	slt.u32 s4, $0xF8  }
0x186: {  	[tilespmem:s0+$0x30] =	vst v1  }
.Ltmp11:
0x187: {  	[tilespmem:s0+$0x20] =	vst v1;
	(pc) =	sbr.rel @p0 .LBB2_17-.Ltmp11, $4  }
0x188: {  	[tilespmem:s0+$0x10] =	vst v1  }
0x189: {  	[tilespmem:s0+$0x0] =	vst v1  }
0x18a: {  	[tilespmem:s0+$0xFFFFFFF0] =	vst v1  }
0x18b: {  	[tilespmem:s0+$0xFFFFFFE0] =	vst v1  }
0x18c: {  	v10 =	vxor.u32 $0x80000000, v10  }
0x18d: {  	(xrf0) =	vmax.scan.msk.u32 $0xffff, v10;
	_ =	sdelay $0x5  }
0x18e: {  	v10, _, _ =	vpop (xrf0)  }
0x18f: {  	(v2sf) =	vpush v10, $0xF;
	_ =	sdelay $0xe  }
0x190: {  	[tilespmem:s0+$0xFFFFFFD0] =	vst v1;
	s4 =	simm.s32 $0x10220;
	s24 =	spop (v2sf)  }
0x191: {  	v14 =	vld [tilespmem:s4+$0x10];
	s0 =	sadd.s32 $0x80000001, s24  }
0x192: {  	v20 =	vld [tilespmem:s4+$0x0];
	p0 =	slt.s32 s0, $0xFF  }
0x193: {  	s0 =	simm.s32 @!p0 $0xFF  }
0x194: {  	s5 =	simm.s32 $0x30;
	v16 =	vld [tilespmem:s4+$0xFFFFFFE0];
	s24 =	simm.s32 $0x10260;
	s0 =	sshll.u32 s0, $0x17  }
0x195: {  	s25 =	simm.s32 $0x20;
	v11 =	vor.u32 s5, v0;
	v23 =	vld [tilespmem:s24+$0x0];
	v10 =	vmov s0  }
0x196: {  	v13 =	vor.u32 s25, v0;
	v12 =	vld [tilespmem:s4+$0xFFFFFFF0];
	vm1 =	vne.s32 v11, v6;
	vm0 =	vlt.s32 v14, v10  }
0x197: {  	vm2 =	vne.s32 v13, v6;
	vm1 =	vmand vm1, vm0;
	vm0 =	vlt.s32 v20, v10  }
0x198: {  	s26 =	simm.s32 $0x0;
	v27 =	vimm.s32 $0x0;
	v15 =	vsel vm1, $0x1, v1;
	vm2 =	vmand vm2, vm0  }
0x199: {  	s28 =	simm.s32 $0x10;
	v22 =	vor.u32 s26, v0;
	vm3 =	vlt.s32 v16, v10;
	(xrf0) =	vadd.scan.msk.s32 $0xffff, v15;
	v15 =	vsel vm2, $0x1, v1  }
0x19a: {  	v18 =	vld [tilespmem:s24+$0x10];
	vm8 =	vlt.s32 v23, v10;
	vm0 =	vne.s32 v22, v6;
	(xrf0) =	vadd.scan.msk.s32 $0xffff, v15;
	v15 =	vor.u32 s28, v0  }
0x19b: {  	vm3 =	vmand vm0, vm3;
	vm0 =	vlt.s32 v12, v10;
	vm4 =	vne.s32 v15, v6  }
0x19c: {  	vm1 =	vmmov vm1;
	v17 =	vmpcnt.ones.xlane vm3;
	vm0 =	vmand vm4, vm0  }
0x19d: {  	v21 =	vmpcnt.ones.xlane vm2;
	vm3 =	vmmov vm3;
	v19 =	vsel vm0, $0x1, v1  }
0x19e: {  	v25 =	vsel vm3, $0x1, v1;
	v29 =	vadd.s32 v27, v17;
	v17 =	vld [tilespmem:s24+$0xFFFFFFE0];
	v24 =	vmpcnt.ones.xlane vm0;
	(xrf0) =	vadd.scan.msk.s32 $0xffff, v19  }
0x19f: {  	s29 =	simm.s32 $0x70;
	s25 =	simm.s32 $0x40;
	vm2 =	vmmov vm2;
	v30 =	vmpcnt.ones.xlane vm1;
	vm4 =	vlt.s32 v18, v10;
	v28, _, _ =	vpop (xrf0);
	(xrf0) =	vadd.scan.msk.s32 $0xffff, v25  }
0x1a0: {  	v19 =	vor.u32 s25, v0;
	v26 =	vadd.s32 v29, v24;
	v25 =	vor.u32 s29, v0;
	v31, _, _ =	vpop (xrf0)  }
0x1a1: {  	v21 =	vadd.s32 v26, v21;
	vm6 =	vne.s32 v25, v6;
	v31 =	vadd.s32 v31, v26  }
0x1a2: {  	vm5 =	vne.s32 v19, v6;
	v24 =	vld [tilespmem:s24+$0xFFFFFFF0];
	vm4 =	vmand vm6, vm4;
	v28 =	vadd.s32 v28, v21  }
0x1a3: {  	v30 =	vadd.s32 v21, v30;
	vm6 =	vlt.s32 v17, v10;
	v26 =	vadd.s32 $0xFFFFFFFF, v31  }
0x1a4: {  	s30 =	simm.s32 $0x60;
	v33 =	vsel vm4, $0x1, v1;
	v21 =	vadd.s32 $0xFFFFFFFF, v28;
	vm5 =	vmand vm5, vm6;
	v31, _, _ =	vpop (xrf0)  }
0x1a5: {  	s31 =	simm.s32 $0x50;
	v28 =	vor.u32 s30, v0;
	v32 =	vmpcnt.ones.xlane vm5;
	(xrf0) =	vadd.scan.msk.s32 $0xffff, v33;
	v31 =	vadd.s32 v31, v29;
	v29, _, _ =	vpop (xrf0)  }
0x1a6: {  	vm7 =	vne.s32 v28, v6;
	v29 =	vadd.s32 v29, v27;
	v27 =	vor.u32 s31, v0  }
0x1a7: {  	s0 =	simm.s32 $0x4;
	vm6 =	vlt.s32 v24, v10;
	vm9 =	vne.s32 v27, v6;
	v29 =	vadd.s32 $0xFFFFFFFF, v29  }
.LBB2_19:
0x1a8: {  	v32 =	vadd.s32 v30, v32;
	vm12 =	vmand vm7, vm8;
	vm7 =	vlt.s32 v29, $0x1000;
	v33 =	vmovc v23;
	v34 =	vmovc v12  }
0x1a9: {  	s0 =	sadd.s32 $0x4, s0;
	s23 =	simm.s32 $0x1000;
	v12 =	vmovc v24;
	v35 =	vmovc v11;
	v11 =	vmov v25;
	v36 =	vmov v26;
	v37 =	vmov v30  }
0x1aa: {  	v38 =	vmovc v13;
	v13 =	vmovc v28;
	p0 =	slt.u32 s0, $0xFC;
	v23 =	vsel vm12, $0x1, v1;
	v26 =	vmpcnt.ones.xlane vm12;
	vm11 =	vmand vm3, vm7  }
0x1ab: {  	v39 =	vadd.s32 $0xFFFFFFFF, v31;
	vm3 =	vlt.s32 v36, $0x1000;
	vm7 =	vlt.s32 v21, $0x1000;
	(xrf0) =	vadd.scan.msk.s32 $0xffff, v23;
	v28, _, _ =	vpop (xrf0)  }
0x1ac: {  	v40 =	vmovc v15;
	v15 =	vmovc v27;
	vm13 =	vlt.s32 v39, $0x1000;
	vm10 =	vmand vm2, vm3;
	vm8 =	vmand vm1, vm7  }
0x1ad: {  	s24 =	sadd.s32 $0x40, s24;
	vm7 =	vmand vm0, vm13;
	vm2 =	vmmov vm12;
	vm1 =	vmmov vm4  }
0x1ae: {  	vm0 =	vmand vm9, vm6;
	vm3 =	vmmov vm5;
	v41 =	vld [tilespmem:s24+$0x10]  }
0x1af: {  	s25 =	sadd.s32 $0x40, s25;
	v23 =	vsel vm0, $0x1, v1;
	v24 =	vmpcnt.ones.xlane vm0;
	v27 =	vmpcnt.ones.xlane vm1  }
0x1b0: {  	v42 =	vor.u32 s25, v0;
	v25 =	vsel vm3, $0x1, v1;
	(xrf0) =	vadd.scan.msk.s32 $0xffff, v23;
	[tilespmem:v29+s13+$0x0] =	vst.idx.msk vm11, v16;
	v16 =	vmovc v17;
	v17 =	vld [tilespmem:s24+$0xFFFFFFE0]  }
0x1b1: {  	s4 =	sadd.s32 $0x30, s25;
	vm5 =	vne.s32 v42, v6;
	v30 =	vadd.s32 v32, v24;
	v23 =	vld [tilespmem:s24+$0x0];
	(xrf0) =	vadd.scan.msk.s32 $0xffff, v25;
	v31, _, _ =	vpop (xrf0);
	[tilespmem:v29+s14+$0x0] =	vst.idx.msk vm11, v22  }
0x1b2: {  	v25 =	vor.u32 s4, v0;
	v29 =	vadd.s32 v30, v26;
	v24 =	vld [tilespmem:s24+$0xFFFFFFF0];
	v22 =	vadd.s32 v31, v30;
	[tilespmem:v36+s13+$0x0] =	vst.idx.msk vm10, v20  }
0x1b3: {  	vm6 =	vne.s32 v25, v6;
	vm4 =	vlt.s32 v41, v10;
	v26 =	vadd.s32 $0xFFFFFFFF, v22;
	[tilespmem:v21+s13+$0x0] =	vst.idx.msk vm8, v14  }
0x1b4: {  	s4 =	sadd.s32 $0x20, s25;
	v30 =	vadd.s32 v29, v27;
	v22 =	vadd.s32 v28, v29;
	vm4 =	vmand vm6, vm4;
	[tilespmem:v36+s14+$0x0] =	vst.idx.msk vm10, v38  }
.Ltmp12:
0x1b5: {  	s5 =	sadd.s32 $0x10, s25;
	v14 =	vmovc v18;
	vm6 =	vlt.s32 v17, v10;
	v20 =	vsel vm4, $0x1, v1;
	[tilespmem:v21+s14+$0x0] =	vst.idx.msk vm8, v35;
	v21 =	vadd.s32 $0xFFFFFFFF, v22;
	(pc) =	sbr.rel @p0 .LBB2_19-.Ltmp12, $4  }
0x1b6: {  	vm5 =	vmand vm5, vm6;
	vm8 =	vlt.s32 v23, v10;
	(xrf0) =	vadd.scan.msk.s32 $0xffff, v20;
	v18, _, _ =	vpop (xrf0);
	[tilespmem:v39+s13+$0x0] =	vst.idx.msk vm7, v34  }
0x1b7: {  	v28 =	vor.u32 s4, v0;
	vm6 =	vlt.s32 v24, v10;
	v31 =	vadd.s32 v18, v32;
	v18, _, _ =	vpop (xrf0);
	[tilespmem:v39+s14+$0x0] =	vst.idx.msk vm7, v40  }
0x1b8: {  	v27 =	vor.u32 s5, v0;
	v22 =	vmovc v19;
	v32 =	vmpcnt.ones.xlane vm5;
	v34 =	vadd.s32 v18, v37;
	v18 =	vmovc v41  }
0x1b9: {  	vm9 =	vne.s32 v27, v6;
	v19 =	vmovc v42;
	vm7 =	vne.s32 v28, v6;
	v20 =	vmovc v33;
	v29 =	vadd.s32 $0xFFFFFFFF, v34  }
0x1ba: {  	vm12 =	vlt.s32 v29, $0x1000  }
0x1bb: {  	vm7 =	vmand vm7, vm8;
	vm13 =	vlt.s32 v26, $0x1000;
	vm3 =	vmand vm3, vm12  }
0x1bc: {  	vm14 =	vlt.s32 v21, $0x1000;
	v33 =	vsel vm7, $0x1, v1;
	vm2 =	vmand vm2, vm13  }
0x1bd: {  	vm6 =	vmand vm9, vm6;
	vm1 =	vmand vm1, vm14;
	(xrf0) =	vadd.scan.msk.s32 $0xffff, v33  }
0x1be: {  	vm5 =	vmmov vm5;
	v52 =	vsel vm6, $0x1, v1  }
0x1bf: {  	v31 =	vadd.s32 $0xFFFFFFFF, v31;
	v34 =	vsel vm5, $0x1, v1;
	(xrf0) =	vadd.scan.msk.s32 $0xffff, v52  }
0x1c0: {  	vm15 =	vlt.s32 v31, $0x1000;
	(xrf0) =	vadd.scan.msk.s32 $0xffff, v34  }
0x1c1: {  	v36 =	vmpcnt.ones.xlane vm6;
	vm0 =	vmand vm0, vm15;
	[tilespmem:v29+s13+$0x0] =	vst.idx.msk vm3, v16  }
0x1c2: {  	v32 =	vadd.s32 v30, v32;
	v38 =	vmpcnt.ones.xlane vm7;
	v53, _, _ =	vpop (xrf0);
	[tilespmem:v26+s13+$0x0] =	vst.idx.msk vm2, v20  }
0x1c3: {  	v16 =	vadd.s32 v32, v36;
	[tilespmem:v21+s13+$0x0] =	vst.idx.msk vm1, v14;
	v54, _, _ =	vpop (xrf0)  }
0x1c4: {  	[tilespmem:v29+s14+$0x0] =	vst.idx.msk vm3, v22;
	v22 =	vadd.s32 v54, v16;
	v16 =	vadd.s32 v16, v38  }
0x1c5: {  	[tilespmem:v26+s14+$0x0] =	vst.idx.msk vm2, v13;
	v35, _, _ =	vpop (xrf0);
	v20 =	vadd.s32 $0xFFFFFFFF, v22;
	v22 =	vadd.s32 v53, v16  }
0x1c6: {  	vm4 =	vmmov vm4;
	[tilespmem:v21+s14+$0x0] =	vst.idx.msk vm1, v11;
	v37, _, _ =	vpop (xrf0);
	v11 =	vadd.s32 v35, v32;
	v14 =	vadd.s32 $0xFFFFFFFF, v22  }
0x1c7: {  	[tilespmem:v31+s13+$0x0] =	vst.idx.msk vm0, v12;
	v30 =	vadd.s32 v37, v30;
	v11 =	vadd.s32 $0xFFFFFFFF, v11;
	vm2 =	vlt.s32 v14, $0x1000  }
0x1c8: {  	[tilespmem:v31+s14+$0x0] =	vst.idx.msk vm0, v15;
	v30 =	vadd.s32 $0xFFFFFFFF, v30;
	vm0 =	vlt.s32 v11, $0x1000;
	vm1 =	vmand vm4, vm2  }
0x1c9: {  	vm3 =	vlt.s32 v30, $0x1000;
	vm0 =	vmand vm6, vm0  }
0x1ca: {  	vm3 =	vmand vm5, vm3;
	_ =	sdelay $0x2  }
0x1cb: {  	vm5 =	vmmov vm7;
	vm7 =	vlt.s32 v20, $0x1000  }
0x1cc: {  	vm5 =	vmand vm5, vm7;
	[tilespmem:v14+s13+$0x0] =	vst.idx.msk vm1, v18  }
0x1cd: {  	[tilespmem:v11+s13+$0x0] =	vst.idx.msk vm0, v24  }
0x1ce: {  	[tilespmem:v30+s13+$0x0] =	vst.idx.msk vm3, v17  }
0x1cf: {  	[tilespmem:v14+s14+$0x0] =	vst.idx.msk vm1, v25  }
0x1d0: {  	[tilespmem:v11+s14+$0x0] =	vst.idx.msk vm0, v27  }
0x1d1: {  	[tilespmem:v30+s14+$0x0] =	vst.idx.msk vm3, v19  }
0x1d2: {  	[tilespmem:v20+s13+$0x0] =	vst.idx.msk vm5, v23  }
0x1d3: {  	s0 =	simm.s32 $0x5030;
	[tilespmem:v20+s14+$0x0] =	vst.idx.msk vm5, v28  }
0x1d4: {  	s4 =	simm.s32 $0x9030;
	v11 =	vld [tilespmem:s0+$0xFFFFFFD0]  }
0x1d5: {  	v12 =	vld [tilespmem:s4+$0xFFFFFFE0]  }
0x1d6: {  	v13 =	vld [tilespmem:s4+$0xFFFFFFD0]  }
0x1d7: {  	v14 =	vld [tilespmem:s4+$0xFFFFFFF0]  }
0x1d8: {  	s5 =	simm.s32 $0x1030;
	v15 =	vld [tilespmem:s4+$0x0]  }
0x1d9: {  	v17 =	vld [tilespmem:s5+$0xFFFFFFD0]  }
0x1da: {  	v18 =	vld [tilespmem:s0+$0xFFFFFFE0]  }
0x1db: {  	v19 =	vld [tilespmem:s5+$0xFFFFFFE0]  }
0x1dc: {  	s25 =	simm.s32 $0x1070;
	v23 =	vld [tilespmem:s5+$0x0]  }
0x1dd: {  	v20 =	vmpcnt.ones.xlane vm4;
	v31 =	vld [tilespmem:s25+$0x0];
	v22 =	vsub.f32 v11, v7  }
0x1de: {  	v21 =	vld [tilespmem:s5+$0xFFFFFFF0];
	v12 =	vsub.f32 v12, v9;
	v14 =	vsub.f32 v14, v9  }
0x1df: {  	v24 =	vadd.s32 v16, v20;
	v16 =	vsub.f32 v17, v8;
	v13 =	vsub.f32 v13, v9  }
0x1e0: {  	s7 =	simm.s32 $0x1030;
	v17 =	vld [tilespmem:s0+$0x0];
	v15 =	vsub.f32 v15, v9;
	v18 =	vsub.f32 v18, v7  }
0x1e1: {  	v11 =	vor.u32 s7, v0;
	v19 =	vsub.f32 v19, v8;
	v23 =	vsub.f32 v23, v8  }
0x1e2: {  	v31 =	vsub.f32 v31, v8;
	v20 =	vmul.f32 v22, v22;
	v22 =	vmul.f32 v13, v13  }
0x1e3: {  	v25 =	vmul.f32 v15, v15;
	v13 =	vsub.f32 v21, v8;
	v21 =	vld [tilespmem:s0+$0xFFFFFFF0];
	v18 =	vmul.f32 v18, v18  }
0x1e4: {  	v19 =	vmul.f32 v19, v19;
	v15 =	vor.u32 s23, v0;
	v12 =	vmul.f32 v12, v12;
	s23 =	simm.s32 $0x9070  }
0x1e5: {  	v16 =	vmul.f32 v16, v16;
	v27 =	vld [tilespmem:s23+$0xFFFFFFE0];
	v26 =	vmul.f32 v13, v13;
	v13 =	vsub.f32 v17, v7  }
0x1e6: {  	v28 =	vmul.f32 v14, v14;
	v61 =	vmul.f32 v31, v31;
	v17 =	vadd.f32 v18, v19  }
0x1e7: {  	s9 =	simm.s32 $0x5070;
	s24 =	simm.s32 $0x1010;
	v16 =	vadd.f32 v20, v16;
	v20 =	vld [tilespmem:s23+$0xFFFFFFF0];
	v18 =	vmul.f32 v23, v23;
	v23 =	vmul.f32 v13, v13  }
0x1e8: {  	v19 =	vld [tilespmem:s9+$0xFFFFFFD0];
	v13 =	vadd.f32 v12, v17;
	v14 =	vsub.f32 v21, v7;
	v12 =	vor.u32 s24, v0  }
0x1e9: {  	vm3 =	vne.s32 v15, v6;
	v16 =	vadd.f32 v22, v16;
	vm1 =	vne.s32 v12, v6  }
0x1ea: {  	s26 =	simm.s32 $0x1070;
	v22 =	vld [tilespmem:s25+$0xFFFFFFD0];
	v55 =	vsub.f32 v27, v9;
	v17 =	vadd.f32 v23, v18;
	v23 =	vmul.f32 v14, v14  }
0x1eb: {  	v21 =	vld [tilespmem:s23+$0xFFFFFFD0];
	vm4 =	vgt.s32 v10, v16;
	vm0 =	vgt.s32 v10, v13;
	v14 =	vor.u32 s26, v0  }
0x1ec: {  	v57 =	vsub.f32 v20, v9;
	vm2 =	vmand vm1, vm0;
	v23 =	vadd.f32 v23, v26;
	v26 =	vld [tilespmem:s9+$0xFFFFFFE0]  }
0x1ed: {  	s30 =	simm.s32 $0x1020;
	v29 =	vld [tilespmem:s23+$0x0];
	v30 =	vsub.f32 v19, v7;
	vm1 =	vne.s32 v11, v6;
	v18 =	vadd.f32 v25, v17  }
0x1ee: {  	v32 =	vmul.f32 v55, v55;
	v17 =	vor.u32 s30, v0;
	v19 =	vadd.f32 v28, v23;
	v23 =	vld [tilespmem:s25+$0xFFFFFFE0]  }
0x1ef: {  	v27 =	vld [tilespmem:s25+$0xFFFFFFF0];
	v56 =	vmpcnt.ones.xlane vm2;
	v22 =	vsub.f32 v22, v8;
	vm0 =	vgt.s32 v10, v18  }
0x1f0: {  	v20 =	vsub.f32 v21, v9;
	vm0 =	vmand vm1, vm0;
	vm1 =	vne.s32 v17, v6  }
0x1f1: {  	v28 =	vsel vm0, $0x1, v1;
	vm5 =	vgt.s32 v10, v19;
	v21 =	vsub.f32 v26, v7  }
0x1f2: {  	v26 =	vsub.f32 v29, v9;
	vm1 =	vmand vm1, vm5;
	vm5 =	vmand vm3, vm4  }
0x1f3: {  	v29 =	vmul.f32 v20, v20;
	(xrf0) =	vadd.scan.msk.s32 $0xffff, v28;
	v59 =	vsel vm5, $0x1, v1;
	v20 =	vsub.f32 v23, v8;
	v23 =	vld [tilespmem:s9+$0x0]  }
0x1f4: {  	v30 =	vmul.f32 v30, v30;
	v27 =	vsub.f32 v27, v8;
	v31 =	vmul.f32 v22, v22;
	(xrf0) =	vadd.scan.msk.s32 $0xffff, v59  }
0x1f5: {  	v25 =	vsel vm2, $0x1, v1;
	v21 =	vmul.f32 v21, v21;
	v58 =	vmul.f32 v20, v20  }
0x1f6: {  	v27 =	vmul.f32 v27, v27;
	v30 =	vadd.f32 v30, v31;
	v60 =	vsel vm1, $0x1, v1  }
0x1f7: {  	v34 =	vmpcnt.ones.xlane vm0;
	v28 =	vmul.f32 v57, v57;
	(xrf0) =	vadd.scan.msk.s32 $0xffff, v60;
	v21 =	vadd.f32 v21, v58  }
0x1f8: {  	vm4 =	vmmov vm2;
	(xrf0) =	vadd.scan.msk.s32 $0xffff, v25;
	v62 =	vsub.f32 v23, v7;
	v23 =	vmpcnt.ones.xlane vm5  }
0x1f9: {  	s31 =	simm.s32 $0x1050;
	v63 =	vmpcnt.ones.xlane vm1;
	v26 =	vmul.f32 v26, v26;
	v33, _, _ =	vpop (xrf0);
	v22 =	vadd.f32 v32, v21  }
0x1fa: {  	v36 =	vld [tilespmem:s9+$0xFFFFFFF0];
	s23 =	simm.s32 $0x1040;
	v21 =	vor.u32 s31, v0;
	v25 =	vadd.s32 v24, v23;
	v23 =	vadd.f32 v29, v30;
	v30, _, _ =	vpop (xrf0)  }
0x1fb: {  	v20 =	vor.u32 s23, v0;
	vm6 =	vne.s32 v21, v6;
	v30 =	vadd.s32 v30, v24  }
0x1fc: {  	v29 =	vmul.f32 v62, v62;
	vm2 =	vgt.s32 v10, v22;
	v31 =	vadd.s32 v25, v56  }
0x1fd: {  	s28 =	simm.s32 $0x50B0;
	s29 =	simm.s32 $0x90B0;
	vm3 =	vne.s32 v20, v6;
	v35, _, _ =	vpop (xrf0);
	vm2 =	vmand vm6, vm2;
	v32 =	vadd.s32 v31, v63  }
0x1fe: {  	s24 =	simm.s32 $0x104;
	s26 =	simm.s32 $0x1080;
	s25 =	simm.s32 $0x10B0;
	v37 =	vadd.f32 v29, v61;
	v29 =	vadd.s32 $0xFFFFFFFF, v30;
	v24 =	vsel vm2, $0x1, v1;
	v30, _, _ =	vpop (xrf0)  }
.LBB2_21:
0x1ff: {  	v38 =	vld [tilespmem:s28+$0xFFFFFFD0];
	s0 =	sadd.s32 $0x30, s26;
	s24 =	sadd.s32 $0x4, s24;
	v36 =	vsub.f32 v36, v7;
	vm6 =	vlt.s32 v29, $0x1000;
	v33 =	vadd.s32 v33, v32;
	v39 =	vmovc v17;
	v40 =	vmovc v22  }
0x200: {  	v42 =	vmovc v12;
	v12 =	vmovc v21;
	v22 =	vld [tilespmem:s29+$0xFFFFFFE0];
	v41 =	vor.u32 s0, v0;
	p0 =	slt.u32 s24, $0x3FC;
	v37 =	vadd.f32 v26, v37;
	vm5 =	vmand vm5, vm6  }
0x201: {  	v26 =	vadd.s32 v35, v31;
	v31 =	vadd.s32 $0xFFFFFFFF, v33;
	v21 =	vld [tilespmem:s29+$0xFFFFFFD0];
	v17 =	vmul.f32 v36, v36  }
0x202: {  	v32 =	vadd.s32 v32, v34;
	s0 =	sadd.s32 $0x20, s23;
	s23 =	smov.u32 s26;
	v35 =	vadd.s32 $0xFFFFFFFF, v26;
	vm6 =	vlt.s32 v31, $0x1000;
	v33 =	vld [tilespmem:s29+$0xFFFFFFF0]  }
0x203: {  	vm7 =	vmand vm0, vm6;
	v26 =	vld [tilespmem:s29+$0x0];
	v27 =	vadd.f32 v17, v27;
	v17 =	vor.u32 s0, v0  }
0x204: {  	vm0 =	vgt.s32 v10, v37;
	vm6 =	vne.s32 v14, v6;
	v34 =	vld [tilespmem:s25+$0xFFFFFFD0];
	v36 =	vsub.f32 v38, v7  }
0x205: {  	vm0 =	vmand vm6, vm0;
	v38 =	vld [tilespmem:s28+$0xFFFFFFE0];
	v22 =	vsub.f32 v22, v9;
	v43 =	vadd.f32 v28, v27  }
0x206: {  	v44 =	vmpcnt.ones.xlane vm2;
	v28 =	vsel vm0, $0x1, v1;
	v36 =	vmul.f32 v36, v36;
	v27 =	vld [tilespmem:s25+$0x0];
	[tilespmem:v29+s13+$0x0] =	vst.idx.msk vm5, v16;
	v16 =	vmovc v23  }
0x207: {  	v25 =	vadd.s32 v30, v25;
	vm9 =	vne.s32 v17, v6;
	v23 =	vld [tilespmem:s25+$0xFFFFFFE0];
	v33 =	vsub.f32 v33, v9  }
0x208: {  	v25 =	vadd.s32 $0xFFFFFFFF, v25;
	vm8 =	vgt.s32 v10, v16;
	vm10 =	vgt.s32 v10, v43;
	v30 =	vld [tilespmem:s25+$0xFFFFFFF0];
	[tilespmem:v29+s14+$0x0] =	vst.idx.msk vm5, v15  }
0x209: {  	v46 =	vsub.f32 v21, v9;
	vm5 =	vlt.s32 v35, $0x1000;
	v29 =	vsub.f32 v34, v8;
	v21 =	vld [tilespmem:s28+$0x0];
	[tilespmem:v31+s13+$0x0] =	vst.idx.msk vm7, v18  }
0x20a: {  	v45 =	vsub.f32 v26, v9;
	vm6 =	vmand vm1, vm5;
	v34 =	vsub.f32 v38, v7;
	[tilespmem:v31+s14+$0x0] =	vst.idx.msk vm7, v11  }
0x20b: {  	vm1 =	vlt.s32 v25, $0x1000;
	v31 =	vmul.f32 v46, v46;
	v11 =	vmovc v14;
	v14 =	vmovc v41;
	v38 =	vsub.f32 v27, v8  }
0x20c: {  	v15 =	vmovc v20;
	v18 =	vmovc v37;
	v26 =	vmul.f32 v45, v45;
	vm7 =	vmand vm4, vm1;
	v23 =	vsub.f32 v23, v8  }
0x20d: {  	vm1 =	vmand vm9, vm10;
	v34 =	vmul.f32 v34, v34;
	v27 =	vsub.f32 v30, v8  }
0x20e: {  	v20 =	vor.u32 s26, v0;
	vm5 =	vmand vm3, vm8;
	v23 =	vmul.f32 v23, v23  }
0x20f: {  	vm3 =	vne.s32 v20, v6;
	v30 =	vsel vm5, $0x1, v1;
	v27 =	vmul.f32 v27, v27;
	(xrf0) =	vadd.scan.msk.s32 $0xffff, v28  }
0x210: {  	v22 =	vmul.f32 v22, v22;
	v23 =	vadd.f32 v34, v23;
	v34 =	vsel vm1, $0x1, v1;
	(xrf0) =	vadd.scan.msk.s32 $0xffff, v30  }
0x211: {  	v28 =	vmul.f32 v33, v33;
	v30 =	vmul.f32 v38, v38;
	(xrf0) =	vadd.scan.msk.s32 $0xffff, v34;
	[tilespmem:v35+s13+$0x0] =	vst.idx.msk vm6, v19  }
0x212: {  	s0 =	sadd.s32 $0x10, s26;
	v29 =	vmul.f32 v29, v29;
	v37 =	vsub.f32 v21, v7;
	v22 =	vadd.f32 v22, v23;
	(xrf0) =	vadd.scan.msk.s32 $0xffff, v24  }
0x213: {  	vm4 =	vmmov vm2;
	v21 =	vor.u32 s0, v0;
	v19 =	vmovc v43;
	v23 =	vmpcnt.ones.xlane vm5;
	[tilespmem:v25+s13+$0x0] =	vst.idx.msk vm7, v13;
	v13 =	vmovc v40  }
.Ltmp13:
0x214: {  	v38 =	vadd.f32 v36, v29;
	v34 =	vmpcnt.ones.xlane vm0;
	vm2 =	vgt.s32 v10, v22;
	v36 =	vld [tilespmem:s28+$0xFFFFFFF0];
	[tilespmem:v25+s14+$0x0] =	vst.idx.msk vm7, v42;
	(pc) =	sbr.rel @p0 .LBB2_21-.Ltmp13, $4  }
0x215: {  	v29 =	vmpcnt.ones.xlane vm1;
	vm7 =	vne.s32 v21, v6;
	v25 =	vadd.s32 v32, v23;
	v33, _, _ =	vpop (xrf0);
	[tilespmem:v35+s14+$0x0] =	vst.idx.msk vm6, v39  }
0x216: {  	v37 =	vmul.f32 v37, v37;
	v23 =	vadd.f32 v31, v38;
	v31 =	vadd.s32 v25, v44;
	v24, _, _ =	vpop (xrf0)  }
0x217: {  	s25 =	sadd.s32 $0x40, s25;
	vm2 =	vmand vm7, vm2;
	v38 =	vadd.s32 v24, v32;
	v32 =	vadd.s32 v31, v29;
	v35, _, _ =	vpop (xrf0)  }
0x218: {  	s29 =	sadd.s32 $0x40, s29;
	s26 =	sadd.s32 $0x40, s26;
	v37 =	vadd.f32 v37, v30;
	s28 =	sadd.s32 $0x40, s28;
	v24 =	vsel vm2, $0x1, v1;
	v29 =	vadd.s32 $0xFFFFFFFF, v38;
	v30, _, _ =	vpop (xrf0)  }
0x219: {  	v7 =	vsub.f32 v36, v7;
	_ =	sdelay $0x1  }
0x21a: {  	v7 =	vmul.f32 v7, v7;
	_ =	sdelay $0x1  }
0x21b: {  	v7 =	vadd.f32 v7, v27  }
0x21c: {  	s0 =	sadd.s32 $0x20, s23;
	v9 =	vadd.s32 v32, v34;
	vm6 =	vgt.s32 v10, v23  }
0x21d: {  	v8 =	vadd.f32 v26, v37;
	v49 =	vor.u32 s0, v0;
	v7 =	vadd.f32 v28, v7  }
0x21e: {  	vm9 =	vne.s32 v14, v6;
	vm7 =	vmand vm3, vm6;
	vm15 =	vne.s32 v49, v6  }
0x21f: {  	v6 =	vmpcnt.ones.xlane vm7;
	vm8 =	vgt.s32 v10, v8;
	vm10 =	vgt.s32 v10, v7  }
0x220: {  	v50 =	vmpcnt.ones.xlane vm2;
	vm6 =	vmand vm9, vm8;
	vm3 =	vmand vm15, vm10  }
0x221: {  	v6 =	vadd.s32 v9, v6;
	v51 =	vsel vm6, $0x1, v1;
	v52 =	vmpcnt.ones.xlane vm3  }
0x222: {  	v53 =	vsel vm7, $0x1, v1;
	v54 =	vmpcnt.ones.xlane vm6;
	v27 =	vadd.s32 v6, v50;
	(xrf0) =	vadd.scan.msk.s32 $0xffff, v51  }
0x223: {  	(xrf0) =	vadd.scan.msk.s32 $0xffff, v53;
	v55 =	vsel vm3, $0x1, v1;
	v34 =	vadd.s32 v27, v52  }
0x224: {  	(xrf0) =	vadd.scan.msk.s32 $0xffff, v55;
	v28 =	vadd.s32 v34, v54  }
0x225: {  	(xrf0) =	vadd.scan.msk.s32 $0xffff, v24;
	v56 =	vxor.u32 $0x80000000, v28  }
0x226: {  	(xrf0) =	vmax.scan.msk.u32 $0xffff, v56;
	_ =	sdelay $0x1  }
0x227: {  	v57, _, _ =	vpop (xrf0)  }
0x228: {  	v58, _, _ =	vpop (xrf0)  }
0x229: {  	v59, _, _ =	vpop (xrf0)  }
0x22a: {  	v61, _, _ =	vpop (xrf0)  }
0x22b: {  	v62, _, _ =	vpop (xrf0)  }
0x22c: {  	(v2sf) =	vpush v62, $0xF  }
0x22d: {  	vm12 =	vlt.s32 v29, $0x1000;
	v60 =	vadd.s32 v33, v32  }
0x22e: {  	vm5 =	vmand vm5, vm12;
	v32 =	vadd.s32 $0xFFFFFFFF, v60  }
0x22f: {  	vm13 =	vlt.s32 v32, $0x1000  }
0x230: {  	v31 =	vadd.s32 v35, v31;
	vm0 =	vmand vm0, vm13  }
0x231: {  	v31 =	vadd.s32 $0xFFFFFFFF, v31  }
0x232: {  	v25 =	vadd.s32 v30, v25;
	vm14 =	vlt.s32 v31, $0x1000  }
0x233: {  	v25 =	vadd.s32 $0xFFFFFFFF, v25;
	vm1 =	vmand vm1, vm14  }
0x234: {  	[tilespmem:v29+s13+$0x0] =	vst.idx.msk vm5, v16;
	vm15 =	vlt.s32 v25, $0x1000;
	v63 =	vadd.s32 v57, v34  }
0x235: {  	[tilespmem:v29+s14+$0x0] =	vst.idx.msk vm5, v15;
	vm4 =	vmand vm4, vm15;
	v9 =	vadd.s32 v58, v9;
	v15 =	vadd.s32 $0xFFFFFFFF, v63  }
0x236: {  	[tilespmem:v32+s13+$0x0] =	vst.idx.msk vm0, v18;
	v9 =	vadd.s32 $0xFFFFFFFF, v9;
	vm11 =	vlt.s32 v15, $0x1000  }
0x237: {  	[tilespmem:v32+s14+$0x0] =	vst.idx.msk vm0, v11;
	vm10 =	vlt.s32 v9, $0x1000;
	vm0 =	vmand vm6, vm11  }
0x238: {  	vm5 =	vmand vm7, vm10;
	v11 =	vadd.s32 v59, v27  }
0x239: {  	[tilespmem:v31+s13+$0x0] =	vst.idx.msk vm1, v19;
	v11 =	vadd.s32 $0xFFFFFFFF, v11;
	v6 =	vadd.s32 v61, v6  }
0x23a: {  	[tilespmem:v31+s14+$0x0] =	vst.idx.msk vm1, v17;
	v6 =	vadd.s32 $0xFFFFFFFF, v6;
	vm12 =	vlt.s32 v11, $0x1000  }
0x23b: {  	vm13 =	vmmov vm2;
	[tilespmem:v25+s13+$0x0] =	vst.idx.msk vm4, v13;
	vm3 =	vmand vm3, vm12;
	vm14 =	vlt.s32 v6, $0x1000;
	s31 =	spop (v2sf)  }
0x23c: {  	[tilespmem:v25+s14+$0x0] =	vst.idx.msk vm4, v12;
	vm15 =	vmand vm13, vm14;
	s24 =	sadd.s32 $0x8000000F, s31  }
0x23d: {  	[tilespmem:v15+s13+$0x0] =	vst.idx.msk vm0, v8;
	s23 =	sshrl.u32 s24, $0x4  }
0x23e: {  	[tilespmem:v9+s13+$0x0] =	vst.idx.msk vm5, v23;
	s26 =	sand.u32 $0xFFFFFFC, s23  }
0x23f: {  	[tilespmem:v15+s14+$0x0] =	vst.idx.msk vm0, v14;
	p0 =	seq.s32 s26, $0x0  }
.Ltmp14:
0x240: {  	[tilespmem:v9+s14+$0x0] =	vst.idx.msk vm5, v20;
	(pc) =	sbr.rel @p0 .LBB2_26-.Ltmp14, $4  }
0x241: {  	[tilespmem:v11+s13+$0x0] =	vst.idx.msk vm3, v7  }
0x242: {  	[tilespmem:v6+s13+$0x0] =	vst.idx.msk vm15, v22  }
0x243: {  	[tilespmem:v11+s14+$0x0] =	vst.idx.msk vm3, v49  }
0x244: {  	[tilespmem:v6+s14+$0x0] =	vst.idx.msk vm15, v21;
	s25 =	sxor.u32 $0x80000000, s31  }
0x245: {  	s4 =	simm.s32 $0xC020  }
0x246: {  	v9 =	vld [tilespmem:s4+$0x10];
	_ =	sdelay $0x1  }
0x247: {  	s0 =	simm.s32 $0x0;
	v7 =	vld [tilespmem:s4+$0xFFFFFFF0]  }
0x248: {  	v6 =	vmov s25;
	s5 =	simm.s32 $0x10;
	s28 =	simm.s32 $0x20;
	s29 =	simm.s32 $0x30;
	v14 =	vor.u32 s0, v0;
	v8 =	vld [tilespmem:s4+$0x0]  }
0x249: {  	v15 =	vld [tilespmem:s4+$0xFFFFFFE0];
	v11 =	vor.u32 s5, v0;
	v16 =	vor.u32 s28, v0;
	v12 =	vor.u32 s29, v0  }
0x24a: {  	vm1 =	vlt.s32 v11, v6;
	vm0 =	vlt.s32 v12, v6;
	vm2 =	vlt.s32 v9, v10  }
0x24b: {  	p1 =	sgt.u32 s26, $0x4;
	vm3 =	vgt.s32 v9, $0xFFFFFFFF;
	v9 =	vshrl.u32 v9, $0x17;
	vm0 =	vmand vm2, vm0  }
.Ltmp15:
0x24c: {  	vm5 =	vlt.s32 v14, v6;
	v9 =	vand.u32 $0xFF, v9;
	vm0 =	vmand vm0, vm3;
	(pc) =	sbr.rel @!p1 .LBB2_25-.Ltmp15, $4  }
0x24d: {  	vm6 =	vlt.s32 v16, v6;
	v11 =	vshrl.u32 v7, $0x17;
	v9 =	vor.u32 v2, v9  }
0x24e: {  	vm4 =	vlt.s32 v15, v10;
	v13 =	vshrl.u32 v15, $0x17;
	v12 =	vshrl.u32 v8, $0x17  }
0x24f: {  	vm2 =	vlt.s32 v7, v10;
	vm4 =	vmand vm4, vm5;
	vm3 =	vlt.s32 v8, v10  }
0x250: {  	s4 =	simm.s32 $0x4;
	s5 =	simm.s32 $0xC060;
	vm1 =	vmand vm2, vm1;
	vm2 =	vgt.s32 v15, $0xFFFFFFFF;
	vm3 =	vmand vm3, vm6  }
.LBB2_24:
0x251: {  	v14 =	vld [tilespmem:s5+$0x10];
	s4 =	sadd.s32 $0x4, s4;
	v13 =	vand.u32 $0xFF, v13;
	vm5 =	vgt.s32 v7, $0xFFFFFFFF;
	v11 =	vand.u32 $0xFF, v11  }
0x252: {  	vm2 =	vmand vm4, vm2;
	vm6 =	vgt.s32 v8, $0xFFFFFFFF;
	v12 =	vand.u32 $0xFF, v12;
	p1 =	slt.u32 s4, s26;
	[tilespmem:v9+s19+$0x0] =	vst.idx.add.s32.msk vm0, v3  }
0x253: {  	s0 =	sadd.s32 $0x40, s0;
	v9 =	vor.u32 v2, v13;
	vm4 =	vmand vm1, vm5;
	vm1 =	vmand vm3, vm6;
	v7 =	vld [tilespmem:s5+$0xFFFFFFF0]  }
0x254: {  	v15 =	vor.u32 s0, v0;
	s28 =	sadd.s32 $0x10, s0;
	s29 =	sadd.s32 $0x20, s0;
	s30 =	sadd.s32 $0x30, s0;
	v13 =	vor.u32 v2, v11;
	v16 =	vor.u32 v2, v12;
	v8 =	vld [tilespmem:s5+$0x0]  }
0x255: {  	v11 =	vor.u32 s28, v0;
	v18 =	vor.u32 s29, v0;
	v12 =	vor.u32 s30, v0;
	v17 =	vld [tilespmem:s5+$0xFFFFFFE0]  }
0x256: {  	vm3 =	vlt.s32 v11, v6;
	vm0 =	vlt.s32 v12, v6;
	vm5 =	vlt.s32 v14, v10  }
0x257: {  	vm6 =	vgt.s32 v14, $0xFFFFFFFF;
	v11 =	vshrl.u32 v14, $0x17;
	vm0 =	vmand vm5, vm0  }
.Ltmp16:
0x258: {  	v12 =	vand.u32 $0xFF, v11;
	vm5 =	vlt.s32 v7, v10;
	vm0 =	vmand vm0, vm6;
	[tilespmem:v9+s19+$0x0] =	vst.idx.add.s32.msk vm2, v3;
	(pc) =	sbr.rel @p1 .LBB2_24-.Ltmp16, $4  }
0x259: {  	v11 =	vshrl.u32 v7, $0x17;
	v9 =	vor.u32 v2, v12;
	vm6 =	vlt.s32 v8, v10;
	[tilespmem:v13+s19+$0x0] =	vst.idx.add.s32.msk vm4, v3  }
0x25a: {  	v12 =	vshrl.u32 v8, $0x17;
	vm4 =	vlt.s32 v17, v10;
	v13 =	vshrl.u32 v17, $0x17;
	[tilespmem:v16+s19+$0x0] =	vst.idx.add.s32.msk vm1, v3  }
0x25b: {  	vm7 =	vlt.s32 v15, v6;
	vm1 =	vmand vm5, vm3;
	vm3 =	vlt.s32 v18, v6  }
0x25c: {  	s5 =	sadd.s32 $0x40, s5;
	vm2 =	vgt.s32 v17, $0xFFFFFFFF;
	vm4 =	vmand vm4, vm7;
	vm3 =	vmand vm6, vm3  }
.LBB2_25:
0x25d: {  	v6 =	vand.u32 $0xFF, v13  }
0x25e: {  	vm5 =	vgt.s32 v7, $0xFFFFFFFF;
	v7 =	vand.u32 $0xFF, v11;
	vm2 =	vmand vm4, vm2  }
0x25f: {  	vm15 =	vgt.s32 v8, $0xFFFFFFFF;
	v6 =	vor.u32 v2, v6;
	vm1 =	vmand vm1, vm5  }
0x260: {  	v8 =	vand.u32 $0xFF, v12;
	vm3 =	vmand vm3, vm15;
	v7 =	vor.u32 v2, v7  }
0x261: {  	v8 =	vor.u32 v2, v8;
	_ =	sdelay $0x1  }
0x262: {  	[tilespmem:v9+s19+$0x0] =	vst.idx.add.s32.msk vm0, v3  }
0x263: {  	[tilespmem:v6+s19+$0x0] =	vst.idx.add.s32.msk vm2, v3  }
0x264: {  	[tilespmem:v7+s19+$0x0] =	vst.idx.add.s32.msk vm1, v3  }
0x265: {  	[tilespmem:v8+s19+$0x0] =	vst.idx.add.s32.msk vm3, v3  }
.LBB2_26:
0x266: {  	p1 =	sne.s32 s26, s23  }
.Ltmp17:
0x267: {  	_ = 	snop;
	(pc) =	sbr.rel @!p1 .LBB2_27-.Ltmp17, $1  }
0x268: {  	_ =	sdelay $0x3  }
0x269: {  	s0 =	sshll.u32 s24, $0x2  }
0x26a: {  	s0 =	sshra.s32 s0, $0x2  }
0x26b: {  	s0 =	sand.u32 $0xFFFFFFC0, s0  }
0x26c: {  	v6 =	vmov s25;
	s4 =	sand.u32 $0xFFFFFFC0, s24;
	s5 =	smov.u32 s26;
	s0 =	sadd.s32 $0xC000, s0  }
.LBB2_78:
0x26d: {  	v7 =	vld [tilespmem:s0+$0x0];
	_ =	sdelay $0x3  }
0x26e: {  	v8 =	vor.u32 s4, v0  }
0x26f: {  	vm0 =	vlt.s32 v8, v6;
	vm1 =	vlt.s32 v7, v10  }
0x270: {  	vm2 =	vgt.s32 v7, $0xFFFFFFFF;
	v7 =	vshrl.u32 v7, $0x17;
	vm0 =	vmand vm1, vm0  }
0x271: {  	s5 =	sadd.s32 $0x1, s5;
	v7 =	vand.u32 $0xFF, v7;
	vm0 =	vmand vm0, vm2  }
0x272: {  	p1 =	slt.u32 s5, s23;
	v7 =	vor.u32 v2, v7  }
.Ltmp18:
0x273: {  	_ = 	snop;
	(pc) =	sbr.rel @p1 .LBB2_78-.Ltmp18, $2  }
0x274: {  	_ =	sdelay $0x2  }
0x275: {  	s0 =	sadd.s32 $0x10, s0;
	s4 =	sadd.s32 $0x10, s4;
	[tilespmem:v7+s19+$0x0] =	vst.idx.add.s32.msk vm0, v3  }
.LBB2_27:
0x276: {  	s0 =	simm.s32 $0x0;
	s5 =	simm.s32 $0xE000  }
0x277: {  	s28 =	sand.u32 $0xF0, s0;
	v8 =	vld [tilespmem:s5+$0x0]  }
0x278: {  	v7 =	vld [tilespmem:s28+$0xE100]  }
0x279: {  	v9 =	vld [tilespmem:s28+$0xE200]  }
0x27a: {  	v11 =	vld [tilespmem:s28+$0xE300]  }
0x27b: {  	v12 =	vld [tilespmem:s28+$0xE400]  }
0x27c: {  	v13 =	vld [tilespmem:s28+$0xE500]  }
0x27d: {  	v7 =	vadd.s32 v8, v7;
	v8 =	vld [tilespmem:s28+$0xE600]  }
0x27e: {  	v7 =	vadd.s32 v9, v7;
	v9 =	vld [tilespmem:s28+$0xE700]  }
0x27f: {  	v7 =	vadd.s32 v11, v7;
	v11 =	vld [tilespmem:s28+$0xE800]  }
0x280: {  	v54 =	vld [tilespmem:s28+$0xE900];
	v7 =	vadd.s32 v12, v7  }
0x281: {  	v55 =	vld [tilespmem:s28+$0xEA00];
	v7 =	vadd.s32 v13, v7  }
0x282: {  	v7 =	vadd.s32 v8, v7;
	v8 =	vld [tilespmem:s28+$0xEB00]  }
0x283: {  	v7 =	vadd.s32 v9, v7;
	v9 =	vld [tilespmem:s28+$0xEC00]  }
0x284: {  	v7 =	vadd.s32 v11, v7;
	v11 =	vld [tilespmem:s28+$0xED00]  }
0x285: {  	v56 =	vld [tilespmem:s28+$0xEE00];
	v7 =	vadd.s32 v54, v7  }
0x286: {  	v57 =	vld [tilespmem:s28+$0xEF00];
	v7 =	vadd.s32 v55, v7  }
0x287: {  	v7 =	vadd.s32 v8, v7  }
0x288: {  	v7 =	vadd.s32 v9, v7  }
0x289: {  	v7 =	vadd.s32 v11, v7  }
0x28a: {  	v7 =	vadd.s32 v56, v7  }
0x28b: {  	s4 =	simm.s32 $0x10000;
	s31 =	simm.s32 $0x10;
	v7 =	vadd.s32 v57, v7  }
0x28c: {  	s5 =	sand.u32 $0xF0, s31;
	[tilespmem:s4+$0x0] =	vst v7  }
0x28d: {  	s4 =	simm.s32 $0xE010;
	v8 =	vld [tilespmem:s5+$0xE100]  }
0x28e: {  	v9 =	vld [tilespmem:s4+$0x0]  }
0x28f: {  	(xrf0) =	vadd.scan.msk.s32 $0xffff, v7;
	v11 =	vld [tilespmem:s5+$0xE200]  }
0x290: {  	v58 =	vld [tilespmem:s5+$0xE300]  }
0x291: {  	v7 =	vld [tilespmem:s5+$0xE400]  }
0x292: {  	v59 =	vld [tilespmem:s5+$0xE500]  }
0x293: {  	v8 =	vadd.s32 v9, v8;
	v9 =	vld [tilespmem:s5+$0xE600]  }
0x294: {  	v8 =	vadd.s32 v11, v8;
	v11 =	vld [tilespmem:s5+$0xE700]  }
0x295: {  	v60 =	vld [tilespmem:s5+$0xE800];
	v14, _, _ =	vpop (xrf0);
	v8 =	vadd.s32 v58, v8  }
0x296: {  	v14 =	vadd.s32 s0, v14;
	v7 =	vadd.s32 v7, v8;
	v8 =	vld [tilespmem:s5+$0xE900]  }
0x297: {  	v61 =	vld [tilespmem:s5+$0xEA00];
	v15 =	vxor.u32 $0x80000000, v14;
	v7 =	vadd.s32 v59, v7  }
0x298: {  	(xrf0) =	vmax.scan.msk.u32 $0xffff, v15;
	v7 =	vadd.s32 v9, v7;
	v9 =	vld [tilespmem:s5+$0xEB00]  }
0x299: {  	v7 =	vadd.s32 v11, v7;
	v11 =	vld [tilespmem:s5+$0xEC00]  }
0x29a: {  	v7 =	vadd.s32 v60, v7  }
0x29b: {  	v7 =	vadd.s32 v8, v7  }
0x29c: {  	v7 =	vadd.s32 v61, v7  }
0x29d: {  	v7 =	vadd.s32 v9, v7  }
0x29e: {  	v7 =	vadd.s32 v11, v7;
	v11, _, _ =	vpop (xrf0)  }
0x29f: {  	(v2sf) =	vpush v11, $0xF;
	_ =	sdelay $0x1  }
0x2a0: {  	v62 =	vld [tilespmem:s5+$0xED00]  }
0x2a1: {  	v8 =	vld [tilespmem:s5+$0xEE00]  }
0x2a2: {  	v63 =	vld [tilespmem:s5+$0xEF00];
	_ =	sdelay $0x1  }
0x2a3: {  	vm0 =	vlt.s32 v14, $0x32  }
0x2a4: {  	v9 =	vmpcnt.ones.xlane vm0;
	v7 =	vadd.s32 v62, v7  }
0x2a5: {  	v6 =	vimm.s32 $0x0;
	s29 =	simm.s32 $0x40;
	v7 =	vadd.s32 v8, v7  }
0x2a6: {  	s28 =	simm.s32 $0x10010;
	s0 =	simm.s32 $0x30;
	s5 =	simm.s32 $0x20;
	v6 =	vadd.s32 v6, v9;
	v7 =	vadd.s32 v63, v7  }
.LBB2_28:
0x2a7: {  	p1 =	sne.s32 s29, $0xF0;
	[tilespmem:s28+$0x0] =	vst v7;
	(xrf0) =	vadd.scan.msk.s32 $0xffff, v7;
	_ =	sdelay $0x3  }
0x2a8: {  	s30 =	sand.u32 $0xF0, s5;
	s5 =	smov.u32 s0;
	s0 =	smov.u32 s29  }
0x2a9: {  	s4 =	sadd.s32 $0x10, s4;
	v7 =	vld [tilespmem:s30+$0xE100];
	s31 =	spop (v2sf)  }
0x2aa: {  	v8 =	vld [tilespmem:s4+$0x0];
	v9, _, _ =	vpop (xrf0);
	s31 =	sxor.u32 $0x80000000, s31  }
0x2ab: {  	v11 =	vld [tilespmem:s30+$0xE200];
	v9 =	vadd.s32 s31, v9  }
0x2ac: {  	v12 =	vld [tilespmem:s30+$0xE300];
	vm0 =	vlt.s32 v9, $0x32;
	v9 =	vxor.u32 $0x80000000, v9  }
0x2ad: {  	v13 =	vld [tilespmem:s30+$0xE400];
	v14 =	vmpcnt.ones.xlane vm0;
	(xrf0) =	vmax.scan.msk.u32 $0xffff, v9  }
0x2ae: {  	v9 =	vld [tilespmem:s30+$0xE500]  }
0x2af: {  	v7 =	vadd.s32 v8, v7;
	v8 =	vld [tilespmem:s30+$0xE600];
	v6 =	vadd.s32 v6, v14  }
0x2b0: {  	v7 =	vadd.s32 v11, v7;
	v11 =	vld [tilespmem:s30+$0xE700]  }
0x2b1: {  	v7 =	vadd.s32 v12, v7;
	v12 =	vld [tilespmem:s30+$0xE800]  }
0x2b2: {  	v7 =	vadd.s32 v13, v7;
	v13 =	vld [tilespmem:s30+$0xE900]  }
0x2b3: {  	v7 =	vadd.s32 v9, v7;
	v9 =	vld [tilespmem:s30+$0xEA00];
	v14, _, _ =	vpop (xrf0)  }
0x2b4: {  	v7 =	vadd.s32 v8, v7;
	v8 =	vld [tilespmem:s30+$0xEB00];
	(v2sf) =	vpush v14, $0xF  }
0x2b5: {  	v7 =	vadd.s32 v11, v7;
	v11 =	vld [tilespmem:s30+$0xEC00]  }
0x2b6: {  	v7 =	vadd.s32 v12, v7;
	v12 =	vld [tilespmem:s30+$0xED00]  }
0x2b7: {  	v7 =	vadd.s32 v13, v7;
	v13 =	vld [tilespmem:s30+$0xEE00]  }
0x2b8: {  	v7 =	vadd.s32 v9, v7;
	v9 =	vld [tilespmem:s30+$0xEF00]  }
.Ltmp19:
0x2b9: {  	v7 =	vadd.s32 v8, v7;
	(pc) =	sbr.rel @p1 .LBB2_28-.Ltmp19, $4  }
0x2ba: {  	v7 =	vadd.s32 v11, v7  }
0x2bb: {  	v7 =	vadd.s32 v12, v7  }
0x2bc: {  	v7 =	vadd.s32 v13, v7  }
0x2bd: {  	s29 =	sadd.s32 $0x10, s29;
	s28 =	sadd.s32 $0x10, s28;
	v7 =	vadd.s32 v9, v7  }
0x2be: {  	(xrf0) =	vadd.scan.msk.s32 $0xffff, v7;
	_ =	sdelay $0x3  }
0x2bf: {  	[tilespmem:s28+$0x0] =	vst v7;
	s5 =	sand.u32 $0xF0, s5  }
0x2c0: {  	s29 =	sadd.s32 $0x10, s4;
	v7 =	vld [tilespmem:s5+$0xE100];
	s7 =	spop (v2sf)  }
0x2c1: {  	v8 =	vld [tilespmem:s29+$0x0];
	v9, _, _ =	vpop (xrf0);
	s4 =	sxor.u32 $0x80000000, s7  }
0x2c2: {  	v11 =	vld [tilespmem:s5+$0xE200];
	v9 =	vadd.s32 s4, v9  }
0x2c3: {  	v12 =	vld [tilespmem:s5+$0xE300];
	v13 =	vxor.u32 $0x80000000, v9  }
0x2c4: {  	v14 =	vld [tilespmem:s5+$0xE400];
	(xrf0) =	vmax.scan.msk.u32 $0xffff, v13  }
0x2c5: {  	v44 =	vld [tilespmem:s5+$0xE500]  }
0x2c6: {  	v7 =	vadd.s32 v8, v7;
	v8 =	vld [tilespmem:s5+$0xE600]  }
0x2c7: {  	v7 =	vadd.s32 v11, v7;
	v11 =	vld [tilespmem:s5+$0xE700]  }
0x2c8: {  	v45 =	vld [tilespmem:s5+$0xE800];
	v7 =	vadd.s32 v12, v7  }
0x2c9: {  	v46 =	vld [tilespmem:s5+$0xE900];
	v7 =	vadd.s32 v14, v7  }
0x2ca: {  	v47 =	vld [tilespmem:s5+$0xEA00];
	v7 =	vadd.s32 v44, v7;
	v15, _, _ =	vpop (xrf0)  }
0x2cb: {  	v7 =	vadd.s32 v8, v7;
	v8 =	vld [tilespmem:s5+$0xEB00];
	(v2sf) =	vpush v15, $0xF  }
0x2cc: {  	v7 =	vadd.s32 v11, v7;
	v11 =	vld [tilespmem:s5+$0xEC00]  }
0x2cd: {  	v48 =	vld [tilespmem:s5+$0xED00];
	v7 =	vadd.s32 v45, v7  }
0x2ce: {  	v49 =	vld [tilespmem:s5+$0xEE00];
	v7 =	vadd.s32 v46, v7  }
0x2cf: {  	v50 =	vld [tilespmem:s5+$0xEF00];
	v7 =	vadd.s32 v47, v7  }
0x2d0: {  	v7 =	vadd.s32 v8, v7  }
0x2d1: {  	v7 =	vadd.s32 v11, v7  }
0x2d2: {  	v7 =	vadd.s32 v48, v7  }
0x2d3: {  	v7 =	vadd.s32 v49, v7  }
0x2d4: {  	v7 =	vadd.s32 v50, v7  }
0x2d5: {  	(xrf0) =	vadd.scan.msk.s32 $0xffff, v7;
	_ =	sdelay $0x2  }
0x2d6: {  	s9 =	sadd.s32 $0x10, s28  }
0x2d7: {  	s0 =	sand.u32 $0xF0, s0;
	[tilespmem:s9+$0x0] =	vst v7  }
0x2d8: {  	s30 =	sadd.s32 $0x10, s29;
	v7 =	vld [tilespmem:s0+$0xE100];
	s31 =	spop (v2sf)  }
0x2d9: {  	v8 =	vld [tilespmem:s30+$0x0];
	v11, _, _ =	vpop (xrf0);
	s6 =	sxor.u32 $0x80000000, s31  }
0x2da: {  	v51 =	vld [tilespmem:s0+$0xE200];
	v11 =	vadd.s32 s6, v11  }
0x2db: {  	v52 =	vld [tilespmem:s0+$0xE300];
	v53 =	vxor.u32 $0x80000000, v11  }
0x2dc: {  	v54 =	vld [tilespmem:s0+$0xE400];
	(xrf0) =	vmax.scan.msk.u32 $0xffff, v53  }
0x2dd: {  	v55 =	vld [tilespmem:s0+$0xE500]  }
0x2de: {  	v7 =	vadd.s32 v8, v7;
	v8 =	vld [tilespmem:s0+$0xE600]  }
0x2df: {  	v56 =	vld [tilespmem:s0+$0xE700];
	v7 =	vadd.s32 v51, v7  }
0x2e0: {  	v57 =	vld [tilespmem:s0+$0xE800];
	v7 =	vadd.s32 v52, v7  }
0x2e1: {  	v58 =	vld [tilespmem:s0+$0xE900];
	v7 =	vadd.s32 v54, v7  }
0x2e2: {  	v59 =	vld [tilespmem:s0+$0xEA00];
	v7 =	vadd.s32 v55, v7;
	v16, _, _ =	vpop (xrf0)  }
0x2e3: {  	v7 =	vadd.s32 v8, v7;
	v8 =	vld [tilespmem:s0+$0xEB00];
	(v2sf) =	vpush v16, $0xF  }
0x2e4: {  	v60 =	vld [tilespmem:s0+$0xEC00];
	v7 =	vadd.s32 v56, v7  }
0x2e5: {  	v61 =	vld [tilespmem:s0+$0xED00];
	v7 =	vadd.s32 v57, v7  }
0x2e6: {  	v62 =	vld [tilespmem:s0+$0xEE00];
	v7 =	vadd.s32 v58, v7  }
0x2e7: {  	v63 =	vld [tilespmem:s0+$0xEF00];
	v7 =	vadd.s32 v59, v7  }
0x2e8: {  	v7 =	vadd.s32 v8, v7  }
0x2e9: {  	v7 =	vadd.s32 v60, v7  }
0x2ea: {  	v7 =	vadd.s32 v61, v7  }
0x2eb: {  	v7 =	vadd.s32 v62, v7  }
0x2ec: {  	v7 =	vadd.s32 v63, v7  }
0x2ed: {  	(xrf0) =	vadd.scan.msk.s32 $0xffff, v7;
	_ =	sdelay $0x4  }
0x2ee: {  	s7 =	spop (v2sf)  }
0x2ef: {  	vm0 =	vlt.s32 v9, $0x32;
	v8, _, _ =	vpop (xrf0);
	s0 =	sxor.u32 $0x80000000, s7  }
0x2f0: {  	v9 =	vmpcnt.ones.xlane vm0;
	vm13 =	vlt.s32 v11, $0x32;
	v8 =	vadd.s32 s0, v8  }
0x2f1: {  	v11 =	vmpcnt.ones.xlane vm13;
	vm14 =	vlt.s32 v8, $0x32  }
0x2f2: {  	v6 =	vadd.s32 v6, v9;
	v9 =	vmpcnt.ones.xlane vm14  }
0x2f3: {  	v6 =	vadd.s32 v6, v11  }
0x2f4: {  	v8 =	vxor.u32 $0x80000000, v8;
	v6 =	vadd.s32 v6, v9  }
0x2f5: {  	(xrf0) =	vmax.scan.msk.u32 $0xffff, v8;
	v6 =	vxor.u32 $0x80000000, v6  }
0x2f6: {  	(xrf0) =	vmax.scan.msk.u32 $0xffff, v6;
	_ =	sdelay $0x4  }
0x2f7: {  	v6, _, _ =	vpop (xrf0)  }
0x2f8: {  	(v2sf) =	vpush v6, $0xF;
	v6, _, _ =	vpop (xrf0)  }
0x2f9: {  	(v2sf) =	vpush v6, $0xF;
	_ =	sdelay $0xb  }
0x2fa: {  	s9 =	sadd.s32 $0x10, s9  }
0x2fb: {  	s28 =	simm.s32 $0x10000;
	[tilespmem:s9+$0x0] =	vst v7  }
0x2fc: {  	v8 =	vld [tilespmem:s28+$0x0];
	s30 =	spop (v2sf)  }
0x2fd: {  	s29 =	spop (v2sf)  }
0x2fe: {  	s4 =	simm.s32 $0x0;
	s31 =	sxor.u32 $0x80000000, s29  }
0x2ff: {  	v7 =	vor.u32 s4, v0;
	v6 =	vmov s31  }
0x300: {  	vm15 =	vlt.s32 v7, v6  }
0x301: {  	s4 =	simm.s32 $0x10010;
	s0 =	simm.s32 $0x10;
	v7 =	vimm.s32 $0x0;
	v8 =	vnsel vm15, $0x0, v8  }
.LBB2_30:
0x302: {  	v9 =	vld [tilespmem:s4+$0x0];
	p1 =	sne.s32 s0, $0xF0;
	v7 =	vadd.s32 v7, v8;
	s5 =	smov.u32 s0;
	s0 =	sadd.s32 $0x10, s0  }
.Ltmp20:
0x303: {  	(pc) =	sbr.rel @p1 .LBB2_30-.Ltmp20, $4  }
0x304: {  	_ = 	snop  }
0x305: {  	v8 =	vor.u32 s5, v0  }
0x306: {  	vm0 =	vlt.s32 v8, v6  }
0x307: {  	s4 =	sadd.s32 $0x10, s4;
	v8 =	vnsel vm0, $0x0, v9  }
0x308: {  	v6 =	vadd.s32 v7, v8  }
0x309: {  	(xrf0) =	vadd.scan.msk.s32 $0xffff, v6;
	_ =	sdelay $0x5  }
0x30a: {  	v6, _, _ =	vpop (xrf0)  }
0x30b: {  	(v2sf) =	vpush v6, $0xF;
	_ =	sdelay $0xa  }
.Ltmp21:
0x30c: {  	_ = 	snop;
	(pc) =	sbr.rel @p0 .LBB2_35-.Ltmp21, $2  }
0x30d: {  	_ =	sdelay $0x2  }
0x30e: {  	s28 =	spop (v2sf)  }
0x30f: {  	s4 =	simm.s32 $0xC020  }
0x310: {  	v9 =	vld [tilespmem:s4+$0x10];
	_ =	sdelay $0x1  }
0x311: {  	s0 =	simm.s32 $0x0;
	v7 =	vld [tilespmem:s4+$0xFFFFFFF0]  }
0x312: {  	v6 =	vmov s25;
	s5 =	simm.s32 $0x10;
	s30 =	simm.s32 $0x20;
	s31 =	simm.s32 $0x30;
	v14 =	vor.u32 s0, v0;
	v8 =	vld [tilespmem:s4+$0x0]  }
0x313: {  	v15 =	vld [tilespmem:s4+$0xFFFFFFE0];
	v11 =	vor.u32 s5, v0;
	v16 =	vor.u32 s30, v0;
	v12 =	vor.u32 s31, v0  }
0x314: {  	vm1 =	vlt.s32 v11, v6;
	vm0 =	vlt.s32 v12, v6;
	vm2 =	vlt.s32 v9, v10  }
0x315: {  	p1 =	sgt.u32 s26, $0x4;
	vm3 =	vgt.s32 v9, $0xFFFFFFFF;
	v9 =	vshrl.u32 v9, $0x17;
	vm0 =	vmand vm2, vm0  }
.Ltmp22:
0x316: {  	vm5 =	vlt.s32 v14, v6;
	v9 =	vand.u32 $0xFF, v9;
	vm0 =	vmand vm0, vm3;
	(pc) =	sbr.rel @!p1 .LBB2_34-.Ltmp22, $4  }
0x317: {  	vm6 =	vlt.s32 v16, v6;
	v11 =	vshrl.u32 v7, $0x17;
	v9 =	vor.u32 v2, v9  }
0x318: {  	vm4 =	vlt.s32 v15, v10;
	v13 =	vshrl.u32 v15, $0x17;
	v12 =	vshrl.u32 v8, $0x17  }
0x319: {  	vm2 =	vlt.s32 v7, v10;
	vm4 =	vmand vm4, vm5;
	vm3 =	vlt.s32 v8, v10  }
0x31a: {  	s4 =	simm.s32 $0x4;
	s5 =	simm.s32 $0xC060;
	vm1 =	vmand vm2, vm1;
	vm2 =	vgt.s32 v15, $0xFFFFFFFF;
	vm3 =	vmand vm3, vm6  }
.LBB2_33:
0x31b: {  	v14 =	vld [tilespmem:s5+$0x10];
	s4 =	sadd.s32 $0x4, s4;
	v13 =	vand.u32 $0xFF, v13;
	vm5 =	vgt.s32 v7, $0xFFFFFFFF;
	v11 =	vand.u32 $0xFF, v11  }
0x31c: {  	vm2 =	vmand vm4, vm2;
	vm6 =	vgt.s32 v8, $0xFFFFFFFF;
	v12 =	vand.u32 $0xFF, v12;
	p1 =	slt.u32 s4, s26;
	[tilespmem:v9+s19+$0x0] =	vst.idx.add.s32.msk vm0, v5  }
0x31d: {  	s0 =	sadd.s32 $0x40, s0;
	v9 =	vor.u32 v2, v13;
	vm4 =	vmand vm1, vm5;
	vm1 =	vmand vm3, vm6;
	v7 =	vld [tilespmem:s5+$0xFFFFFFF0]  }
0x31e: {  	v15 =	vor.u32 s0, v0;
	s30 =	sadd.s32 $0x10, s0;
	s31 =	sadd.s32 $0x20, s0;
	s6 =	sadd.s32 $0x30, s0;
	v13 =	vor.u32 v2, v11;
	v16 =	vor.u32 v2, v12;
	v8 =	vld [tilespmem:s5+$0x0]  }
0x31f: {  	v11 =	vor.u32 s30, v0;
	v18 =	vor.u32 s31, v0;
	v12 =	vor.u32 s6, v0;
	v17 =	vld [tilespmem:s5+$0xFFFFFFE0]  }
0x320: {  	vm3 =	vlt.s32 v11, v6;
	vm0 =	vlt.s32 v12, v6;
	vm5 =	vlt.s32 v14, v10  }
0x321: {  	vm6 =	vgt.s32 v14, $0xFFFFFFFF;
	v11 =	vshrl.u32 v14, $0x17;
	vm0 =	vmand vm5, vm0  }
.Ltmp23:
0x322: {  	v12 =	vand.u32 $0xFF, v11;
	vm5 =	vlt.s32 v7, v10;
	vm0 =	vmand vm0, vm6;
	[tilespmem:v9+s19+$0x0] =	vst.idx.add.s32.msk vm2, v5;
	(pc) =	sbr.rel @p1 .LBB2_33-.Ltmp23, $4  }
0x323: {  	v11 =	vshrl.u32 v7, $0x17;
	v9 =	vor.u32 v2, v12;
	vm6 =	vlt.s32 v8, v10;
	[tilespmem:v13+s19+$0x0] =	vst.idx.add.s32.msk vm4, v5  }
0x324: {  	v12 =	vshrl.u32 v8, $0x17;
	vm4 =	vlt.s32 v17, v10;
	v13 =	vshrl.u32 v17, $0x17;
	[tilespmem:v16+s19+$0x0] =	vst.idx.add.s32.msk vm1, v5  }
0x325: {  	vm7 =	vlt.s32 v15, v6;
	vm1 =	vmand vm5, vm3;
	vm3 =	vlt.s32 v18, v6  }
0x326: {  	s5 =	sadd.s32 $0x40, s5;
	vm2 =	vgt.s32 v17, $0xFFFFFFFF;
	vm4 =	vmand vm4, vm7;
	vm3 =	vmand vm6, vm3  }
.LBB2_34:
0x327: {  	v6 =	vand.u32 $0xFF, v13  }
0x328: {  	vm5 =	vgt.s32 v7, $0xFFFFFFFF;
	v7 =	vand.u32 $0xFF, v11;
	vm2 =	vmand vm4, vm2  }
0x329: {  	vm15 =	vgt.s32 v8, $0xFFFFFFFF;
	v6 =	vor.u32 v2, v6;
	vm1 =	vmand vm1, vm5  }
0x32a: {  	v8 =	vand.u32 $0xFF, v12;
	vm3 =	vmand vm3, vm15;
	v7 =	vor.u32 v2, v7  }
0x32b: {  	v8 =	vor.u32 v2, v8;
	_ =	sdelay $0x1  }
0x32c: {  	[tilespmem:v9+s19+$0x0] =	vst.idx.add.s32.msk vm0, v5  }
0x32d: {  	[tilespmem:v6+s19+$0x0] =	vst.idx.add.s32.msk vm2, v5  }
0x32e: {  	[tilespmem:v7+s19+$0x0] =	vst.idx.add.s32.msk vm1, v5  }
0x32f: {  	[tilespmem:v8+s19+$0x0] =	vst.idx.add.s32.msk vm3, v5  }
.LBB2_35:
0x330: {  	p1 =	seq.s32 s26, s23  }
.Ltmp24:
0x331: {  	_ = 	snop;
	(pc) =	sbr.rel @p1 .LBB2_38-.Ltmp24, $1  }
0x332: {  	_ =	sdelay $0x3  }
0x333: {  	s0 =	sshll.u32 s24, $0x2  }
0x334: {  	s0 =	sshra.s32 s0, $0x2  }
0x335: {  	s0 =	sand.u32 $0xFFFFFFC0, s0  }
0x336: {  	v6 =	vmov s25;
	s4 =	sand.u32 $0xFFFFFFC0, s24;
	s5 =	smov.u32 s26;
	s0 =	sadd.s32 $0xC000, s0  }
.LBB2_37:
0x337: {  	v7 =	vld [tilespmem:s0+$0x0];
	_ =	sdelay $0x3  }
0x338: {  	v8 =	vor.u32 s4, v0  }
0x339: {  	vm0 =	vlt.s32 v8, v6;
	vm1 =	vlt.s32 v7, v10  }
0x33a: {  	vm2 =	vgt.s32 v7, $0xFFFFFFFF;
	v7 =	vshrl.u32 v7, $0x17;
	vm0 =	vmand vm1, vm0  }
0x33b: {  	s5 =	sadd.s32 $0x1, s5;
	v7 =	vand.u32 $0xFF, v7;
	vm0 =	vmand vm0, vm2  }
0x33c: {  	p2 =	slt.u32 s5, s23;
	v7 =	vor.u32 v2, v7  }
.Ltmp25:
0x33d: {  	_ = 	snop;
	(pc) =	sbr.rel @p2 .LBB2_37-.Ltmp25, $2  }
0x33e: {  	_ =	sdelay $0x2  }
0x33f: {  	s0 =	sadd.s32 $0x10, s0;
	s4 =	sadd.s32 $0x10, s4;
	[tilespmem:v7+s19+$0x0] =	vst.idx.add.s32.msk vm0, v5  }
.LBB2_38:
.Ltmp26:
0x340: {  	(pc) =	sbr.rel @p0 .LBB2_42-.Ltmp26, $4  }
0x341: {  	_ = 	snop  }
0x342: {  	s29 =	sshll.u32 s29, $0x17  }
0x343: {  	s0 =	sadd.s32 $0x800000, s29  }
0x344: {  	v6 =	vmov s29;
	v7 =	vmov s0  }
0x345: {  	s4 =	simm.s32 $0xC020  }
0x346: {  	v11 =	vld [tilespmem:s4+$0x10];
	_ =	sdelay $0x1  }
0x347: {  	s0 =	simm.s32 $0x0;
	v9 =	vld [tilespmem:s4+$0xFFFFFFF0]  }
0x348: {  	v8 =	vmov s25;
	s5 =	simm.s32 $0x10;
	s6 =	simm.s32 $0x20;
	s30 =	simm.s32 $0x30;
	v15 =	vor.u32 s0, v0;
	v10 =	vld [tilespmem:s4+$0x0]  }
0x349: {  	v16 =	vld [tilespmem:s4+$0xFFFFFFE0];
	v12 =	vor.u32 s5, v0;
	v17 =	vor.u32 s6, v0;
	v13 =	vor.u32 s30, v0  }
0x34a: {  	vm1 =	vlt.s32 v12, v8;
	vm0 =	vlt.s32 v13, v8;
	vm2 =	vlt.s32 v11, v7  }
0x34b: {  	p2 =	sgt.u32 s26, $0x4;
	vm3 =	vge.s32 v11, v6;
	v11 =	vshrl.u32 v11, $0xF;
	vm0 =	vmand vm2, vm0  }
.Ltmp27:
0x34c: {  	vm5 =	vlt.s32 v15, v8;
	v11 =	vand.u32 $0xFF, v11;
	vm0 =	vmand vm0, vm3;
	(pc) =	sbr.rel @!p2 .LBB2_41-.Ltmp27, $4  }
0x34d: {  	vm6 =	vlt.s32 v17, v8;
	v12 =	vshrl.u32 v9, $0xF;
	v11 =	vor.u32 v2, v11  }
0x34e: {  	vm4 =	vlt.s32 v16, v7;
	v14 =	vshrl.u32 v16, $0xF;
	v13 =	vshrl.u32 v10, $0xF  }
0x34f: {  	vm2 =	vlt.s32 v9, v7;
	vm4 =	vmand vm4, vm5;
	vm3 =	vlt.s32 v10, v7  }
0x350: {  	s4 =	simm.s32 $0x4;
	s5 =	simm.s32 $0xC060;
	vm1 =	vmand vm2, vm1;
	vm2 =	vge.s32 v16, v6;
	vm3 =	vmand vm3, vm6  }
.LBB2_40:
0x351: {  	v15 =	vld [tilespmem:s5+$0x10];
	s4 =	sadd.s32 $0x4, s4;
	v14 =	vand.u32 $0xFF, v14;
	vm5 =	vge.s32 v9, v6;
	v12 =	vand.u32 $0xFF, v12  }
0x352: {  	vm2 =	vmand vm4, vm2;
	vm6 =	vge.s32 v10, v6;
	v13 =	vand.u32 $0xFF, v13;
	p2 =	slt.u32 s4, s26;
	[tilespmem:v11+s19+$0x0] =	vst.idx.add.s32.msk vm0, v3  }
0x353: {  	s0 =	sadd.s32 $0x40, s0;
	v11 =	vor.u32 v2, v14;
	vm4 =	vmand vm1, vm5;
	vm1 =	vmand vm3, vm6;
	v9 =	vld [tilespmem:s5+$0xFFFFFFF0]  }
0x354: {  	v16 =	vor.u32 s0, v0;
	s6 =	sadd.s32 $0x10, s0;
	s30 =	sadd.s32 $0x20, s0;
	s31 =	sadd.s32 $0x30, s0;
	v14 =	vor.u32 v2, v12;
	v17 =	vor.u32 v2, v13;
	v10 =	vld [tilespmem:s5+$0x0]  }
0x355: {  	v12 =	vor.u32 s6, v0;
	v19 =	vor.u32 s30, v0;
	v13 =	vor.u32 s31, v0;
	v18 =	vld [tilespmem:s5+$0xFFFFFFE0]  }
0x356: {  	vm3 =	vlt.s32 v12, v8;
	vm0 =	vlt.s32 v13, v8;
	vm5 =	vlt.s32 v15, v7  }
0x357: {  	vm6 =	vge.s32 v15, v6;
	v12 =	vshrl.u32 v15, $0xF;
	vm0 =	vmand vm5, vm0  }
.Ltmp28:
0x358: {  	v13 =	vand.u32 $0xFF, v12;
	vm5 =	vlt.s32 v9, v7;
	vm0 =	vmand vm0, vm6;
	[tilespmem:v11+s19+$0x0] =	vst.idx.add.s32.msk vm2, v3;
	(pc) =	sbr.rel @p2 .LBB2_40-.Ltmp28, $4  }
0x359: {  	v12 =	vshrl.u32 v9, $0xF;
	v11 =	vor.u32 v2, v13;
	vm6 =	vlt.s32 v10, v7;
	[tilespmem:v14+s19+$0x0] =	vst.idx.add.s32.msk vm4, v3  }
0x35a: {  	v13 =	vshrl.u32 v10, $0xF;
	vm4 =	vlt.s32 v18, v7;
	v14 =	vshrl.u32 v18, $0xF;
	[tilespmem:v17+s19+$0x0] =	vst.idx.add.s32.msk vm1, v3  }
0x35b: {  	vm7 =	vlt.s32 v16, v8;
	vm1 =	vmand vm5, vm3;
	vm3 =	vlt.s32 v19, v8  }
0x35c: {  	s5 =	sadd.s32 $0x40, s5;
	vm2 =	vge.s32 v18, v6;
	vm4 =	vmand vm4, vm7;
	vm3 =	vmand vm6, vm3  }
.LBB2_41:
0x35d: {  	v8 =	vand.u32 $0xFF, v14  }
0x35e: {  	vm5 =	vge.s32 v9, v6;
	v62 =	vand.u32 $0xFF, v12;
	vm2 =	vmand vm4, vm2  }
0x35f: {  	vm15 =	vge.s32 v10, v6;
	v8 =	vor.u32 v2, v8;
	vm1 =	vmand vm1, vm5  }
0x360: {  	v63 =	vand.u32 $0xFF, v13;
	vm3 =	vmand vm3, vm15;
	v9 =	vor.u32 v2, v62  }
0x361: {  	v10 =	vor.u32 v2, v63;
	_ =	sdelay $0x1  }
0x362: {  	[tilespmem:v11+s19+$0x0] =	vst.idx.add.s32.msk vm0, v3  }
0x363: {  	[tilespmem:v8+s19+$0x0] =	vst.idx.add.s32.msk vm2, v3  }
0x364: {  	[tilespmem:v9+s19+$0x0] =	vst.idx.add.s32.msk vm1, v3  }
0x365: {  	[tilespmem:v10+s19+$0x0] =	vst.idx.add.s32.msk vm3, v3  }
.LBB2_42:
.Ltmp29:
0x366: {  	(pc) =	sbr.rel @p1 .LBB2_45-.Ltmp29, $1  }
0x367: {  	_ =	sdelay $0x3  }
0x368: {  	s0 =	sshll.u32 s24, $0x2  }
0x369: {  	s0 =	sshra.s32 s0, $0x2  }
0x36a: {  	s0 =	sand.u32 $0xFFFFFFC0, s0  }
0x36b: {  	v8 =	vmov s25;
	s4 =	sand.u32 $0xFFFFFFC0, s24;
	s5 =	smov.u32 s26;
	s0 =	sadd.s32 $0xC000, s0  }
.LBB2_44:
0x36c: {  	v9 =	vld [tilespmem:s0+$0x0];
	_ =	sdelay $0x3  }
0x36d: {  	v10 =	vor.u32 s4, v0  }
0x36e: {  	vm0 =	vlt.s32 v10, v8;
	vm1 =	vlt.s32 v9, v7  }
0x36f: {  	vm2 =	vge.s32 v9, v6;
	v9 =	vshrl.u32 v9, $0xF;
	vm0 =	vmand vm1, vm0  }
0x370: {  	s5 =	sadd.s32 $0x1, s5;
	v9 =	vand.u32 $0xFF, v9;
	vm0 =	vmand vm0, vm2  }
0x371: {  	p2 =	slt.u32 s5, s23;
	v9 =	vor.u32 v2, v9  }
.Ltmp30:
0x372: {  	_ = 	snop;
	(pc) =	sbr.rel @p2 .LBB2_44-.Ltmp30, $2  }
0x373: {  	_ =	sdelay $0x2  }
0x374: {  	s0 =	sadd.s32 $0x10, s0;
	s4 =	sadd.s32 $0x10, s4;
	[tilespmem:v9+s19+$0x0] =	vst.idx.add.s32.msk vm0, v3  }
.LBB2_45:
0x375: {  	s7 =	simm.s32 $0x0;
	s5 =	simm.s32 $0xE000  }
0x376: {  	s6 =	sand.u32 $0xF0, s7;
	v11 =	vld [tilespmem:s5+$0x0]  }
0x377: {  	v10 =	vld [tilespmem:s6+$0xE100]  }
0x378: {  	v12 =	vld [tilespmem:s6+$0xE200]  }
0x379: {  	v13 =	vld [tilespmem:s6+$0xE300]  }
0x37a: {  	v14 =	vld [tilespmem:s6+$0xE400]  }
0x37b: {  	v15 =	vld [tilespmem:s6+$0xE500]  }
0x37c: {  	v10 =	vadd.s32 v11, v10;
	v11 =	vld [tilespmem:s6+$0xE600]  }
0x37d: {  	v42 =	vld [tilespmem:s6+$0xE700];
	v10 =	vadd.s32 v12, v10  }
0x37e: {  	v43 =	vld [tilespmem:s6+$0xE800];
	v10 =	vadd.s32 v13, v10  }
0x37f: {  	v44 =	vld [tilespmem:s6+$0xE900];
	v10 =	vadd.s32 v14, v10  }
0x380: {  	v45 =	vld [tilespmem:s6+$0xEA00];
	v10 =	vadd.s32 v15, v10  }
0x381: {  	v10 =	vadd.s32 v11, v10;
	v11 =	vld [tilespmem:s6+$0xEB00]  }
0x382: {  	v46 =	vld [tilespmem:s6+$0xEC00];
	v10 =	vadd.s32 v42, v10  }
0x383: {  	v47 =	vld [tilespmem:s6+$0xED00];
	v10 =	vadd.s32 v43, v10  }
0x384: {  	v48 =	vld [tilespmem:s6+$0xEE00];
	v10 =	vadd.s32 v44, v10  }
0x385: {  	v49 =	vld [tilespmem:s6+$0xEF00];
	v10 =	vadd.s32 v45, v10  }
0x386: {  	v10 =	vadd.s32 v11, v10  }
0x387: {  	v10 =	vadd.s32 v46, v10  }
0x388: {  	v10 =	vadd.s32 v47, v10  }
0x389: {  	v10 =	vadd.s32 v48, v10  }
0x38a: {  	v10 =	vadd.s32 v49, v10  }
0x38b: {  	(xrf0) =	vadd.scan.msk.s32 $0xffff, v10;
	_ =	sdelay $0x2  }
0x38c: {  	s4 =	simm.s32 $0x10000;
	s9 =	simm.s32 $0x10  }
0x38d: {  	s5 =	sand.u32 $0xF0, s9;
	[tilespmem:s4+$0x0] =	vst v10  }
0x38e: {  	s4 =	simm.s32 $0xE010;
	v11 =	vld [tilespmem:s5+$0xE100]  }
0x38f: {  	v50 =	vld [tilespmem:s4+$0x0];
	v16, _, _ =	vpop (xrf0)  }
0x390: {  	v51 =	vld [tilespmem:s5+$0xE200];
	v16 =	vadd.s32 s7, v16  }
0x391: {  	v52 =	vld [tilespmem:s5+$0xE300];
	v17 =	vxor.u32 $0x80000000, v16  }
0x392: {  	v10 =	vld [tilespmem:s5+$0xE400];
	(xrf0) =	vmax.scan.msk.u32 $0xffff, v17  }
0x393: {  	v53 =	vld [tilespmem:s5+$0xE500]  }
0x394: {  	v54 =	vld [tilespmem:s5+$0xE600];
	v11 =	vadd.s32 v50, v11  }
0x395: {  	v55 =	vld [tilespmem:s5+$0xE700];
	v11 =	vadd.s32 v51, v11  }
0x396: {  	v56 =	vld [tilespmem:s5+$0xE800];
	v11 =	vadd.s32 v52, v11  }
0x397: {  	v10 =	vadd.s32 v10, v11;
	v11 =	vld [tilespmem:s5+$0xE900]  }
0x398: {  	v57 =	vld [tilespmem:s5+$0xEA00];
	v10 =	vadd.s32 v53, v10;
	v63, _, _ =	vpop (xrf0)  }
0x399: {  	v58 =	vld [tilespmem:s5+$0xEB00];
	v10 =	vadd.s32 v54, v10;
	(v2sf) =	vpush v63, $0xF  }
0x39a: {  	v59 =	vld [tilespmem:s5+$0xEC00];
	v10 =	vadd.s32 v55, v10  }
0x39b: {  	v60 =	vld [tilespmem:s5+$0xED00];
	v10 =	vadd.s32 v56, v10  }
0x39c: {  	v10 =	vadd.s32 v11, v10;
	v11 =	vld [tilespmem:s5+$0xEE00]  }
0x39d: {  	s0 =	ssub.s32 $0x32, s28;
	v61 =	vld [tilespmem:s5+$0xEF00];
	v10 =	vadd.s32 v57, v10  }
0x39e: {  	v8 =	vmov s0;
	v10 =	vadd.s32 v58, v10  }
0x39f: {  	vm0 =	vlt.s32 v16, v8;
	v10 =	vadd.s32 v59, v10  }
0x3a0: {  	v62 =	vmpcnt.ones.xlane vm0;
	v10 =	vadd.s32 v60, v10  }
0x3a1: {  	v9 =	vimm.s32 $0x0;
	s31 =	simm.s32 $0x40;
	v10 =	vadd.s32 v11, v10  }
0x3a2: {  	s30 =	simm.s32 $0x10010;
	s0 =	simm.s32 $0x30;
	v9 =	vadd.s32 v9, v62;
	s5 =	simm.s32 $0x20;
	v10 =	vadd.s32 v61, v10  }
.LBB2_46:
0x3a3: {  	p2 =	sne.s32 s31, $0xF0;
	[tilespmem:s30+$0x0] =	vst v10;
	(xrf0) =	vadd.scan.msk.s32 $0xffff, v10;
	_ =	sdelay $0x3  }
0x3a4: {  	s6 =	sand.u32 $0xF0, s5;
	s5 =	smov.u32 s0;
	s0 =	smov.u32 s31  }
0x3a5: {  	s4 =	sadd.s32 $0x10, s4;
	v10 =	vld [tilespmem:s6+$0xE100];
	s7 =	spop (v2sf)  }
0x3a6: {  	v11 =	vld [tilespmem:s4+$0x0];
	v12, _, _ =	vpop (xrf0);
	s7 =	sxor.u32 $0x80000000, s7  }
0x3a7: {  	v13 =	vld [tilespmem:s6+$0xE200];
	v12 =	vadd.s32 s7, v12  }
0x3a8: {  	v14 =	vld [tilespmem:s6+$0xE300];
	vm0 =	vlt.s32 v12, v8;
	v12 =	vxor.u32 $0x80000000, v12  }
0x3a9: {  	v15 =	vld [tilespmem:s6+$0xE400];
	v16 =	vmpcnt.ones.xlane vm0;
	(xrf0) =	vmax.scan.msk.u32 $0xffff, v12  }
0x3aa: {  	v12 =	vld [tilespmem:s6+$0xE500]  }
0x3ab: {  	v10 =	vadd.s32 v11, v10;
	v11 =	vld [tilespmem:s6+$0xE600];
	v9 =	vadd.s32 v9, v16  }
0x3ac: {  	v10 =	vadd.s32 v13, v10;
	v13 =	vld [tilespmem:s6+$0xE700]  }
0x3ad: {  	v10 =	vadd.s32 v14, v10;
	v14 =	vld [tilespmem:s6+$0xE800]  }
0x3ae: {  	v10 =	vadd.s32 v15, v10;
	v15 =	vld [tilespmem:s6+$0xE900]  }
0x3af: {  	v10 =	vadd.s32 v12, v10;
	v12 =	vld [tilespmem:s6+$0xEA00];
	v16, _, _ =	vpop (xrf0)  }
0x3b0: {  	v10 =	vadd.s32 v11, v10;
	v11 =	vld [tilespmem:s6+$0xEB00];
	(v2sf) =	vpush v16, $0xF  }
0x3b1: {  	v10 =	vadd.s32 v13, v10;
	v13 =	vld [tilespmem:s6+$0xEC00]  }
0x3b2: {  	v10 =	vadd.s32 v14, v10;
	v14 =	vld [tilespmem:s6+$0xED00]  }
0x3b3: {  	v10 =	vadd.s32 v15, v10;
	v15 =	vld [tilespmem:s6+$0xEE00]  }
0x3b4: {  	v10 =	vadd.s32 v12, v10;
	v12 =	vld [tilespmem:s6+$0xEF00]  }
.Ltmp31:
0x3b5: {  	v10 =	vadd.s32 v11, v10;
	(pc) =	sbr.rel @p2 .LBB2_46-.Ltmp31, $4  }
0x3b6: {  	v10 =	vadd.s32 v13, v10  }
0x3b7: {  	v10 =	vadd.s32 v14, v10  }
0x3b8: {  	v10 =	vadd.s32 v15, v10  }
0x3b9: {  	s31 =	sadd.s32 $0x10, s31;
	s30 =	sadd.s32 $0x10, s30;
	v10 =	vadd.s32 v12, v10  }
0x3ba: {  	(xrf0) =	vadd.scan.msk.s32 $0xffff, v10;
	_ =	sdelay $0x3  }
0x3bb: {  	[tilespmem:s30+$0x0] =	vst v10;
	s5 =	sand.u32 $0xF0, s5  }
0x3bc: {  	s6 =	sadd.s32 $0x10, s4;
	v10 =	vld [tilespmem:s5+$0xE100];
	s9 =	spop (v2sf)  }
0x3bd: {  	v11 =	vld [tilespmem:s6+$0x0];
	v12, _, _ =	vpop (xrf0);
	s4 =	sxor.u32 $0x80000000, s9  }
0x3be: {  	v13 =	vld [tilespmem:s5+$0xE200];
	v12 =	vadd.s32 s4, v12  }
0x3bf: {  	v14 =	vld [tilespmem:s5+$0xE300];
	v15 =	vxor.u32 $0x80000000, v12  }
0x3c0: {  	v16 =	vld [tilespmem:s5+$0xE400];
	(xrf0) =	vmax.scan.msk.u32 $0xffff, v15  }
0x3c1: {  	v41 =	vld [tilespmem:s5+$0xE500]  }
0x3c2: {  	v10 =	vadd.s32 v11, v10;
	v11 =	vld [tilespmem:s5+$0xE600]  }
0x3c3: {  	v42 =	vld [tilespmem:s5+$0xE700];
	v10 =	vadd.s32 v13, v10  }
0x3c4: {  	v43 =	vld [tilespmem:s5+$0xE800];
	v10 =	vadd.s32 v14, v10  }
0x3c5: {  	v44 =	vld [tilespmem:s5+$0xE900];
	v10 =	vadd.s32 v16, v10  }
0x3c6: {  	v45 =	vld [tilespmem:s5+$0xEA00];
	v10 =	vadd.s32 v41, v10;
	v17, _, _ =	vpop (xrf0)  }
0x3c7: {  	v10 =	vadd.s32 v11, v10;
	v11 =	vld [tilespmem:s5+$0xEB00];
	(v2sf) =	vpush v17, $0xF  }
0x3c8: {  	v46 =	vld [tilespmem:s5+$0xEC00];
	v10 =	vadd.s32 v42, v10  }
0x3c9: {  	v47 =	vld [tilespmem:s5+$0xED00];
	v10 =	vadd.s32 v43, v10  }
0x3ca: {  	v48 =	vld [tilespmem:s5+$0xEE00];
	v10 =	vadd.s32 v44, v10  }
0x3cb: {  	v49 =	vld [tilespmem:s5+$0xEF00];
	v10 =	vadd.s32 v45, v10  }
0x3cc: {  	v10 =	vadd.s32 v11, v10  }
0x3cd: {  	v10 =	vadd.s32 v46, v10  }
0x3ce: {  	v10 =	vadd.s32 v47, v10  }
0x3cf: {  	v10 =	vadd.s32 v48, v10  }
0x3d0: {  	v10 =	vadd.s32 v49, v10  }
0x3d1: {  	(xrf0) =	vadd.scan.msk.s32 $0xffff, v10;
	_ =	sdelay $0x2  }
0x3d2: {  	s4 =	sadd.s32 $0x10, s30  }
0x3d3: {  	s0 =	sand.u32 $0xF0, s0;
	[tilespmem:s4+$0x0] =	vst v10  }
0x3d4: {  	s7 =	sadd.s32 $0x10, s6;
	v10 =	vld [tilespmem:s0+$0xE100];
	s9 =	spop (v2sf)  }
0x3d5: {  	v11 =	vld [tilespmem:s7+$0x0];
	v50, _, _ =	vpop (xrf0);
	s30 =	sxor.u32 $0x80000000, s9  }
0x3d6: {  	v51 =	vld [tilespmem:s0+$0xE200];
	v13 =	vadd.s32 s30, v50  }
0x3d7: {  	v52 =	vld [tilespmem:s0+$0xE300];
	v53 =	vxor.u32 $0x80000000, v13  }
0x3d8: {  	v54 =	vld [tilespmem:s0+$0xE400];
	(xrf0) =	vmax.scan.msk.u32 $0xffff, v53  }
0x3d9: {  	v55 =	vld [tilespmem:s0+$0xE500]  }
0x3da: {  	v10 =	vadd.s32 v11, v10;
	v11 =	vld [tilespmem:s0+$0xE600]  }
0x3db: {  	v56 =	vld [tilespmem:s0+$0xE700];
	v10 =	vadd.s32 v51, v10  }
0x3dc: {  	v57 =	vld [tilespmem:s0+$0xE800];
	v10 =	vadd.s32 v52, v10  }
0x3dd: {  	v58 =	vld [tilespmem:s0+$0xE900];
	v10 =	vadd.s32 v54, v10  }
0x3de: {  	v59 =	vld [tilespmem:s0+$0xEA00];
	v10 =	vadd.s32 v55, v10;
	v18, _, _ =	vpop (xrf0)  }
0x3df: {  	v10 =	vadd.s32 v11, v10;
	v11 =	vld [tilespmem:s0+$0xEB00];
	(v2sf) =	vpush v18, $0xF  }
0x3e0: {  	v60 =	vld [tilespmem:s0+$0xEC00];
	v10 =	vadd.s32 v56, v10  }
0x3e1: {  	v61 =	vld [tilespmem:s0+$0xED00];
	v10 =	vadd.s32 v57, v10  }
0x3e2: {  	v62 =	vld [tilespmem:s0+$0xEE00];
	v10 =	vadd.s32 v58, v10  }
0x3e3: {  	v63 =	vld [tilespmem:s0+$0xEF00];
	v10 =	vadd.s32 v59, v10  }
0x3e4: {  	v10 =	vadd.s32 v11, v10  }
0x3e5: {  	v10 =	vadd.s32 v60, v10  }
0x3e6: {  	v10 =	vadd.s32 v61, v10  }
0x3e7: {  	v10 =	vadd.s32 v62, v10  }
0x3e8: {  	v10 =	vadd.s32 v63, v10  }
0x3e9: {  	(xrf0) =	vadd.scan.msk.s32 $0xffff, v10;
	_ =	sdelay $0x4  }
0x3ea: {  	s5 =	spop (v2sf)  }
0x3eb: {  	vm0 =	vlt.s32 v12, v8;
	v11, _, _ =	vpop (xrf0);
	s0 =	sxor.u32 $0x80000000, s5  }
0x3ec: {  	v12 =	vmpcnt.ones.xlane vm0;
	vm13 =	vlt.s32 v13, v8;
	v11 =	vadd.s32 s0, v11  }
0x3ed: {  	v13 =	vmpcnt.ones.xlane vm13;
	vm14 =	vlt.s32 v11, v8  }
0x3ee: {  	v8 =	vadd.s32 v9, v12;
	v9 =	vmpcnt.ones.xlane vm14  }
0x3ef: {  	v8 =	vadd.s32 v8, v13  }
0x3f0: {  	v11 =	vxor.u32 $0x80000000, v11;
	v8 =	vadd.s32 v8, v9  }
0x3f1: {  	(xrf0) =	vmax.scan.msk.u32 $0xffff, v11;
	v8 =	vxor.u32 $0x80000000, v8  }
0x3f2: {  	(xrf0) =	vmax.scan.msk.u32 $0xffff, v8;
	_ =	sdelay $0x4  }
0x3f3: {  	v8, _, _ =	vpop (xrf0)  }
0x3f4: {  	(v2sf) =	vpush v8, $0xF;
	v8, _, _ =	vpop (xrf0)  }
0x3f5: {  	(v2sf) =	vpush v8, $0xF;
	_ =	sdelay $0xb  }
0x3f6: {  	s6 =	sadd.s32 $0x10, s4  }
0x3f7: {  	s7 =	simm.s32 $0x10000;
	[tilespmem:s6+$0x0] =	vst v10  }
0x3f8: {  	v10 =	vld [tilespmem:s7+$0x0];
	s9 =	spop (v2sf)  }
0x3f9: {  	s31 =	spop (v2sf)  }
0x3fa: {  	s4 =	simm.s32 $0x0;
	s30 =	sxor.u32 $0x80000000, s31  }
0x3fb: {  	v9 =	vor.u32 s4, v0;
	v8 =	vmov s30  }
0x3fc: {  	vm15 =	vlt.s32 v9, v8  }
0x3fd: {  	s0 =	simm.s32 $0x10;
	s4 =	simm.s32 $0x10010;
	v9 =	vimm.s32 $0x0;
	v10 =	vnsel vm15, $0x0, v10  }
.LBB2_48:
0x3fe: {  	v11 =	vld [tilespmem:s4+$0x0];
	p2 =	sne.s32 s0, $0xF0;
	v9 =	vadd.s32 v9, v10;
	s5 =	smov.u32 s0;
	s0 =	sadd.s32 $0x10, s0  }
.Ltmp32:
0x3ff: {  	(pc) =	sbr.rel @p2 .LBB2_48-.Ltmp32, $4  }
0x400: {  	_ = 	snop  }
0x401: {  	v10 =	vor.u32 s5, v0  }
0x402: {  	vm0 =	vlt.s32 v10, v8  }
0x403: {  	s4 =	sadd.s32 $0x10, s4;
	v10 =	vnsel vm0, $0x0, v11  }
0x404: {  	v8 =	vadd.s32 v9, v10  }
0x405: {  	(xrf0) =	vadd.scan.msk.s32 $0xffff, v8;
	_ =	sdelay $0x5  }
0x406: {  	v8, _, _ =	vpop (xrf0)  }
0x407: {  	(v2sf) =	vpush v8, $0xF;
	_ =	sdelay $0xa  }
.Ltmp33:
0x408: {  	_ = 	snop;
	(pc) =	sbr.rel @p0 .LBB2_53-.Ltmp33, $2  }
0x409: {  	_ =	sdelay $0x2  }
0x40a: {  	s30 =	spop (v2sf)  }
0x40b: {  	s4 =	simm.s32 $0xC020  }
0x40c: {  	v11 =	vld [tilespmem:s4+$0x10];
	_ =	sdelay $0x1  }
0x40d: {  	s0 =	simm.s32 $0x0;
	v9 =	vld [tilespmem:s4+$0xFFFFFFF0]  }
0x40e: {  	v8 =	vmov s25;
	s5 =	simm.s32 $0x10;
	s6 =	simm.s32 $0x20;
	s7 =	simm.s32 $0x30;
	v15 =	vor.u32 s0, v0;
	v10 =	vld [tilespmem:s4+$0x0]  }
0x40f: {  	v16 =	vld [tilespmem:s4+$0xFFFFFFE0];
	v12 =	vor.u32 s5, v0;
	v17 =	vor.u32 s6, v0;
	v13 =	vor.u32 s7, v0  }
0x410: {  	vm1 =	vlt.s32 v12, v8;
	vm0 =	vlt.s32 v13, v8;
	vm2 =	vlt.s32 v11, v7  }
0x411: {  	p2 =	sgt.u32 s26, $0x4;
	vm3 =	vge.s32 v11, v6;
	v11 =	vshrl.u32 v11, $0xF;
	vm0 =	vmand vm2, vm0  }
.Ltmp34:
0x412: {  	vm5 =	vlt.s32 v15, v8;
	v11 =	vand.u32 $0xFF, v11;
	vm0 =	vmand vm0, vm3;
	(pc) =	sbr.rel @!p2 .LBB2_52-.Ltmp34, $4  }
0x413: {  	vm6 =	vlt.s32 v17, v8;
	v12 =	vshrl.u32 v9, $0xF;
	v11 =	vor.u32 v2, v11  }
0x414: {  	vm4 =	vlt.s32 v16, v7;
	v14 =	vshrl.u32 v16, $0xF;
	v13 =	vshrl.u32 v10, $0xF  }
0x415: {  	vm2 =	vlt.s32 v9, v7;
	vm4 =	vmand vm4, vm5;
	vm3 =	vlt.s32 v10, v7  }
0x416: {  	s4 =	simm.s32 $0x4;
	s5 =	simm.s32 $0xC060;
	vm1 =	vmand vm2, vm1;
	vm2 =	vge.s32 v16, v6;
	vm3 =	vmand vm3, vm6  }
.LBB2_51:
0x417: {  	v15 =	vld [tilespmem:s5+$0x10];
	s4 =	sadd.s32 $0x4, s4;
	v14 =	vand.u32 $0xFF, v14;
	vm5 =	vge.s32 v9, v6;
	v12 =	vand.u32 $0xFF, v12  }
0x418: {  	vm2 =	vmand vm4, vm2;
	vm6 =	vge.s32 v10, v6;
	v13 =	vand.u32 $0xFF, v13;
	p2 =	slt.u32 s4, s26;
	[tilespmem:v11+s19+$0x0] =	vst.idx.add.s32.msk vm0, v5  }
0x419: {  	s0 =	sadd.s32 $0x40, s0;
	v11 =	vor.u32 v2, v14;
	vm4 =	vmand vm1, vm5;
	vm1 =	vmand vm3, vm6;
	v9 =	vld [tilespmem:s5+$0xFFFFFFF0]  }
0x41a: {  	v16 =	vor.u32 s0, v0;
	s6 =	sadd.s32 $0x10, s0;
	s7 =	sadd.s32 $0x20, s0;
	s9 =	sadd.s32 $0x30, s0;
	v14 =	vor.u32 v2, v12;
	v17 =	vor.u32 v2, v13;
	v10 =	vld [tilespmem:s5+$0x0]  }
0x41b: {  	v12 =	vor.u32 s6, v0;
	v19 =	vor.u32 s7, v0;
	v13 =	vor.u32 s9, v0;
	v18 =	vld [tilespmem:s5+$0xFFFFFFE0]  }
0x41c: {  	vm3 =	vlt.s32 v12, v8;
	vm0 =	vlt.s32 v13, v8;
	vm5 =	vlt.s32 v15, v7  }
0x41d: {  	vm6 =	vge.s32 v15, v6;
	v12 =	vshrl.u32 v15, $0xF;
	vm0 =	vmand vm5, vm0  }
.Ltmp35:
0x41e: {  	v13 =	vand.u32 $0xFF, v12;
	vm5 =	vlt.s32 v9, v7;
	vm0 =	vmand vm0, vm6;
	[tilespmem:v11+s19+$0x0] =	vst.idx.add.s32.msk vm2, v5;
	(pc) =	sbr.rel @p2 .LBB2_51-.Ltmp35, $4  }
0x41f: {  	v12 =	vshrl.u32 v9, $0xF;
	v11 =	vor.u32 v2, v13;
	vm6 =	vlt.s32 v10, v7;
	[tilespmem:v14+s19+$0x0] =	vst.idx.add.s32.msk vm4, v5  }
0x420: {  	v13 =	vshrl.u32 v10, $0xF;
	vm4 =	vlt.s32 v18, v7;
	v14 =	vshrl.u32 v18, $0xF;
	[tilespmem:v17+s19+$0x0] =	vst.idx.add.s32.msk vm1, v5  }
0x421: {  	vm7 =	vlt.s32 v16, v8;
	vm1 =	vmand vm5, vm3;
	vm3 =	vlt.s32 v19, v8  }
0x422: {  	s5 =	sadd.s32 $0x40, s5;
	vm2 =	vge.s32 v18, v6;
	vm4 =	vmand vm4, vm7;
	vm3 =	vmand vm6, vm3  }
.LBB2_52:
0x423: {  	v8 =	vand.u32 $0xFF, v14  }
0x424: {  	vm5 =	vge.s32 v9, v6;
	v62 =	vand.u32 $0xFF, v12;
	vm2 =	vmand vm4, vm2  }
0x425: {  	vm15 =	vge.s32 v10, v6;
	v8 =	vor.u32 v2, v8;
	vm1 =	vmand vm1, vm5  }
0x426: {  	v63 =	vand.u32 $0xFF, v13;
	vm3 =	vmand vm3, vm15;
	v9 =	vor.u32 v2, v62  }
0x427: {  	v10 =	vor.u32 v2, v63;
	_ =	sdelay $0x1  }
0x428: {  	[tilespmem:v11+s19+$0x0] =	vst.idx.add.s32.msk vm0, v5  }
0x429: {  	[tilespmem:v8+s19+$0x0] =	vst.idx.add.s32.msk vm2, v5  }
0x42a: {  	[tilespmem:v9+s19+$0x0] =	vst.idx.add.s32.msk vm1, v5  }
0x42b: {  	[tilespmem:v10+s19+$0x0] =	vst.idx.add.s32.msk vm3, v5  }
.LBB2_53:
.Ltmp36:
0x42c: {  	(pc) =	sbr.rel @p1 .LBB2_56-.Ltmp36, $1  }
0x42d: {  	_ =	sdelay $0x3  }
0x42e: {  	s0 =	sshll.u32 s24, $0x2  }
0x42f: {  	s0 =	sshra.s32 s0, $0x2  }
0x430: {  	s0 =	sand.u32 $0xFFFFFFC0, s0  }
0x431: {  	v8 =	vmov s25;
	s4 =	sand.u32 $0xFFFFFFC0, s24;
	s5 =	smov.u32 s26;
	s0 =	sadd.s32 $0xC000, s0  }
.LBB2_55:
0x432: {  	v9 =	vld [tilespmem:s0+$0x0];
	_ =	sdelay $0x3  }
0x433: {  	v10 =	vor.u32 s4, v0  }
0x434: {  	vm0 =	vlt.s32 v10, v8;
	vm1 =	vlt.s32 v9, v7  }
0x435: {  	vm2 =	vge.s32 v9, v6;
	v9 =	vshrl.u32 v9, $0xF;
	vm0 =	vmand vm1, vm0  }
0x436: {  	s5 =	sadd.s32 $0x1, s5;
	v9 =	vand.u32 $0xFF, v9;
	vm0 =	vmand vm0, vm2  }
0x437: {  	p2 =	slt.u32 s5, s23;
	v9 =	vor.u32 v2, v9  }
.Ltmp37:
0x438: {  	_ = 	snop;
	(pc) =	sbr.rel @p2 .LBB2_55-.Ltmp37, $2  }
0x439: {  	_ =	sdelay $0x2  }
0x43a: {  	s0 =	sadd.s32 $0x10, s0;
	s4 =	sadd.s32 $0x10, s4;
	[tilespmem:v9+s19+$0x0] =	vst.idx.add.s32.msk vm0, v5  }
.LBB2_56:
.Ltmp38:
0x43b: {  	(pc) =	sbr.rel @p0 .LBB2_60-.Ltmp38, $4  }
0x43c: {  	s0 =	sshll.u32 s31, $0xF  }
0x43d: {  	s29 =	sadd.s32 s29, s0  }
0x43e: {  	s0 =	sadd.s32 $0x8000, s29  }
0x43f: {  	v6 =	vmov s29;
	v7 =	vmov s0  }
0x440: {  	s4 =	simm.s32 $0xC020  }
0x441: {  	v11 =	vld [tilespmem:s4+$0x10];
	_ =	sdelay $0x1  }
0x442: {  	s0 =	simm.s32 $0x0;
	v9 =	vld [tilespmem:s4+$0xFFFFFFF0]  }
0x443: {  	v8 =	vmov s25;
	s5 =	simm.s32 $0x10;
	s6 =	simm.s32 $0x20;
	s7 =	simm.s32 $0x30;
	v15 =	vor.u32 s0, v0;
	v10 =	vld [tilespmem:s4+$0x0]  }
0x444: {  	v16 =	vld [tilespmem:s4+$0xFFFFFFE0];
	v12 =	vor.u32 s5, v0;
	v17 =	vor.u32 s6, v0;
	v13 =	vor.u32 s7, v0  }
0x445: {  	vm1 =	vlt.s32 v12, v8;
	vm0 =	vlt.s32 v13, v8;
	vm2 =	vlt.s32 v11, v7  }
0x446: {  	p2 =	sgt.u32 s26, $0x4;
	vm3 =	vge.s32 v11, v6;
	v11 =	vshrl.u32 v11, $0x7;
	vm0 =	vmand vm2, vm0  }
.Ltmp39:
0x447: {  	vm5 =	vlt.s32 v15, v8;
	v11 =	vand.u32 $0xFF, v11;
	vm0 =	vmand vm0, vm3;
	(pc) =	sbr.rel @!p2 .LBB2_59-.Ltmp39, $4  }
0x448: {  	vm6 =	vlt.s32 v17, v8;
	v12 =	vshrl.u32 v9, $0x7;
	v11 =	vor.u32 v2, v11  }
0x449: {  	vm4 =	vlt.s32 v16, v7;
	v14 =	vshrl.u32 v16, $0x7;
	v13 =	vshrl.u32 v10, $0x7  }
0x44a: {  	vm2 =	vlt.s32 v9, v7;
	vm4 =	vmand vm4, vm5;
	vm3 =	vlt.s32 v10, v7  }
0x44b: {  	s4 =	simm.s32 $0x4;
	s5 =	simm.s32 $0xC060;
	vm1 =	vmand vm2, vm1;
	vm2 =	vge.s32 v16, v6;
	vm3 =	vmand vm3, vm6  }
.LBB2_58:
0x44c: {  	v15 =	vld [tilespmem:s5+$0x10];
	s4 =	sadd.s32 $0x4, s4;
	v14 =	vand.u32 $0xFF, v14;
	vm5 =	vge.s32 v9, v6;
	v12 =	vand.u32 $0xFF, v12  }
0x44d: {  	vm2 =	vmand vm4, vm2;
	vm6 =	vge.s32 v10, v6;
	v13 =	vand.u32 $0xFF, v13;
	p2 =	slt.u32 s4, s26;
	[tilespmem:v11+s19+$0x0] =	vst.idx.add.s32.msk vm0, v3  }
0x44e: {  	s0 =	sadd.s32 $0x40, s0;
	v11 =	vor.u32 v2, v14;
	vm4 =	vmand vm1, vm5;
	vm1 =	vmand vm3, vm6;
	v9 =	vld [tilespmem:s5+$0xFFFFFFF0]  }
0x44f: {  	v16 =	vor.u32 s0, v0;
	s6 =	sadd.s32 $0x10, s0;
	s7 =	sadd.s32 $0x20, s0;
	s9 =	sadd.s32 $0x30, s0;
	v14 =	vor.u32 v2, v12;
	v17 =	vor.u32 v2, v13;
	v10 =	vld [tilespmem:s5+$0x0]  }
0x450: {  	v12 =	vor.u32 s6, v0;
	v19 =	vor.u32 s7, v0;
	v13 =	vor.u32 s9, v0;
	v18 =	vld [tilespmem:s5+$0xFFFFFFE0]  }
0x451: {  	vm3 =	vlt.s32 v12, v8;
	vm0 =	vlt.s32 v13, v8;
	vm5 =	vlt.s32 v15, v7  }
0x452: {  	vm6 =	vge.s32 v15, v6;
	v12 =	vshrl.u32 v15, $0x7;
	vm0 =	vmand vm5, vm0  }
.Ltmp40:
0x453: {  	v13 =	vand.u32 $0xFF, v12;
	vm5 =	vlt.s32 v9, v7;
	vm0 =	vmand vm0, vm6;
	[tilespmem:v11+s19+$0x0] =	vst.idx.add.s32.msk vm2, v3;
	(pc) =	sbr.rel @p2 .LBB2_58-.Ltmp40, $4  }
0x454: {  	v12 =	vshrl.u32 v9, $0x7;
	v11 =	vor.u32 v2, v13;
	vm6 =	vlt.s32 v10, v7;
	[tilespmem:v14+s19+$0x0] =	vst.idx.add.s32.msk vm4, v3  }
0x455: {  	v13 =	vshrl.u32 v10, $0x7;
	vm4 =	vlt.s32 v18, v7;
	v14 =	vshrl.u32 v18, $0x7;
	[tilespmem:v17+s19+$0x0] =	vst.idx.add.s32.msk vm1, v3  }
0x456: {  	vm7 =	vlt.s32 v16, v8;
	vm1 =	vmand vm5, vm3;
	vm3 =	vlt.s32 v19, v8  }
0x457: {  	s5 =	sadd.s32 $0x40, s5;
	vm2 =	vge.s32 v18, v6;
	vm4 =	vmand vm4, vm7;
	vm3 =	vmand vm6, vm3  }
.LBB2_59:
0x458: {  	v8 =	vand.u32 $0xFF, v14  }
0x459: {  	vm5 =	vge.s32 v9, v6;
	v62 =	vand.u32 $0xFF, v12;
	vm2 =	vmand vm4, vm2  }
0x45a: {  	vm15 =	vge.s32 v10, v6;
	v8 =	vor.u32 v2, v8;
	vm1 =	vmand vm1, vm5  }
0x45b: {  	v63 =	vand.u32 $0xFF, v13;
	vm3 =	vmand vm3, vm15;
	v9 =	vor.u32 v2, v62  }
0x45c: {  	v10 =	vor.u32 v2, v63;
	_ =	sdelay $0x1  }
0x45d: {  	[tilespmem:v11+s19+$0x0] =	vst.idx.add.s32.msk vm0, v3  }
0x45e: {  	[tilespmem:v8+s19+$0x0] =	vst.idx.add.s32.msk vm2, v3  }
0x45f: {  	[tilespmem:v9+s19+$0x0] =	vst.idx.add.s32.msk vm1, v3  }
0x460: {  	[tilespmem:v10+s19+$0x0] =	vst.idx.add.s32.msk vm3, v3  }
.LBB2_60:
.Ltmp41:
0x461: {  	(pc) =	sbr.rel @p1 .LBB2_63-.Ltmp41, $1  }
0x462: {  	_ =	sdelay $0x3  }
0x463: {  	s0 =	sshll.u32 s24, $0x2  }
0x464: {  	s0 =	sshra.s32 s0, $0x2  }
0x465: {  	s0 =	sand.u32 $0xFFFFFFC0, s0  }
0x466: {  	v8 =	vmov s25;
	s4 =	sand.u32 $0xFFFFFFC0, s24;
	s5 =	smov.u32 s26;
	s0 =	sadd.s32 $0xC000, s0  }
.LBB2_62:
0x467: {  	v9 =	vld [tilespmem:s0+$0x0];
	_ =	sdelay $0x3  }
0x468: {  	v10 =	vor.u32 s4, v0  }
0x469: {  	vm0 =	vlt.s32 v10, v8;
	vm1 =	vlt.s32 v9, v7  }
0x46a: {  	vm2 =	vge.s32 v9, v6;
	v9 =	vshrl.u32 v9, $0x7;
	vm0 =	vmand vm1, vm0  }
0x46b: {  	s5 =	sadd.s32 $0x1, s5;
	v9 =	vand.u32 $0xFF, v9;
	vm0 =	vmand vm0, vm2  }
0x46c: {  	p2 =	slt.u32 s5, s23;
	v9 =	vor.u32 v2, v9  }
.Ltmp42:
0x46d: {  	_ = 	snop;
	(pc) =	sbr.rel @p2 .LBB2_62-.Ltmp42, $2  }
0x46e: {  	_ =	sdelay $0x2  }
0x46f: {  	s0 =	sadd.s32 $0x10, s0;
	s4 =	sadd.s32 $0x10, s4;
	[tilespmem:v9+s19+$0x0] =	vst.idx.add.s32.msk vm0, v3  }
.LBB2_63:
0x470: {  	s7 =	simm.s32 $0x0;
	s5 =	simm.s32 $0xE000  }
0x471: {  	s6 =	sand.u32 $0xF0, s7;
	v11 =	vld [tilespmem:s5+$0x0]  }
0x472: {  	v10 =	vld [tilespmem:s6+$0xE100]  }
0x473: {  	v12 =	vld [tilespmem:s6+$0xE200]  }
0x474: {  	v13 =	vld [tilespmem:s6+$0xE300]  }
0x475: {  	v14 =	vld [tilespmem:s6+$0xE400]  }
0x476: {  	v15 =	vld [tilespmem:s6+$0xE500]  }
0x477: {  	v10 =	vadd.s32 v11, v10;
	v11 =	vld [tilespmem:s6+$0xE600]  }
0x478: {  	v42 =	vld [tilespmem:s6+$0xE700];
	v10 =	vadd.s32 v12, v10  }
0x479: {  	v43 =	vld [tilespmem:s6+$0xE800];
	v10 =	vadd.s32 v13, v10  }
0x47a: {  	v44 =	vld [tilespmem:s6+$0xE900];
	v10 =	vadd.s32 v14, v10  }
0x47b: {  	v45 =	vld [tilespmem:s6+$0xEA00];
	v10 =	vadd.s32 v15, v10  }
0x47c: {  	v10 =	vadd.s32 v11, v10;
	v11 =	vld [tilespmem:s6+$0xEB00]  }
0x47d: {  	v46 =	vld [tilespmem:s6+$0xEC00];
	v10 =	vadd.s32 v42, v10  }
0x47e: {  	v47 =	vld [tilespmem:s6+$0xED00];
	v10 =	vadd.s32 v43, v10  }
0x47f: {  	v48 =	vld [tilespmem:s6+$0xEE00];
	v10 =	vadd.s32 v44, v10  }
0x480: {  	v49 =	vld [tilespmem:s6+$0xEF00];
	v10 =	vadd.s32 v45, v10  }
0x481: {  	v10 =	vadd.s32 v11, v10  }
0x482: {  	v10 =	vadd.s32 v46, v10  }
0x483: {  	v10 =	vadd.s32 v47, v10  }
0x484: {  	v10 =	vadd.s32 v48, v10  }
0x485: {  	v10 =	vadd.s32 v49, v10  }
0x486: {  	(xrf0) =	vadd.scan.msk.s32 $0xffff, v10;
	_ =	sdelay $0x2  }
0x487: {  	s4 =	simm.s32 $0x10000;
	s9 =	simm.s32 $0x10  }
0x488: {  	s5 =	sand.u32 $0xF0, s9;
	[tilespmem:s4+$0x0] =	vst v10  }
0x489: {  	s4 =	simm.s32 $0xE010;
	v11 =	vld [tilespmem:s5+$0xE100]  }
0x48a: {  	v50 =	vld [tilespmem:s4+$0x0];
	v16, _, _ =	vpop (xrf0)  }
0x48b: {  	v51 =	vld [tilespmem:s5+$0xE200];
	v16 =	vadd.s32 s7, v16  }
0x48c: {  	v52 =	vld [tilespmem:s5+$0xE300];
	v17 =	vxor.u32 $0x80000000, v16  }
0x48d: {  	v10 =	vld [tilespmem:s5+$0xE400];
	(xrf0) =	vmax.scan.msk.u32 $0xffff, v17  }
0x48e: {  	v53 =	vld [tilespmem:s5+$0xE500]  }
0x48f: {  	v54 =	vld [tilespmem:s5+$0xE600];
	v11 =	vadd.s32 v50, v11  }
0x490: {  	v55 =	vld [tilespmem:s5+$0xE700];
	v11 =	vadd.s32 v51, v11  }
0x491: {  	v56 =	vld [tilespmem:s5+$0xE800];
	v11 =	vadd.s32 v52, v11  }
0x492: {  	v10 =	vadd.s32 v10, v11;
	v11 =	vld [tilespmem:s5+$0xE900]  }
0x493: {  	v57 =	vld [tilespmem:s5+$0xEA00];
	v10 =	vadd.s32 v53, v10;
	v63, _, _ =	vpop (xrf0)  }
0x494: {  	v58 =	vld [tilespmem:s5+$0xEB00];
	v10 =	vadd.s32 v54, v10;
	(v2sf) =	vpush v63, $0xF  }
0x495: {  	v59 =	vld [tilespmem:s5+$0xEC00];
	v10 =	vadd.s32 v55, v10  }
0x496: {  	v60 =	vld [tilespmem:s5+$0xED00];
	v10 =	vadd.s32 v56, v10  }
0x497: {  	s28 =	sadd.s32 s28, s30;
	v10 =	vadd.s32 v11, v10;
	v11 =	vld [tilespmem:s5+$0xEE00]  }
0x498: {  	s0 =	ssub.s32 $0x32, s28;
	v61 =	vld [tilespmem:s5+$0xEF00];
	v10 =	vadd.s32 v57, v10  }
0x499: {  	v8 =	vmov s0;
	v10 =	vadd.s32 v58, v10  }
0x49a: {  	vm0 =	vlt.s32 v16, v8;
	v10 =	vadd.s32 v59, v10  }
0x49b: {  	v62 =	vmpcnt.ones.xlane vm0;
	v10 =	vadd.s32 v60, v10  }
0x49c: {  	v9 =	vimm.s32 $0x0;
	s31 =	simm.s32 $0x40;
	v10 =	vadd.s32 v11, v10  }
0x49d: {  	s30 =	simm.s32 $0x10010;
	s0 =	simm.s32 $0x30;
	v9 =	vadd.s32 v9, v62;
	s5 =	simm.s32 $0x20;
	v10 =	vadd.s32 v61, v10  }
.LBB2_64:
0x49e: {  	p2 =	sne.s32 s31, $0xF0;
	[tilespmem:s30+$0x0] =	vst v10;
	(xrf0) =	vadd.scan.msk.s32 $0xffff, v10;
	_ =	sdelay $0x3  }
0x49f: {  	s6 =	sand.u32 $0xF0, s5;
	s5 =	smov.u32 s0;
	s0 =	smov.u32 s31  }
0x4a0: {  	s4 =	sadd.s32 $0x10, s4;
	v10 =	vld [tilespmem:s6+$0xE100];
	s7 =	spop (v2sf)  }
0x4a1: {  	v11 =	vld [tilespmem:s4+$0x0];
	v12, _, _ =	vpop (xrf0);
	s7 =	sxor.u32 $0x80000000, s7  }
0x4a2: {  	v13 =	vld [tilespmem:s6+$0xE200];
	v12 =	vadd.s32 s7, v12  }
0x4a3: {  	v14 =	vld [tilespmem:s6+$0xE300];
	vm0 =	vlt.s32 v12, v8;
	v12 =	vxor.u32 $0x80000000, v12  }
0x4a4: {  	v15 =	vld [tilespmem:s6+$0xE400];
	v16 =	vmpcnt.ones.xlane vm0;
	(xrf0) =	vmax.scan.msk.u32 $0xffff, v12  }
0x4a5: {  	v12 =	vld [tilespmem:s6+$0xE500]  }
0x4a6: {  	v10 =	vadd.s32 v11, v10;
	v11 =	vld [tilespmem:s6+$0xE600];
	v9 =	vadd.s32 v9, v16  }
0x4a7: {  	v10 =	vadd.s32 v13, v10;
	v13 =	vld [tilespmem:s6+$0xE700]  }
0x4a8: {  	v10 =	vadd.s32 v14, v10;
	v14 =	vld [tilespmem:s6+$0xE800]  }
0x4a9: {  	v10 =	vadd.s32 v15, v10;
	v15 =	vld [tilespmem:s6+$0xE900]  }
0x4aa: {  	v10 =	vadd.s32 v12, v10;
	v12 =	vld [tilespmem:s6+$0xEA00];
	v16, _, _ =	vpop (xrf0)  }
0x4ab: {  	v10 =	vadd.s32 v11, v10;
	v11 =	vld [tilespmem:s6+$0xEB00];
	(v2sf) =	vpush v16, $0xF  }
0x4ac: {  	v10 =	vadd.s32 v13, v10;
	v13 =	vld [tilespmem:s6+$0xEC00]  }
0x4ad: {  	v10 =	vadd.s32 v14, v10;
	v14 =	vld [tilespmem:s6+$0xED00]  }
0x4ae: {  	v10 =	vadd.s32 v15, v10;
	v15 =	vld [tilespmem:s6+$0xEE00]  }
0x4af: {  	v10 =	vadd.s32 v12, v10;
	v12 =	vld [tilespmem:s6+$0xEF00]  }
.Ltmp43:
0x4b0: {  	v10 =	vadd.s32 v11, v10;
	(pc) =	sbr.rel @p2 .LBB2_64-.Ltmp43, $4  }
0x4b1: {  	v10 =	vadd.s32 v13, v10  }
0x4b2: {  	v10 =	vadd.s32 v14, v10  }
0x4b3: {  	v10 =	vadd.s32 v15, v10  }
0x4b4: {  	s31 =	sadd.s32 $0x10, s31;
	s30 =	sadd.s32 $0x10, s30;
	v10 =	vadd.s32 v12, v10  }
0x4b5: {  	(xrf0) =	vadd.scan.msk.s32 $0xffff, v10;
	_ =	sdelay $0x3  }
0x4b6: {  	[tilespmem:s30+$0x0] =	vst v10;
	s5 =	sand.u32 $0xF0, s5  }
0x4b7: {  	s6 =	sadd.s32 $0x10, s4;
	v10 =	vld [tilespmem:s5+$0xE100];
	s31 =	spop (v2sf)  }
0x4b8: {  	v11 =	vld [tilespmem:s6+$0x0];
	v12, _, _ =	vpop (xrf0);
	s4 =	sxor.u32 $0x80000000, s31  }
0x4b9: {  	v13 =	vld [tilespmem:s5+$0xE200];
	v12 =	vadd.s32 s4, v12  }
0x4ba: {  	v14 =	vld [tilespmem:s5+$0xE300];
	v15 =	vxor.u32 $0x80000000, v12  }
0x4bb: {  	v16 =	vld [tilespmem:s5+$0xE400];
	(xrf0) =	vmax.scan.msk.u32 $0xffff, v15  }
0x4bc: {  	v41 =	vld [tilespmem:s5+$0xE500]  }
0x4bd: {  	v10 =	vadd.s32 v11, v10;
	v11 =	vld [tilespmem:s5+$0xE600]  }
0x4be: {  	v42 =	vld [tilespmem:s5+$0xE700];
	v10 =	vadd.s32 v13, v10  }
0x4bf: {  	v43 =	vld [tilespmem:s5+$0xE800];
	v10 =	vadd.s32 v14, v10  }
0x4c0: {  	v44 =	vld [tilespmem:s5+$0xE900];
	v10 =	vadd.s32 v16, v10  }
0x4c1: {  	v45 =	vld [tilespmem:s5+$0xEA00];
	v10 =	vadd.s32 v41, v10;
	v17, _, _ =	vpop (xrf0)  }
0x4c2: {  	v10 =	vadd.s32 v11, v10;
	v11 =	vld [tilespmem:s5+$0xEB00];
	(v2sf) =	vpush v17, $0xF  }
0x4c3: {  	v46 =	vld [tilespmem:s5+$0xEC00];
	v10 =	vadd.s32 v42, v10  }
0x4c4: {  	v47 =	vld [tilespmem:s5+$0xED00];
	v10 =	vadd.s32 v43, v10  }
0x4c5: {  	v48 =	vld [tilespmem:s5+$0xEE00];
	v10 =	vadd.s32 v44, v10  }
0x4c6: {  	v49 =	vld [tilespmem:s5+$0xEF00];
	v10 =	vadd.s32 v45, v10  }
0x4c7: {  	v10 =	vadd.s32 v11, v10  }
0x4c8: {  	v10 =	vadd.s32 v46, v10  }
0x4c9: {  	v10 =	vadd.s32 v47, v10  }
0x4ca: {  	v10 =	vadd.s32 v48, v10  }
0x4cb: {  	v10 =	vadd.s32 v49, v10  }
0x4cc: {  	(xrf0) =	vadd.scan.msk.s32 $0xffff, v10;
	_ =	sdelay $0x2  }
0x4cd: {  	s4 =	sadd.s32 $0x10, s30  }
0x4ce: {  	s0 =	sand.u32 $0xF0, s0;
	[tilespmem:s4+$0x0] =	vst v10  }
0x4cf: {  	s7 =	sadd.s32 $0x10, s6;
	v10 =	vld [tilespmem:s0+$0xE100];
	s9 =	spop (v2sf)  }
0x4d0: {  	v11 =	vld [tilespmem:s7+$0x0];
	v50, _, _ =	vpop (xrf0);
	s31 =	sxor.u32 $0x80000000, s9  }
0x4d1: {  	v51 =	vld [tilespmem:s0+$0xE200];
	v13 =	vadd.s32 s31, v50  }
0x4d2: {  	v52 =	vld [tilespmem:s0+$0xE300];
	v53 =	vxor.u32 $0x80000000, v13  }
0x4d3: {  	v54 =	vld [tilespmem:s0+$0xE400];
	(xrf0) =	vmax.scan.msk.u32 $0xffff, v53  }
0x4d4: {  	v55 =	vld [tilespmem:s0+$0xE500]  }
0x4d5: {  	v10 =	vadd.s32 v11, v10;
	v11 =	vld [tilespmem:s0+$0xE600]  }
0x4d6: {  	v56 =	vld [tilespmem:s0+$0xE700];
	v10 =	vadd.s32 v51, v10  }
0x4d7: {  	v57 =	vld [tilespmem:s0+$0xE800];
	v10 =	vadd.s32 v52, v10  }
0x4d8: {  	v58 =	vld [tilespmem:s0+$0xE900];
	v10 =	vadd.s32 v54, v10  }
0x4d9: {  	v59 =	vld [tilespmem:s0+$0xEA00];
	v10 =	vadd.s32 v55, v10;
	v18, _, _ =	vpop (xrf0)  }
0x4da: {  	v10 =	vadd.s32 v11, v10;
	v11 =	vld [tilespmem:s0+$0xEB00];
	(v2sf) =	vpush v18, $0xF  }
0x4db: {  	v60 =	vld [tilespmem:s0+$0xEC00];
	v10 =	vadd.s32 v56, v10  }
0x4dc: {  	v61 =	vld [tilespmem:s0+$0xED00];
	v10 =	vadd.s32 v57, v10  }
0x4dd: {  	v62 =	vld [tilespmem:s0+$0xEE00];
	v10 =	vadd.s32 v58, v10  }
0x4de: {  	v63 =	vld [tilespmem:s0+$0xEF00];
	v10 =	vadd.s32 v59, v10  }
0x4df: {  	v10 =	vadd.s32 v11, v10  }
0x4e0: {  	v10 =	vadd.s32 v60, v10  }
0x4e1: {  	v10 =	vadd.s32 v61, v10  }
0x4e2: {  	v10 =	vadd.s32 v62, v10  }
0x4e3: {  	v10 =	vadd.s32 v63, v10  }
0x4e4: {  	(xrf0) =	vadd.scan.msk.s32 $0xffff, v10;
	_ =	sdelay $0x4  }
0x4e5: {  	s5 =	spop (v2sf)  }
0x4e6: {  	vm0 =	vlt.s32 v12, v8;
	v11, _, _ =	vpop (xrf0);
	s0 =	sxor.u32 $0x80000000, s5  }
0x4e7: {  	v12 =	vmpcnt.ones.xlane vm0;
	vm13 =	vlt.s32 v13, v8;
	v11 =	vadd.s32 s0, v11  }
0x4e8: {  	v13 =	vmpcnt.ones.xlane vm13;
	vm14 =	vlt.s32 v11, v8  }
0x4e9: {  	v8 =	vadd.s32 v9, v12;
	v9 =	vmpcnt.ones.xlane vm14  }
0x4ea: {  	v8 =	vadd.s32 v8, v13  }
0x4eb: {  	v11 =	vxor.u32 $0x80000000, v11;
	v8 =	vadd.s32 v8, v9  }
0x4ec: {  	(xrf0) =	vmax.scan.msk.u32 $0xffff, v11;
	v8 =	vxor.u32 $0x80000000, v8  }
0x4ed: {  	(xrf0) =	vmax.scan.msk.u32 $0xffff, v8;
	_ =	sdelay $0x4  }
0x4ee: {  	v8, _, _ =	vpop (xrf0)  }
0x4ef: {  	(v2sf) =	vpush v8, $0xF;
	v8, _, _ =	vpop (xrf0)  }
0x4f0: {  	(v2sf) =	vpush v8, $0xF;
	_ =	sdelay $0xb  }
0x4f1: {  	s6 =	sadd.s32 $0x10, s4  }
0x4f2: {  	s7 =	simm.s32 $0x10000;
	[tilespmem:s6+$0x0] =	vst v10  }
0x4f3: {  	v10 =	vld [tilespmem:s7+$0x0];
	s9 =	spop (v2sf)  }
0x4f4: {  	s30 =	spop (v2sf)  }
0x4f5: {  	s4 =	simm.s32 $0x0;
	s31 =	sxor.u32 $0x80000000, s30  }
0x4f6: {  	v9 =	vor.u32 s4, v0;
	v8 =	vmov s31  }
0x4f7: {  	vm15 =	vlt.s32 v9, v8  }
0x4f8: {  	s0 =	simm.s32 $0x10;
	s4 =	simm.s32 $0x10010;
	v9 =	vimm.s32 $0x0;
	v10 =	vnsel vm15, $0x0, v10  }
.LBB2_66:
0x4f9: {  	v11 =	vld [tilespmem:s4+$0x0];
	p2 =	sne.s32 s0, $0xF0;
	v9 =	vadd.s32 v9, v10;
	s5 =	smov.u32 s0;
	s0 =	sadd.s32 $0x10, s0  }
.Ltmp44:
0x4fa: {  	(pc) =	sbr.rel @p2 .LBB2_66-.Ltmp44, $4  }
0x4fb: {  	_ = 	snop  }
0x4fc: {  	v10 =	vor.u32 s5, v0  }
0x4fd: {  	vm0 =	vlt.s32 v10, v8  }
0x4fe: {  	s4 =	sadd.s32 $0x10, s4;
	v10 =	vnsel vm0, $0x0, v11  }
0x4ff: {  	v8 =	vadd.s32 v9, v10  }
0x500: {  	(xrf0) =	vadd.scan.msk.s32 $0xffff, v8;
	_ =	sdelay $0x5  }
0x501: {  	v8, _, _ =	vpop (xrf0)  }
0x502: {  	(v2sf) =	vpush v8, $0xF;
	_ =	sdelay $0xa  }
.Ltmp45:
0x503: {  	_ = 	snop;
	(pc) =	sbr.rel @p0 .LBB2_71-.Ltmp45, $2  }
0x504: {  	_ =	sdelay $0x2  }
0x505: {  	s31 =	spop (v2sf)  }
0x506: {  	s4 =	simm.s32 $0xC020  }
0x507: {  	v11 =	vld [tilespmem:s4+$0x10];
	_ =	sdelay $0x1  }
0x508: {  	s0 =	simm.s32 $0x0;
	v9 =	vld [tilespmem:s4+$0xFFFFFFF0]  }
0x509: {  	v8 =	vmov s25;
	s5 =	simm.s32 $0x10;
	s6 =	simm.s32 $0x20;
	s7 =	simm.s32 $0x30;
	v15 =	vor.u32 s0, v0;
	v10 =	vld [tilespmem:s4+$0x0]  }
0x50a: {  	v16 =	vld [tilespmem:s4+$0xFFFFFFE0];
	v12 =	vor.u32 s5, v0;
	v17 =	vor.u32 s6, v0;
	v13 =	vor.u32 s7, v0  }
0x50b: {  	vm1 =	vlt.s32 v12, v8;
	vm0 =	vlt.s32 v13, v8;
	vm2 =	vlt.s32 v11, v7  }
0x50c: {  	p0 =	sgt.u32 s26, $0x4;
	vm3 =	vge.s32 v11, v6;
	v11 =	vshrl.u32 v11, $0x7;
	vm0 =	vmand vm2, vm0  }
.Ltmp46:
0x50d: {  	vm5 =	vlt.s32 v15, v8;
	v11 =	vand.u32 $0xFF, v11;
	vm0 =	vmand vm0, vm3;
	(pc) =	sbr.rel @!p0 .LBB2_70-.Ltmp46, $4  }
0x50e: {  	vm6 =	vlt.s32 v17, v8;
	v12 =	vshrl.u32 v9, $0x7;
	v11 =	vor.u32 v2, v11  }
0x50f: {  	vm4 =	vlt.s32 v16, v7;
	v14 =	vshrl.u32 v16, $0x7;
	v13 =	vshrl.u32 v10, $0x7  }
0x510: {  	vm2 =	vlt.s32 v9, v7;
	vm4 =	vmand vm4, vm5;
	vm3 =	vlt.s32 v10, v7  }
0x511: {  	s4 =	simm.s32 $0x4;
	s5 =	simm.s32 $0xC060;
	vm1 =	vmand vm2, vm1;
	vm2 =	vge.s32 v16, v6;
	vm3 =	vmand vm3, vm6  }
.LBB2_69:
0x512: {  	v15 =	vld [tilespmem:s5+$0x10];
	s4 =	sadd.s32 $0x4, s4;
	v14 =	vand.u32 $0xFF, v14;
	vm5 =	vge.s32 v9, v6;
	v12 =	vand.u32 $0xFF, v12  }
0x513: {  	vm2 =	vmand vm4, vm2;
	vm6 =	vge.s32 v10, v6;
	v13 =	vand.u32 $0xFF, v13;
	p0 =	slt.u32 s4, s26;
	[tilespmem:v11+s19+$0x0] =	vst.idx.add.s32.msk vm0, v5  }
0x514: {  	s0 =	sadd.s32 $0x40, s0;
	v11 =	vor.u32 v2, v14;
	vm4 =	vmand vm1, vm5;
	vm1 =	vmand vm3, vm6;
	v9 =	vld [tilespmem:s5+$0xFFFFFFF0]  }
0x515: {  	v16 =	vor.u32 s0, v0;
	s6 =	sadd.s32 $0x10, s0;
	s7 =	sadd.s32 $0x20, s0;
	s9 =	sadd.s32 $0x30, s0;
	v14 =	vor.u32 v2, v12;
	v17 =	vor.u32 v2, v13;
	v10 =	vld [tilespmem:s5+$0x0]  }
0x516: {  	v12 =	vor.u32 s6, v0;
	v19 =	vor.u32 s7, v0;
	v13 =	vor.u32 s9, v0;
	v18 =	vld [tilespmem:s5+$0xFFFFFFE0]  }
0x517: {  	vm3 =	vlt.s32 v12, v8;
	vm0 =	vlt.s32 v13, v8;
	vm5 =	vlt.s32 v15, v7  }
0x518: {  	vm6 =	vge.s32 v15, v6;
	v12 =	vshrl.u32 v15, $0x7;
	vm0 =	vmand vm5, vm0  }
.Ltmp47:
0x519: {  	v13 =	vand.u32 $0xFF, v12;
	vm5 =	vlt.s32 v9, v7;
	vm0 =	vmand vm0, vm6;
	[tilespmem:v11+s19+$0x0] =	vst.idx.add.s32.msk vm2, v5;
	(pc) =	sbr.rel @p0 .LBB2_69-.Ltmp47, $4  }
0x51a: {  	v12 =	vshrl.u32 v9, $0x7;
	v11 =	vor.u32 v2, v13;
	vm6 =	vlt.s32 v10, v7;
	[tilespmem:v14+s19+$0x0] =	vst.idx.add.s32.msk vm4, v5  }
0x51b: {  	v13 =	vshrl.u32 v10, $0x7;
	vm4 =	vlt.s32 v18, v7;
	v14 =	vshrl.u32 v18, $0x7;
	[tilespmem:v17+s19+$0x0] =	vst.idx.add.s32.msk vm1, v5  }
0x51c: {  	vm7 =	vlt.s32 v16, v8;
	vm1 =	vmand vm5, vm3;
	vm3 =	vlt.s32 v19, v8  }
0x51d: {  	s5 =	sadd.s32 $0x40, s5;
	vm2 =	vge.s32 v18, v6;
	vm4 =	vmand vm4, vm7;
	vm3 =	vmand vm6, vm3  }
.LBB2_70:
0x51e: {  	v8 =	vand.u32 $0xFF, v14  }
0x51f: {  	vm5 =	vge.s32 v9, v6;
	v62 =	vand.u32 $0xFF, v12;
	vm2 =	vmand vm4, vm2  }
0x520: {  	vm15 =	vge.s32 v10, v6;
	v8 =	vor.u32 v2, v8;
	vm1 =	vmand vm1, vm5  }
0x521: {  	v63 =	vand.u32 $0xFF, v13;
	vm3 =	vmand vm3, vm15;
	v9 =	vor.u32 v2, v62  }
0x522: {  	v10 =	vor.u32 v2, v63;
	_ =	sdelay $0x1  }
0x523: {  	[tilespmem:v11+s19+$0x0] =	vst.idx.add.s32.msk vm0, v5  }
0x524: {  	[tilespmem:v8+s19+$0x0] =	vst.idx.add.s32.msk vm2, v5  }
0x525: {  	[tilespmem:v9+s19+$0x0] =	vst.idx.add.s32.msk vm1, v5  }
0x526: {  	[tilespmem:v10+s19+$0x0] =	vst.idx.add.s32.msk vm3, v5  }
.LBB2_71:
.Ltmp48:
0x527: {  	(pc) =	sbr.rel @p1 .LBB2_74-.Ltmp48, $1  }
0x528: {  	_ =	sdelay $0x3  }
0x529: {  	s0 =	sshll.u32 s24, $0x2  }
0x52a: {  	s0 =	sshra.s32 s0, $0x2  }
0x52b: {  	s0 =	sand.u32 $0xFFFFFFC0, s0  }
0x52c: {  	v8 =	vmov s25;
	s4 =	sand.u32 $0xFFFFFFC0, s24;
	s0 =	sadd.s32 $0xC000, s0  }
.LBB2_73:
0x52d: {  	v9 =	vld [tilespmem:s0+$0x0];
	_ =	sdelay $0x3  }
0x52e: {  	v10 =	vor.u32 s4, v0  }
0x52f: {  	vm0 =	vlt.s32 v10, v8;
	vm1 =	vlt.s32 v9, v7  }
0x530: {  	vm2 =	vge.s32 v9, v6;
	v9 =	vshrl.u32 v9, $0x7;
	vm0 =	vmand vm1, vm0  }
0x531: {  	s26 =	sadd.s32 $0x1, s26;
	v9 =	vand.u32 $0xFF, v9;
	vm0 =	vmand vm0, vm2  }
0x532: {  	p0 =	slt.u32 s26, s23;
	v9 =	vor.u32 v2, v9  }
.Ltmp49:
0x533: {  	_ = 	snop;
	(pc) =	sbr.rel @p0 .LBB2_73-.Ltmp49, $2  }
0x534: {  	_ =	sdelay $0x2  }
0x535: {  	s0 =	sadd.s32 $0x10, s0;
	s4 =	sadd.s32 $0x10, s4;
	[tilespmem:v9+s19+$0x0] =	vst.idx.add.s32.msk vm0, v5  }
.LBB2_74:
0x536: {  	[tilespmem:$0x11200] =	vst v4  }
0x537: {  	[tilespmem:$0x11210] =	vst v4;
	s26 =	sand.u32 $0xFFFFFFE, s23  }
0x538: {  	[tilespmem:$0x11220] =	vst v4;
	p0 =	seq.s32 s26, $0x0  }
.Ltmp50:
0x539: {  	v8 =	vimm.s32 $0x0;
	[tilespmem:$0x11230] =	vst v4;
	(pc) =	sbr.rel @p0 .LBB2_79-.Ltmp50, $4  }
0x53a: {  	s0 =	sshll.u32 s30, $0x7;
	[tilespmem:$0x11280] =	vst v8  }
0x53b: {  	[tilespmem:$0x11290] =	vst v8;
	s0 =	sadd.s32 s29, s0  }
0x53c: {  	[tilespmem:$0x112A0] =	vst v8;
	s4 =	sadd.s32 $0x80, s0  }
0x53d: {  	s28 =	sadd.s32 s28, s31;
	v9 =	vimm.s32 $0x0;
	[tilespmem:$0x112B0] =	vst v8;
	v6 =	vmov s0;
	v7 =	vmov s4  }
0x53e: {  	v8 =	vmov s28  }
0x53f: {  	s0 =	simm.s32 $0xC010;
	v8 =	vadd.s32 $0xFFFFFFFF, v8  }
0x540: {  	v10 =	vbroadcast v8, $0x0;
	v8 =	vld [tilespmem:s0+$0x0]  }
0x541: {  	v9 =	vld [tilespmem:s0+$0xFFFFFFF0]  }
0x542: {  	s4 =	simm.s32 $0x10  }
0x543: {  	v12 =	vmov s25;
	s31 =	simm.s32 $0x0;
	v11 =	vor.u32 s4, v0  }
0x544: {  	v20 =	vimm.s32 $0x0;
	p1 =	sgt.u32 s26, $0x2;
	vm1 =	vlt.s32 v11, v12;
	v11 =	vor.u32 s31, v0  }
.Ltmp51:
0x545: {  	vm0 =	vlt.s32 v8, v7;
	vm2 =	vlt.s32 v8, v6;
	vm3 =	vge.s32 v8, v6;
	(pc) =	sbr.rel @!p1 .LBB2_76-.Ltmp51, $4  }
0x546: {  	vm0 =	vmand vm0, vm1;
	vm7 =	vmand vm1, vm2;
	vm2 =	vlt.s32 v9, v7  }
0x547: {  	vm1 =	vmand vm0, vm3;
	vm0 =	vlt.s32 v9, v6;
	vm3 =	vlt.s32 v11, v12  }
0x548: {  	vm4 =	vge.s32 v9, v6;
	vm6 =	vmand vm3, vm0;
	vm0 =	vmand vm2, vm3  }
0x549: {  	s29 =	simm.s32 $0xD010;
	p0 =	por $0x0, $0x0;
	v21 =	vsel vm7, $0x1, v1;
	vm9 =	vmand vm0, vm4;
	v19 =	vsel vm6, $0x1, v1  }
0x54a: {  	v11 =	vmpcnt.ones.xlane vm6  }
0x54b: {  	v13 =	vsel vm1, $0x1, v1;
	vm0 =	vmmov vm7;
	s31 =	simm.s32 $0xC030;
	vm5 =	vmmov vm6  }
0x54c: {  	vm4 =	vmmov vm9;
	vm2 =	vmmov vm1;
	v14 =	vmpcnt.ones.xlane vm0;
	v16 =	vld [tilespmem:s31+$0x0]  }
0x54d: {  	vm3 =	vmmov vm6;
	(xrf0) =	vadd.scan.msk.s32 $0xffff, v13;
	v23 =	vld [tilespmem:s31+$0xFFFFFFF0];
	v13 =	vadd.s32 v20, v11;
	v11 =	vmpcnt.ones.xlane vm9  }
0x54e: {  	s0 =	simm.s32 $0x30;
	v15 =	vsel vm4, $0x1, v1;
	(xrf0) =	vadd.scan.msk.s32 $0xffff, v21;
	v17 =	vadd.s32 v13, v14;
	v14 =	vmpcnt.ones.xlane vm2  }
0x54f: {  	v18 =	vadd.s32 v20, v10;
	v21 =	vor.u32 s0, v0;
	(xrf0) =	vadd.scan.msk.s32 $0xffff, v15;
	v11 =	vadd.s32 v20, v11  }
0x550: {  	s4 =	simm.s32 $0x20;
	vm8 =	vlt.s32 v21, v12;
	(xrf0) =	vadd.scan.msk.s32 $0xffff, v19;
	v22 =	vadd.s32 v11, v10;
	v15 =	vadd.s32 v11, v14  }
0x551: {  	v14 =	vor.u32 s4, v0;
	vm1 =	vlt.s32 v16, v6;
	vm6 =	vlt.s32 v16, v7  }
0x552: {  	p1 =	sgt.u32 s26, $0x4;
	vm9 =	vge.s32 v16, v6;
	vm10 =	vlt.s32 v14, v12;
	vm11 =	vge.s32 v23, v6  }
.Ltmp52:
0x553: {  	v11, _, _ =	vpop (xrf0);
	vm7 =	vmand vm8, vm1;
	vm1 =	vmand vm6, vm8;
	vm6 =	vlt.s32 v23, v6;
	(pc) =	sbr.rel @!p1 .LBB2_86-.Ltmp52, $4  }
0x554: {  	v11 =	vadd.s32 v11, v22;
	v22, _, _ =	vpop (xrf0);
	vm1 =	vmand vm1, vm9;
	vm9 =	vlt.s32 v23, v7  }
0x555: {  	v21 =	vsel vm7, $0x1, v1;
	vm6 =	vmand vm10, vm6;
	v19, _, _ =	vpop (xrf0);
	vm9 =	vmand vm9, vm10  }
0x556: {  	s5 =	simm.s32 $0x4;
	vm8 =	vlt.s32 v11, $0x32;
	v14 =	vadd.s32 v19, v18;
	v18, _, _ =	vpop (xrf0);
	vm9 =	vmand vm9, vm11  }
0x557: {  	p0 =	por $0x1, $0x1;
	s30 =	simm.s32 $0xD010;
	s4 =	simm.s32 $0xD010;
	v19 =	vsel vm6, $0x1, v1;
	vm10 =	vlt.s32 v14, $0x32;
	v25 =	vadd.s32 v18, v20;
	v18 =	vmovc v17  }
.LBB2_87:
0x558: {  	v20 =	vmpcnt.ones.xlane vm6;
	v24 =	vsel vm1, $0x1, v1;
	v25 =	vadd.s32 $0xFFFFFFFF, v25  }
0x559: {  	s5 =	sadd.s32 $0x2, s5;
	s30 =	sadd.s32 $0x20, s30;
	vm11 =	vmmov vm0;
	vm0 =	vmmov vm7;
	vm7 =	vmmov vm5  }
0x55a: {  	vm10 =	vmand vm4, vm10;
	v22 =	vadd.s32 v22, v13;
	p1 =	slt.u32 s5, s26;
	v26 =	vmpcnt.ones.xlane vm0;
	(xrf0) =	vadd.scan.msk.s32 $0xffff, v24;
	v24 =	vld [tilespmem:s4+$0xFFFFFFF0]  }
0x55b: {  	s31 =	sadd.s32 $0x20, s31;
	vm5 =	vmmov vm6;
	v13 =	vadd.s32 v17, v20;
	(xrf0) =	vadd.scan.msk.s32 $0xffff, v21;
	v20 =	vld [tilespmem:s4+$0x0];
	v21 =	vadd.s32 $0xFFFFFFFF, v22;
	s4 =	smov.u32 s30  }
0x55c: {  	vm12 =	vmand vm2, vm8;
	vm2 =	vmmov vm1;
	v27 =	vld [tilespmem:s31+$0x0];
	v17 =	vadd.s32 v13, v26  }
0x55d: {  	vm4 =	vmmov vm9;
	v22 =	vmpcnt.ones.xlane vm9  }
0x55e: {  	v31 =	vmpcnt.ones.xlane vm2;
	v26 =	vsel vm4, $0x1, v1;
	[tilespmem:v25+s17+$0x0] =	vst.idx.msk vm3, v9;
	vm3 =	vmmov vm6  }
0x55f: {  	v29 =	vadd.s32 v15, v10;
	s0 =	sadd.s32 $0x20, s0;
	v15 =	vadd.s32 v15, v22;
	(xrf0) =	vadd.scan.msk.s32 $0xffff, v26;
	[tilespmem:v25+s18+$0x0] =	vst.idx.msk vm7, v24  }
0x560: {  	v30 =	vadd.s32 v15, v10;
	v15 =	vadd.s32 v15, v31;
	v26 =	vor.u32 s0, v0;
	v25 =	vld [tilespmem:s31+$0xFFFFFFF0];
	v28, _, _ =	vpop (xrf0);
	[tilespmem:v21+s17+$0x0] =	vst.idx.msk vm11, v8  }
0x561: {  	vm1 =	vlt.s32 v27, v6;
	vm6 =	vlt.s32 v27, v7;
	(xrf0) =	vadd.scan.msk.s32 $0xffff, v19;
	v22, _, _ =	vpop (xrf0);
	[tilespmem:v21+s18+$0x0] =	vst.idx.msk vm11, v20  }
0x562: {  	vm8 =	vlt.s32 v26, v12;
	vm9 =	vge.s32 v27, v6;
	[tilespmem:v14+s17+$0x0] =	vst.idx.msk vm10, v9;
	v9 =	vmov v23  }
0x563: {  	s6 =	sadd.s32 $0xFFFFFFF0, s0;
	v19 =	vadd.s32 v28, v30;
	vm7 =	vmand vm8, vm1;
	vm1 =	vmand vm6, vm8;
	[tilespmem:v11+s17+$0x0] =	vst.idx.msk vm12, v8;
	v8 =	vmovc v16  }
.Ltmp53:
0x564: {  	vm8 =	vlt.s32 v19, $0x32;
	vm1 =	vmand vm1, vm9;
	v21 =	vsel vm7, $0x1, v1;
	v16 =	vmovc v27;
	[tilespmem:v11+s18+$0x0] =	vst.idx.msk vm12, v20;
	v11 =	vmovc v19;
	(pc) =	sbr.rel @p1 .LBB2_87-.Ltmp53, $4  }
0x565: {  	v19 =	vor.u32 s6, v0;
	vm6 =	vlt.s32 v25, v6;
	vm9 =	vlt.s32 v25, v7;
	v20, _, _ =	vpop (xrf0);
	[tilespmem:v14+s18+$0x0] =	vst.idx.msk vm10, v24  }
0x566: {  	vm10 =	vlt.s32 v19, v12;
	vm11 =	vge.s32 v25, v6;
	v23 =	vmovc v25;
	v14 =	vadd.s32 v20, v29  }
0x567: {  	vm6 =	vmand vm10, vm6;
	vm9 =	vmand vm9, vm10;
	vm10 =	vlt.s32 v14, $0x32;
	v20, _, _ =	vpop (xrf0)  }
0x568: {  	vm9 =	vmand vm9, vm11;
	v19 =	vsel vm6, $0x1, v1;
	v25 =	vadd.s32 v20, v18;
	v18 =	vmovc v17  }
0x569: {  	v24 =	vmovc v9;
	v12 =	vmovc v8;
	v20 =	vmov v17;
	v9 =	vmov v23;
	v8 =	vmov v16  }
.LBB2_89:
0x56a: {  	v16 =	vsel vm1, $0x1, v1;
	vm11 =	vmmov vm9  }
0x56b: {  	vm12 =	vmmov @p0 vm0;
	v13 =	vadd.s32 @p0 v22, v13;
	(xrf0) =	vadd.scan.msk.s32 $0xffff, v16;
	v16 =	vadd.s32 @p0 $0xFFFFFFFF, v25  }
0x56c: {  	vm5 =	vmmov @p0 vm5;
	v51 =	vsel vm11, $0x1, v1;
	v13 =	vadd.s32 @p0 $0xFFFFFFFF, v13;
	(xrf0) =	vadd.scan.msk.s32 $0xffff, v21  }
0x56d: {  	v17 =	vld @p0 [tilespmem:s4+$0xFFFFFFF0];
	(xrf0) =	vadd.scan.msk.s32 $0xffff, v51  }
0x56e: {  	vm0 =	vmand @p0 vm4, vm10;
	vm4 =	vmand @p0 vm2, vm8;
	v21 =	vld @p0 [tilespmem:s4+$0x0];
	(xrf0) =	vadd.scan.msk.s32 $0xffff, v19;
	_ =	sdelay $0x1  }
0x56f: {  	v53 =	vmpcnt.ones.xlane vm6;
	v54 =	vmpcnt.ones.xlane vm9;
	[tilespmem:v16+s17+$0x0] =	vst.idx.msk @p0 vm3, v24  }
0x570: {  	vm2 =	vmmov vm7;
	v55 =	vadd.s32 v15, v10;
	[tilespmem:v13+s17+$0x0] =	vst.idx.msk @p0 vm12, v12;
	v52, _, _ =	vpop (xrf0)  }
0x571: {  	vm14 =	vmmov vm2;
	v20 =	vadd.s32 v20, v53;
	v57 =	vadd.s32 v15, v54;
	[tilespmem:v16+s18+$0x0] =	vst.idx.msk @p0 vm5, v17;
	v23, _, _ =	vpop (xrf0)  }
0x572: {  	s0 =	sadd.s32 @p0 $0x20, s30;
	v10 =	vadd.s32 v57, v10;
	vm3 =	vmmov vm6;
	[tilespmem:v13+s18+$0x0] =	vst.idx.msk @p0 vm12, v21;
	v26, _, _ =	vpop (xrf0);
	v61 =	vadd.s32 v23, v20  }
0x573: {  	s29 =	smov.u32 @p0 s0;
	vm13 =	vmmov vm3;
	v10 =	vadd.s32 v52, v10;
	[tilespmem:v11+s17+$0x0] =	vst.idx.msk @p0 vm4, v12;
	v56, _, _ =	vpop (xrf0);
	v62 =	vadd.s32 $0xFFFFFFFF, v61  }
0x574: {  	vm12 =	vmmov vm1;
	[tilespmem:v11+s18+$0x0] =	vst.idx.msk @p0 vm4, v21;
	v11 =	vld [tilespmem:s29+$0x0];
	v59 =	vadd.s32 v26, v55;
	v16 =	vadd.s32 v56, v18  }
0x575: {  	vm13 =	vlt.s32 v10, $0x32;
	vm15 =	vlt.s32 v59, $0x32;
	v58 =	vadd.s32 $0xFFFFFFFF, v16  }
0x576: {  	v60 =	vld [tilespmem:s29+$0xFFFFFFF0];
	[tilespmem:v14+s17+$0x0] =	vst.idx.msk @p0 vm0, v24;
	vm14 =	vmand vm11, vm15;
	vm15 =	vmand vm12, vm13  }
0x577: {  	[tilespmem:v14+s18+$0x0] =	vst.idx.msk @p0 vm0, v17  }
0x578: {  	[tilespmem:v62+s17+$0x0] =	vst.idx.msk vm2, v8  }
0x579: {  	[tilespmem:v62+s18+$0x0] =	vst.idx.msk vm2, v11  }
0x57a: {  	[tilespmem:v58+s17+$0x0] =	vst.idx.msk vm3, v9  }
0x57b: {  	[tilespmem:v58+s18+$0x0] =	vst.idx.msk vm3, v60  }
0x57c: {  	[tilespmem:v10+s17+$0x0] =	vst.idx.msk vm15, v8  }
0x57d: {  	v63 =	vmpcnt.ones.xlane vm12;
	[tilespmem:v59+s17+$0x0] =	vst.idx.msk vm14, v9;
	v9 =	vmpcnt.ones.xlane vm2  }
0x57e: {  	[tilespmem:v10+s18+$0x0] =	vst.idx.msk vm15, v11  }
0x57f: {  	[tilespmem:v59+s18+$0x0] =	vst.idx.msk vm14, v60;
	v8 =	vadd.s32 v20, v9;
	v9 =	vadd.s32 v57, v63  }
.LBB2_79:
0x580: {  	p0 =	seq.s32 s26, s23  }
.Ltmp54:
0x581: {  	_ = 	snop;
	(pc) =	sbr.rel @p0 .LBB2_82-.Ltmp54, $1  }
0x582: {  	_ =	sdelay $0x3  }
0x583: {  	s0 =	sshll.u32 s24, $0x2  }
0x584: {  	v10 =	vmov s28;
	s0 =	sshra.s32 s0, $0x2  }
0x585: {  	v11 =	vadd.s32 $0xFFFFFFFF, v10;
	s4 =	sand.u32 $0xFFFFFFE0, s0  }
0x586: {  	s5 =	sand.u32 $0xFFFFFFE0, s24;
	v10 =	vmov s25;
	v11 =	vbroadcast v11, $0x0;
	s0 =	sadd.s32 $0xC000, s4;
	s4 =	sadd.s32 $0xD000, s4  }
.LBB2_81:
0x587: {  	v12 =	vld [tilespmem:s0+$0x0];
	_ =	sdelay $0x3  }
0x588: {  	v13 =	vor.u32 s5, v0  }
0x589: {  	vm0 =	vlt.s32 v13, v10;
	vm1 =	vlt.s32 v12, v6;
	vm2 =	vlt.s32 v12, v7  }
0x58a: {  	vm3 =	vge.s32 v12, v6;
	vm1 =	vmand vm0, vm1;
	vm0 =	vmand vm2, vm0  }
0x58b: {  	vm0 =	vmand vm0, vm3;
	v59 =	vsel vm1, $0x1, v1  }
0x58c: {  	(xrf0) =	vadd.scan.msk.s32 $0xffff, v59;
	v60 =	vsel vm0, $0x1, v1  }
0x58d: {  	(xrf0) =	vadd.scan.msk.s32 $0xffff, v60;
	_ =	sdelay $0x4  }
0x58e: {  	v61, _, _ =	vpop (xrf0)  }
0x58f: {  	v15 =	vadd.s32 v9, v11;
	v14, _, _ =	vpop (xrf0)  }
0x590: {  	v13 =	vadd.s32 v61, v8;
	v14 =	vadd.s32 v14, v15  }
0x591: {  	v13 =	vadd.s32 $0xFFFFFFFF, v13;
	vm15 =	vlt.s32 v14, $0x32  }
0x592: {  	v62 =	vld [tilespmem:s4+$0x0];
	vm2 =	vmand vm0, vm15  }
0x593: {  	s26 =	sadd.s32 $0x1, s26  }
0x594: {  	p0 =	slt.u32 s26, s23  }
.Ltmp55:
0x595: {  	_ = 	snop;
	(pc) =	sbr.rel @p0 .LBB2_81-.Ltmp55, $4  }
0x596: {  	[tilespmem:v13+s17+$0x0] =	vst.idx.msk vm1, v12  }
0x597: {  	v63 =	vmpcnt.ones.xlane vm1;
	v16 =	vmpcnt.ones.xlane vm0;
	[tilespmem:v13+s18+$0x0] =	vst.idx.msk vm1, v62  }
0x598: {  	[tilespmem:v14+s17+$0x0] =	vst.idx.msk vm2, v12  }
0x599: {  	s0 =	sadd.s32 $0x10, s0;
	s4 =	sadd.s32 $0x10, s4;
	s5 =	sadd.s32 $0x10, s5;
	v9 =	vadd.s32 v9, v16;
	v8 =	vadd.s32 v8, v63;
	[tilespmem:v14+s18+$0x0] =	vst.idx.msk vm2, v62  }
.Ltmp56:
0x59a: {  	_ = 	snop;
	(pc) =	sbr.rel .LBB2_82-.Ltmp56, $1  }
0x59b: {  	_ =	sdelay $0x3  }
.LBB2_7:
.Ltmp57:
0x59c: {  	(pc) =	sbr.rel .LBB2_16-.Ltmp57, $2  }
0x59d: {  	_ =	sdelay $0x2  }
0x59e: {  	s28 =	simm.s32 $0x10000;
	s26 =	simm.s32 $0x0;
	s29 =	simm.s32 $0xE000;
	v11 =	vimm.s32 $0x0  }
.LBB2_9:
.Ltmp58:
0x59f: {  	(pc) =	sbr.rel .LBB2_16-.Ltmp58, $3  }
0x5a0: {  	_ =	sdelay $0x1  }
0x5a1: {  	s28 =	simm.s32 $0x10000  }
0x5a2: {  	s4 =	simm.s32 $0x0;
	s26 =	simm.s32 $0x10;
	s29 =	simm.s32 $0xE000;
	v11 =	vimm.s32 $0x0  }
.LBB2_11:
.Ltmp59:
0x5a3: {  	(pc) =	sbr.rel .LBB2_16-.Ltmp59, $2  }
0x5a4: {  	_ =	sdelay $0x2  }
0x5a5: {  	v13 =	vmov v12;
	s28 =	simm.s32 $0x10000;
	s4 =	simm.s32 $0x10;
	s29 =	simm.s32 $0xE000;
	v11 =	vimm.s32 $0x0  }
.LBB2_13:
.Ltmp60:
0x5a6: {  	(pc) =	sbr.rel .LBB2_16-.Ltmp60, $2  }
0x5a7: {  	_ =	sdelay $0x2  }
0x5a8: {  	s4 =	simm.s32 $0x20;
	s26 =	simm.s32 $0x30  }
.LBB2_76:
.Ltmp61:
0x5a9: {  	(pc) =	sbr.rel .LBB2_89-.Ltmp61, $2  }
0x5aa: {  	_ =	sdelay $0x2  }
0x5ab: {  	s30 =	simm.s32 $0xD010;
	v15 =	vimm.s32 $0x0;
	v18 =	vimm.s32 $0x0  }
.LBB2_86:
.Ltmp62:
0x5ac: {  	(pc) =	sbr.rel .LBB2_89-.Ltmp62, $3  }
0x5ad: {  	_ =	sdelay $0x1  }
0x5ae: {  	v24 =	vmov v9  }
0x5af: {  	v12 =	vmovc v8;
	s30 =	simm.s32 $0xD010;
	s4 =	simm.s32 $0xD010;
	v20 =	vmovc v17;
	v9 =	vmov v23;
	v8 =	vmov v16;
	v18 =	vmov v17  }
.LBB2_84:
0x5b0: {  	_ =	sfence.sel $0x180000  }
0x5b1: {  	[bflag:$0x0] =	sbarrier.arrive $0xFFFF  }
0x5b2: {  	_ =	strace $0x90000047  }
0x5b3: {  	s0 =	stileid.u32;
	[bflag:$0x2] =	sbarrier.arrive $0xFFFF  }
0x5b4: {  	p0 =	sne.s32 s0, $0x0;
	s0 =	rddreg [dreg:$0x3]  }
0x5b5: {  	s0 =	sadd.s32 @!p0 $0x100000, s0  }
0x5b6: {  	[sflag:s0] =	ssyncadd.tile.s32 @!p0 $0x1;
	_ =	shalt  }
.Lfunc_end2:
_tile_overlayer_lowered:
.L_overlay_start_2:
0x5b7: {  	(tag) =	ssettag $0x2  }
0x5b8: {  	s0 =	rddreg [dreg:$0x0];
	s2 =	stileid.u32  }
0x5b9: {  	s1 =	rddreg [dreg:$0x1];
	p0 =	sne.s32 s2, $0x0  }
0x5ba: {  	s3 =	rddreg [dreg:$0x2];
	[bflag:$0x3] =	sbarrier.arrive $0xFFFF;
	s2 =	simm.s32 @!p0 $0x1C01  }
0x5bb: {  	[timem:s3], [sflag:s2] =	dma.local @!p0 [hbm:s0], s1  }
0x5bc: {  	s0 =	simm.s32 @!p0 $0x1  }
0x5bd: {  	_ =	swait.ge @!p0 [sflag:s0], s1  }
0x5be: {  	s1 =	ssub.s32 @!p0 $0x0, s1;
	[sflag:s0] =	ssyncset.done @!p0 $0x0  }
0x5bf: {  	[sflag:s0] =	ssyncadd.s32 @!p0 s1  }
0x5c0: {  	[bflag:$0x3] =	sbarrier.arrive $0xFFFF  }
0x5c1: {  	_ =	shalt  }

</sc_bundles>
